<compile_context>
chip_gen: v7x
topology: tpu7x:2x2x1
jax: 0.10.2.dev20260603
libtpu: 0.0.44.dev20260713+nightly
codegen_flags: <defaults>
</compile_context>

<pallas_src>
import functools

import jax
import jax.numpy as jnp
from jax import lax
from jax.experimental import pallas as pl
from jax.experimental.pallas import tpu as pltpu
from jax.experimental.pallas import tpu_sc as plsc

N = 10000
E = 160000
D_IN = 256
D_HID = 256
D_OUT = 64

NP = 10240
BM = 1024
NC = 2
NS = 16
NPT = NP // NS

_MESH = plsc.VectorSubcoreMesh(core_axis_name="c", subcore_axis_name="s")


_EPW = E // (NC * NS)


def _deg_body(src_hbm, dst_hbm, degp_hbm, idx_s, idx_d, acc_s, acc_d,
              shr, red, pbuf, sem):
    c = lax.axis_index("c")
    s = lax.axis_index("s")
    w = c * NS + s

    zero16 = jnp.zeros((16,), jnp.float32)

    def zero_body(j, _):
        acc_s[pl.ds(j * 16, 16)] = zero16
        acc_d[pl.ds(j * 16, 16)] = zero16
        return _
    lax.fori_loop(0, NP // 16, zero_body, None)

    pltpu.sync_copy(src_hbm.at[pl.ds(w * _EPW, _EPW)], idx_s)
    pltpu.sync_copy(dst_hbm.at[pl.ds(w * _EPW, _EPW)], idx_d)

    ones16 = jnp.ones((16,), jnp.float32)
    nfull = _EPW // 16

    def scat_body(j, _):
        i_s = idx_s[pl.ds(j * 16, 16)]
        i_d = idx_d[pl.ds(j * 16, 16)]
        plsc.addupdate_scatter(acc_s, [i_s], ones16)
        plsc.addupdate_scatter(acc_d, [i_d], ones16)
        return _
    lax.fori_loop(0, nfull, scat_body, None)

    rem = _EPW - nfull * 16
    if rem:
        tailmask = lax.iota(jnp.int32, 16) >= (16 - rem)
        i_s = idx_s[pl.ds(_EPW - 16, 16)]
        i_d = idx_d[pl.ds(_EPW - 16, 16)]
        plsc.addupdate_scatter(acc_s, [i_s], ones16, mask=tailmask)
        plsc.addupdate_scatter(acc_d, [i_d], ones16, mask=tailmask)

    pltpu.sync_copy(acc_s, shr.at[0, s])
    pltpu.sync_copy(acc_d, shr.at[1, s])
    plsc.subcore_barrier()

    for a in range(2):
        pltpu.sync_copy(shr.at[a, :, pl.ds(s * NPT, NPT)], red)

        def red_body(q, _):
            v = red[0, pl.ds(q * 16, 16)]
            for r in range(1, NS):
                v = v + red[r, pl.ds(q * 16, 16)]
            pbuf[pl.ds(q * 16, 16)] = v
            return _
        lax.fori_loop(0, NPT // 16, red_body, None)
        pltpu.sync_copy(pbuf, degp_hbm.at[a, c, pl.ds(s * NPT, NPT)])


@functools.partial(
    pl.kernel,
    out_type=jax.ShapeDtypeStruct((2, NC, NP), jnp.float32),
    mesh=_MESH,
    compiler_params=pltpu.CompilerParams(needs_layout_passes=False),
    scratch_types=[
        pltpu.VMEM((_EPW,), jnp.int32),
        pltpu.VMEM((_EPW,), jnp.int32),
        pltpu.VMEM((NP,), jnp.float32),
        pltpu.VMEM((NP,), jnp.float32),
        pltpu.VMEM_SHARED((2, NS, NP), jnp.float32),
        pltpu.VMEM((NS, NPT), jnp.float32),
        pltpu.VMEM((NPT,), jnp.float32),
        pltpu.SemaphoreType.DMA,
    ],
)
def _deg_kernel(src_hbm, dst_hbm, degp_hbm, idx_s, idx_d, acc_s, acc_d,
                shr, red, pbuf, sem):
    _deg_body(src_hbm, dst_hbm, degp_hbm, idx_s, idx_d, acc_s, acc_d,
              shr, red, pbuf, sem)


_EPT = E // NS
_CK = 125
_NCH = _EPT // _CK


def _zero_rows(rows, nrow):
    zero16 = jnp.zeros((16,), jnp.float32)

    def zrow(r, _):
        def zcol(q, __):
            rows[r, pl.ds(q * 16, 16)] = zero16
            return __
        return lax.fori_loop(0, 128 // 16, zcol, _)
    lax.fori_loop(0, nrow, zrow, None)


def _zero_acc_slice(rows, acc, s, ck):
    nfull = NPT // ck
    rem = NPT - nfull * ck

    def zacc(j, _):
        pltpu.sync_copy(rows, acc.at[pl.ds(s * NPT + j * ck, ck)])
        return _
    lax.fori_loop(0, nfull, zacc, None)
    if rem:
        pltpu.sync_copy(rows.at[pl.ds(0, rem)],
                        acc.at[pl.ds(s * NPT + nfull * ck, rem)])


def _prop_pipeline_streamed(h_hbm, acc, src_idx, idx_d2, is0, is1, r0, r1,
                            gs0, gs1, ss0, ss1, iss0, iss1, nch):
    def fire_i(i, ib, isem):
        pltpu.async_copy(src_idx.at[i], ib, isem)

    def wait_i(i, ib, isem):
        pltpu.make_async_copy(src_idx.at[i], ib, isem).wait()

    def fire_g(ib, buf, gsem):
        pltpu.async_copy(h_hbm.at[ib], buf, gsem)

    def wait_g(ib, buf, gsem):
        pltpu.make_async_copy(h_hbm.at[ib], buf, gsem).wait()

    def fire_s(i, buf, ssem):
        pltpu.async_copy(buf, acc.at[idx_d2.at[i]], ssem, add=True)

    def wait_s(i, buf, ssem):
        pltpu.make_async_copy(buf, acc.at[idx_d2.at[i]], ssem).wait()

    fire_i(0, is0, iss0)
    fire_i(1, is1, iss1)
    wait_i(0, is0, iss0)
    fire_g(is0, r0, gs0)
    wait_i(1, is1, iss1)
    fire_g(is1, r1, gs1)

    def half(i, ib, isem, rb, gsem, ssem):
        wait_g(ib, rb, gsem)

        @pl.when(i + 2 < nch)
        def _():
            fire_i(i + 2, ib, isem)

        fire_s(i, rb, ssem)
        wait_s(i, rb, ssem)

        @pl.when(i + 2 < nch)
        def _():
            wait_i(i + 2, ib, isem)
            fire_g(ib, rb, gsem)

    def body(p, _):
        half(2 * p, is0, iss0, r0, gs0, ss0)
        half(2 * p + 1, is1, iss1, r1, gs1, ss1)
        return _
    lax.fori_loop(0, nch // 2, body, None)


def _prop_scratch(ck, nch):
    return [
        pltpu.VMEM((nch, ck), jnp.int32),
        pltpu.VMEM((ck,), jnp.int32),
        pltpu.VMEM((ck,), jnp.int32),
        pltpu.VMEM((ck, 128), jnp.float32),
        pltpu.VMEM((ck, 128), jnp.float32),
        pltpu.VMEM_SHARED((NP, 128), jnp.float32),
        pltpu.SemaphoreType.DMA,
        pltpu.SemaphoreType.DMA,
        pltpu.SemaphoreType.DMA,
        pltpu.SemaphoreType.DMA,
        pltpu.SemaphoreType.DMA,
        pltpu.SemaphoreType.DMA,
    ]


def _prop_body(h_hbm, src4_hbm, dst3_at, agg_out_at, ck, nch,
               idx_d2, is0, is1, r0, r1, acc, gs0, gs1, ss0, ss1, iss0,
               iss1):
    c = lax.axis_index("c")
    s = lax.axis_index("s")

    pltpu.sync_copy(dst3_at(c, s), idx_d2)

    _zero_rows(r0, ck)
    _zero_acc_slice(r0, acc, s, ck)
    plsc.subcore_barrier()

    _prop_pipeline_streamed(h_hbm, acc, src4_hbm.at[c, s], idx_d2,
                            is0, is1, r0, r1, gs0, gs1, ss0, ss1, iss0, iss1,
                            nch)

    plsc.subcore_barrier()
    pltpu.sync_copy(acc.at[pl.ds(s * NPT, NPT)], agg_out_at(c, s))


@functools.partial(
    pl.kernel,
    out_type=jax.ShapeDtypeStruct((2 * NP, 128), jnp.float32),
    mesh=_MESH,
    scratch_types=_prop_scratch(_CK, _NCH),
)
def _prop_col_kernel(h_hbm, src4_hbm, dst3_hbm, agg_hbm, *scr):
    _prop_body(h_hbm, src4_hbm,
               lambda c, s: dst3_hbm.at[s],
               lambda c, s: agg_hbm.at[pl.ds(c * NP + s * NPT, NPT)],
               _CK, _NCH, *scr)


_EPW3 = E // (NC * NS)
_CK3 = 125
_NCH3 = _EPW3 // _CK3


@functools.partial(
    pl.kernel,
    out_type=jax.ShapeDtypeStruct((NC, NP, 128), jnp.float32),
    mesh=_MESH,
    scratch_types=_prop_scratch(_CK3, _NCH3),
)
def _prop_edge_kernel(h_hbm, src4_hbm, dst4_hbm, aggp_hbm, *scr):
    _prop_body(h_hbm, src4_hbm,
               lambda c, s: dst4_hbm.at[c, s],
               lambda c, s: aggp_hbm.at[c, pl.ds(s * NPT, NPT)],
               _CK3, _NCH3, *scr)


def _mm1_body(x_ref, dsa_ref, dsb_ref, w_ref, o_ref):
    ns = lax.rsqrt(jnp.maximum(dsa_ref[...] + dsb_ref[...], 1.0))
    o_ref[...] = jnp.dot(x_ref[...] * ns, w_ref[...],
                         preferred_element_type=jnp.float32)


def _mm1(x, dsa, dsb, w1):
    nb = NP // BM
    return pl.pallas_call(
        _mm1_body,
        grid=(nb, 2),
        in_specs=[
            pl.BlockSpec((BM, D_IN), lambda i, j: (i, 0)),
            pl.BlockSpec((BM, 1), lambda i, j: (i, 0)),
            pl.BlockSpec((BM, 1), lambda i, j: (i, 0)),
            pl.BlockSpec((D_IN, 128), lambda i, j: (0, j)),
        ],
        out_specs=pl.BlockSpec((BM, 128), lambda i, j: (j * nb + i, 0)),
        out_shape=jax.ShapeDtypeStruct((2 * NP, 128), jnp.float32),
    )(x, dsa, dsb, w1)


def _mm_mid_body(a_ref, dsa_ref, dsb_ref, dda_ref, ddb_ref, b_ref, w_ref,
                 o_ref):
    k = pl.program_id(2)
    ns = lax.rsqrt(jnp.maximum(dsa_ref[...] + dsb_ref[...], 1.0))
    nd = lax.rsqrt(jnp.maximum(dda_ref[...] + ddb_ref[...], 1.0))
    xb = jnp.maximum(a_ref[...] * (ns * nd) + ns * b_ref[0], 0.0)
    part = jnp.dot(xb, w_ref[...], preferred_element_type=jnp.float32)

    @pl.when(k == 0)
    def _():
        o_ref[...] = part

    @pl.when(k != 0)
    def _():
        o_ref[...] += part


def _mm_mid(agg, dsa, dsb, dda, ddb, b2d, w):
    nb = NP // BM
    return pl.pallas_call(
        _mm_mid_body,
        grid=(nb, 2, 2),
        in_specs=[
            pl.BlockSpec((BM, 128), lambda i, j, k: (k * nb + i, 0)),
            pl.BlockSpec((BM, 1), lambda i, j, k: (i, 0)),
            pl.BlockSpec((BM, 1), lambda i, j, k: (i, 0)),
            pl.BlockSpec((BM, 1), lambda i, j, k: (i, 0)),
            pl.BlockSpec((BM, 1), lambda i, j, k: (i, 0)),
            pl.BlockSpec((1, 1, 128), lambda i, j, k: (k, 0, 0)),
            pl.BlockSpec((128, 128), lambda i, j, k: (k, j)),
        ],
        out_specs=pl.BlockSpec((BM, 128), lambda i, j, k: (j * nb + i, 0)),
        out_shape=jax.ShapeDtypeStruct((2 * NP, 128), jnp.float32),
    )(agg, dsa, dsb, dda, ddb, b2d, w)


def _mm3_body(a_ref, dsa_ref, dsb_ref, dda_ref, ddb_ref, b_ref, w_ref,
              o_ref):
    k = pl.program_id(1)
    ns = lax.rsqrt(jnp.maximum(dsa_ref[...] + dsb_ref[...], 1.0))
    nd = lax.rsqrt(jnp.maximum(dda_ref[...] + ddb_ref[...], 1.0))
    xb = jnp.maximum(a_ref[...] * (ns * nd) + ns * b_ref[0], 0.0)
    part = jnp.dot(xb, w_ref[...], preferred_element_type=jnp.float32)

    @pl.when(k == 0)
    def _():
        o_ref[...] = part

    @pl.when(k != 0)
    def _():
        o_ref[...] += part


def _mm3(agg, dsa, dsb, dda, ddb, b2d, w3):
    nb = NP // BM
    return pl.pallas_call(
        _mm3_body,
        grid=(nb, 2),
        in_specs=[
            pl.BlockSpec((BM, 128), lambda i, k: (k * nb + i, 0)),
            pl.BlockSpec((BM, 1), lambda i, k: (i, 0)),
            pl.BlockSpec((BM, 1), lambda i, k: (i, 0)),
            pl.BlockSpec((BM, 1), lambda i, k: (i, 0)),
            pl.BlockSpec((BM, 1), lambda i, k: (i, 0)),
            pl.BlockSpec((1, 1, 128), lambda i, k: (k, 0, 0)),
            pl.BlockSpec((128, 128), lambda i, k: (k, 0)),
        ],
        out_specs=pl.BlockSpec((BM, 128), lambda i, k: (i, 0)),
        out_shape=jax.ShapeDtypeStruct((NP, 128), jnp.float32),
    )(agg, dsa, dsb, dda, ddb, b2d, w3)


def _epi_body(ap_ref, dda_ref, ddb_ref, b_ref, o_ref):
    nd = lax.rsqrt(jnp.maximum(dda_ref[...] + ddb_ref[...], 1.0))
    o_ref[...] = (ap_ref[0, :, :D_OUT] + ap_ref[1, :, :D_OUT]) * nd + b_ref[...]


def _epi(aggp, dda, ddb, b3):
    nb = NP // BM
    return pl.pallas_call(
        _epi_body,
        grid=(nb,),
        in_specs=[
            pl.BlockSpec((2, BM, 128), lambda i: (0, i, 0)),
            pl.BlockSpec((BM, 1), lambda i: (i, 0)),
            pl.BlockSpec((BM, 1), lambda i: (i, 0)),
            pl.BlockSpec((1, D_OUT), lambda i: (0, 0)),
        ],
        out_specs=pl.BlockSpec((BM, D_OUT), lambda i: (i, 0)),
        out_shape=jax.ShapeDtypeStruct((NP, D_OUT), jnp.float32),
    )(aggp, dda, ddb, b3)


def kernel(features, edge_index, W1, b1, W2, b2, W3, b3):
    src = edge_index[0]
    dst = edge_index[1]
    srcoff = jnp.concatenate([src, src + NP]).reshape(NC, NS, _NCH, _CK)
    dst3 = dst.reshape(NS, _NCH, _CK)
    src4 = src.reshape(NC, NS, _NCH3, _CK3)
    dst4 = dst.reshape(NC, NS, _NCH3, _CK3)

    x = jnp.pad(features, ((0, NP - N), (0, 0)))

    degp = _deg_kernel(src, dst)
    dsa = degp[0, 0].reshape(NP, 1)
    dsb = degp[0, 1].reshape(NP, 1)
    dda = degp[1, 0].reshape(NP, 1)
    ddb = degp[1, 1].reshape(NP, 1)

    h1 = _mm1(x, dsa, dsb, W1)
    agg1 = _prop_col_kernel(h1, srcoff, dst3)
    h2 = _mm_mid(agg1, dsa, dsb, dda, ddb, b1.reshape(2, 1, 128), W2)
    agg2 = _prop_col_kernel(h2, srcoff, dst3)
    w3p = jnp.pad(W3, ((0, 0), (0, 128 - D_OUT)))
    h3 = _mm3(agg2, dsa, dsb, dda, ddb, b2.reshape(2, 1, 128), w3p)
    aggp3 = _prop_edge_kernel(h3, src4, dst4)
    out = _epi(aggp3, dda, ddb, b3.reshape(1, D_OUT))
    return out[:N]

# --- scband reference (transcript-rebuilt; emitter-appended) ---
"""Pipeline reference for scband-gcn-2791728743068 (READ-ONLY COPY).

The authoritative reference and input builder live on the scoring server;
editing this copy changes nothing except your own understanding.
"""

import jax, jax.numpy as jnp
import numpy as np

N = 10000
E = 160000
D_IN = 256
D_HID = 256
D_OUT = 64


def setup_inputs(seed: int = 0) -> dict:
    key = jax.random.key(seed)
    ks = jax.random.split(key, 9)
    features = jax.random.normal(ks[0], (N, D_IN), dtype=jnp.float32)
    edge_index = jax.random.randint(ks[1], (2, E), 0, N, dtype=jnp.int32)
    W1 = jax.random.normal(ks[2], (D_IN, D_HID), dtype=jnp.float32) * (1.0 / np.sqrt(D_IN))
    b1 = jnp.zeros((D_HID,), dtype=jnp.float32)
    W2 = jax.random.normal(ks[3], (D_HID, D_HID), dtype=jnp.float32) * (1.0 / np.sqrt(D_HID))
    b2 = jnp.zeros((D_HID,), dtype=jnp.float32)
    W3 = jax.random.normal(ks[4], (D_HID, D_OUT), dtype=jnp.float32) * (1.0 / np.sqrt(D_HID))
    b3 = jnp.zeros((D_OUT,), dtype=jnp.float32)
    return {"features": features, "edge_index": edge_index,
            "W1": W1, "b1": b1, "W2": W2, "b2": b2, "W3": W3, "b3": b3}


def _gcn_layer(x, src, dst, W, b):
    # DGL GraphConv with norm='both':
    # h = D_in^{-1/2} * A * D_out^{-1/2} * x * W + b
    ones = jnp.ones((src.shape[0],), dtype=jnp.float32)
    deg_out = jax.ops.segment_sum(ones, src, num_segments=N)
    deg_in = jax.ops.segment_sum(ones, dst, num_segments=N)
    norm_src = jax.lax.rsqrt(jnp.clip(deg_out, 1.0, None))
    norm_dst = jax.lax.rsqrt(jnp.clip(deg_in, 1.0, None))
    h = x * norm_src[:, None]
    h = h @ W
    m = jnp.take(h, src, axis=0)
    agg = jax.ops.segment_sum(m, dst, num_segments=N)
    return agg * norm_dst[:, None] + b


def reference(features, edge_index, W1, b1, W2, b2, W3, b3):
    src = edge_index[0]
    dst = edge_index[1]
    x = _gcn_layer(features, src, dst, W1, b1)
    x = jax.nn.relu(x)
    # dropout p=0.0 (eval) -> identity
    x = _gcn_layer(x, src, dst, W2, b2)
    x = jax.nn.relu(x)
    x = _gcn_layer(x, src, dst, W3, b3)
    return x

if __name__ == "__main__":
    import jax
    _d = setup_inputs()
    print(jax.jit(kernel)(*tuple(_d.values())))

</pallas_src>

<mosaic_0001>
#map = affine_map<(d0, d1) -> (0, 0)>
#map1 = affine_map<(d0, d1) -> (0, 0, 0, 0)>
#map2 = affine_map<(d0, d1) -> (0, 0, 0)>
module attributes {stable_mosaic.version = 14 : i64} {
  func.func @_prop_edge_kernel(%arg0: i32, %arg1: i32, %arg2: memref<10240x128xf32, #tpu.memory_space<hbm>>, %arg3: memref<2x16x40x125xi32, #tpu.memory_space<hbm>>, %arg4: memref<2x16x40x125xi32, #tpu.memory_space<hbm>>, %arg5: memref<2x10240x128xf32, #tpu.memory_space<hbm>>, %arg6: memref<40x125xi32, #tpu.memory_space<vmem>>, %arg7: memref<125xi32, #tpu.memory_space<vmem>>, %arg8: memref<125xi32, #tpu.memory_space<vmem>>, %arg9: memref<125x128xf32, #tpu.memory_space<vmem>>, %arg10: memref<125x128xf32, #tpu.memory_space<vmem>>, %arg11: memref<10240x128xf32, #tpu.memory_space<vmem_shared>>, %arg12: memref<!tpu.dma_semaphore, #tpu.memory_space<semaphore_mem>>, %arg13: memref<!tpu.dma_semaphore, #tpu.memory_space<semaphore_mem>>, %arg14: memref<!tpu.dma_semaphore, #tpu.memory_space<semaphore_mem>>, %arg15: memref<!tpu.dma_semaphore, #tpu.memory_space<semaphore_mem>>, %arg16: memref<!tpu.dma_semaphore, #tpu.memory_space<semaphore_mem>>, %arg17: memref<!tpu.dma_semaphore, #tpu.memory_space<semaphore_mem>>) attributes {dimension_semantics = [#tpu.dimension_semantics<core_parallel>, #tpu.dimension_semantics<subcore_parallel>], iteration_bounds = array<i64: 2, 16>, scalar_prefetch = 0 : i64, scratch_operands = 12 : i64, tpu.core_type = #tpu.core_type<sc_vector_subcore>, window_params = [{transform_indices = #map}, {transform_indices = #map1}, {transform_indices = #map1}, {transform_indices = #map2}]} {
    "tpu.region"() ({
      %run_scoped3A = tpu.sem_alloc : memref<!tpu.dma_semaphore, #tpu.memory_space<semaphore_mem>>
      %dma_start3A_86 = arith.constant 0 : i32
      %dma_start3A_87 = arith.constant 0 : i32
      %dma_start3A_88 = tpu.memref_slice %arg4[%arg0, %arg1, %dma_start3A_86, %dma_start3A_87] : memref<2x16x40x125xi32, #tpu.memory_space<hbm>> -> memref<1x1x40x125xi32, #tpu.memory_space<hbm>>
      %dma_start3A_89 = tpu.memref_squeeze %dma_start3A_88 : memref<1x1x40x125xi32, #tpu.memory_space<hbm>> -> memref<40x125xi32, #tpu.memory_space<hbm>>
      %dma_start3A_90 = arith.constant 0 : i32
      %dma_start3A_91 = arith.constant 0 : i32
      %dma_start3A_92 = tpu.memref_slice %arg4[%arg0, %arg1, %dma_start3A_90, %dma_start3A_91] : memref<2x16x40x125xi32, #tpu.memory_space<hbm>> -> memref<1x1x40x125xi32, #tpu.memory_space<hbm>>
      %dma_start3A_93 = tpu.memref_squeeze %dma_start3A_92 : memref<1x1x40x125xi32, #tpu.memory_space<hbm>> -> memref<40x125xi32, #tpu.memory_space<hbm>>
      tpu.enqueue_dma source(%dma_start3A_93 : memref<40x125xi32, #tpu.memory_space<hbm>>) target(%arg6 : memref<40x125xi32, #tpu.memory_space<vmem>>) target_semaphore(%run_scoped3A : memref<!tpu.dma_semaphore, #tpu.memory_space<semaphore_mem>>)
      %dma_wait3A_94 = arith.constant 0 : i32
      %dma_wait3A_95 = arith.constant 0 : i32
      %dma_wait3A_96 = tpu.memref_slice %arg4[%arg0, %arg1, %dma_wait3A_94, %dma_wait3A_95] : memref<2x16x40x125xi32, #tpu.memory_space<hbm>> -> memref<1x1x40x125xi32, #tpu.memory_space<hbm>>
      %dma_wait3A_97 = tpu.memref_squeeze %dma_wait3A_96 : memref<1x1x40x125xi32, #tpu.memory_space<hbm>> -> memref<40x125xi32, #tpu.memory_space<hbm>>
      %dma_wait3A_98 = arith.constant 0 : i32
      %dma_wait3A_99 = arith.constant 0 : i32
      %dma_wait3A_100 = tpu.memref_slice %arg4[%arg0, %arg1, %dma_wait3A_98, %dma_wait3A_99] : memref<2x16x40x125xi32, #tpu.memory_space<hbm>> -> memref<1x1x40x125xi32, #tpu.memory_space<hbm>>
      %dma_wait3A_101 = tpu.memref_squeeze %dma_wait3A_100 : memref<1x1x40x125xi32, #tpu.memory_space<hbm>> -> memref<40x125xi32, #tpu.memory_space<hbm>>
      tpu.wait_dma2 semaphore(%run_scoped3A : memref<!tpu.dma_semaphore, #tpu.memory_space<semaphore_mem>>) src(%dma_wait3A_101 : memref<40x125xi32, #tpu.memory_space<hbm>>) dst(%arg6 : memref<40x125xi32, #tpu.memory_space<vmem>>)
      tpu.yield
    }) : () -> ()
    %broadcast_in_dim3A = arith.constant 0.000000e+00 : f32
    %broadcast_in_dim3A_0 = vector.broadcast %broadcast_in_dim3A : f32 to vector<16xf32>
    %scan3A = arith.constant 0 : i32
    %scan3A_1 = arith.constant 125 : i32
    %scan3A_2 = arith.addi %scan3A, %scan3A_1 : i32
    %scan3A_3 = arith.constant 1 : i32
    scf.for %scan3A_86 = %scan3A to %scan3A_2 step %scan3A_3  : i32 {
      %scan3A_87 = arith.constant 0 : i32
      %scan3A_88 = arith.constant 8 : i32
      %scan3A_89 = arith.addi %scan3A_87, %scan3A_88 : i32
      %scan3A_90 = arith.constant 1 : i32
      scf.for %scan3A_92 = %scan3A_87 to %scan3A_89 step %scan3A_90  : i32 {
        %mul3A_93 = arith.constant 16 : i32
        %mul3A_94 = arith.muli %scan3A_92, %mul3A_93 : i32
        %swap3A = arith.index_cast %scan3A_86 : i32 to index
        %swap3A_95 = arith.index_cast %mul3A_94 : i32 to index
        %swap3A_96 = tpu.vector_load %arg9[%swap3A, %swap3A_95] {strides = array<i32>} : memref<125x128xf32, #tpu.memory_space<vmem>>, vector<1x16xf32>,
        %swap3A_97 = vector.shape_cast %swap3A_96 : vector<1x16xf32> to vector<16xf32>
        %swap3A_98 = vector.shape_cast %broadcast_in_dim3A_0 : vector<16xf32> to vector<1x16xf32>
        tpu.vector_store %arg9[%swap3A, %swap3A_95], %swap3A_98 {strides = array<i32>} : memref<125x128xf32, #tpu.memory_space<vmem>>, vector<1x16xf32>,
      }
      %scan3A_91 = arith.constant 8 : i32
    }
    %scan3A_4 = arith.constant 125 : i32
    %scan3A_5 = arith.constant 0 : i32
    %scan3A_6 = arith.constant 5 : i32
    %scan3A_7 = arith.addi %scan3A_5, %scan3A_6 : i32
    %scan3A_8 = arith.constant 1 : i32
    scf.for %scan3A_86 = %scan3A_5 to %scan3A_7 step %scan3A_8  : i32 {
      %mul3A_87 = arith.constant 640 : i32
      %mul3A_88 = arith.muli %arg1, %mul3A_87 : i32
      %mul3A_89 = arith.constant 125 : i32
      %mul3A_90 = arith.muli %scan3A_86, %mul3A_89 : i32
      %add3A_91 = arith.addi %mul3A_88, %mul3A_90 : i32
      "tpu.region"() ({
        %run_scoped3A = tpu.sem_alloc : memref<!tpu.dma_semaphore, #tpu.memory_space<semaphore_mem>>
        %dma_start3A_92 = arith.constant 0 : i32
        %dma_start3A_93 = tpu.memref_slice %arg11[%add3A_91, %dma_start3A_92] : memref<10240x128xf32, #tpu.memory_space<vmem_shared>> -> memref<125x128xf32, #tpu.memory_space<vmem_shared>>
        %dma_start3A_94 = arith.constant 0 : i32
        %dma_start3A_95 = tpu.memref_slice %arg11[%add3A_91, %dma_start3A_94] : memref<10240x128xf32, #tpu.memory_space<vmem_shared>> -> memref<125x128xf32, #tpu.memory_space<vmem_shared>>
        tpu.enqueue_dma source(%arg9 : memref<125x128xf32, #tpu.memory_space<vmem>>) target(%dma_start3A_95 : memref<125x128xf32, #tpu.memory_space<vmem_shared>>) target_semaphore(%run_scoped3A : memref<!tpu.dma_semaphore, #tpu.memory_space<semaphore_mem>>)
        %dma_wait3A_96 = arith.constant 0 : i32
        %dma_wait3A_97 = tpu.memref_slice %arg11[%add3A_91, %dma_wait3A_96] : memref<10240x128xf32, #tpu.memory_space<vmem_shared>> -> memref<125x128xf32, #tpu.memory_space<vmem_shared>>
        %dma_wait3A_98 = arith.constant 0 : i32
        %dma_wait3A_99 = tpu.memref_slice %arg11[%add3A_91, %dma_wait3A_98] : memref<10240x128xf32, #tpu.memory_space<vmem_shared>> -> memref<125x128xf32, #tpu.memory_space<vmem_shared>>
        tpu.wait_dma2 semaphore(%run_scoped3A : memref<!tpu.dma_semaphore, #tpu.memory_space<semaphore_mem>>) src(%arg9 : memref<125x128xf32, #tpu.memory_space<vmem>>) dst(%dma_wait3A_99 : memref<125x128xf32, #tpu.memory_space<vmem_shared>>)
        tpu.yield
      }) : () -> ()
    }
    %scan3A_9 = arith.constant 5 : i32
    %mul3A = arith.constant 640 : i32
    %mul3A_10 = arith.muli %arg1, %mul3A : i32
    %add3A = arith.constant 625 : i32
    %add3A_11 = arith.addi %mul3A_10, %add3A : i32
    "tpu.region"() ({
      %run_scoped3A = tpu.sem_alloc : memref<!tpu.dma_semaphore, #tpu.memory_space<semaphore_mem>>
      %dma_start3A_86 = arith.constant 0 : i32
      %dma_start3A_87 = arith.constant 0 : i32
      %dma_start3A_88 = tpu.memref_slice %arg9[%dma_start3A_86, %dma_start3A_87] : memref<125x128xf32, #tpu.memory_space<vmem>> -> memref<15x128xf32, #tpu.memory_space<vmem>>
      %dma_start3A_89 = arith.constant 0 : i32
      %dma_start3A_90 = tpu.memref_slice %arg11[%add3A_11, %dma_start3A_89] : memref<10240x128xf32, #tpu.memory_space<vmem_shared>> -> memref<15x128xf32, #tpu.memory_space<vmem_shared>>
      %dma_start3A_91 = arith.constant 0 : i32
      %dma_start3A_92 = tpu.memref_slice %arg11[%add3A_11, %dma_start3A_91] : memref<10240x128xf32, #tpu.memory_space<vmem_shared>> -> memref<15x128xf32, #tpu.memory_space<vmem_shared>>
      %dma_start3A_93 = arith.constant 0 : i32
      %dma_start3A_94 = arith.constant 0 : i32
      %dma_start3A_95 = tpu.memref_slice %arg9[%dma_start3A_93, %dma_start3A_94] : memref<125x128xf32, #tpu.memory_space<vmem>> -> memref<15x128xf32, #tpu.memory_space<vmem>>
      tpu.enqueue_dma source(%dma_start3A_95 : memref<15x128xf32, #tpu.memory_space<vmem>>) target(%dma_start3A_92 : memref<15x128xf32, #tpu.memory_space<vmem_shared>>) target_semaphore(%run_scoped3A : memref<!tpu.dma_semaphore, #tpu.memory_space<semaphore_mem>>)
      %dma_wait3A_96 = arith.constant 0 : i32
      %dma_wait3A_97 = arith.constant 0 : i32
      %dma_wait3A_98 = tpu.memref_slice %arg9[%dma_wait3A_96, %dma_wait3A_97] : memref<125x128xf32, #tpu.memory_space<vmem>> -> memref<15x128xf32, #tpu.memory_space<vmem>>
      %dma_wait3A_99 = arith.constant 0 : i32
      %dma_wait3A_100 = tpu.memref_slice %arg11[%add3A_11, %dma_wait3A_99] : memref<10240x128xf32, #tpu.memory_space<vmem_shared>> -> memref<15x128xf32, #tpu.memory_space<vmem_shared>>
      %dma_wait3A_101 = arith.constant 0 : i32
      %dma_wait3A_102 = tpu.memref_slice %arg11[%add3A_11, %dma_wait3A_101] : memref<10240x128xf32, #tpu.memory_space<vmem_shared>> -> memref<15x128xf32, #tpu.memory_space<vmem_shared>>
      %dma_wait3A_103 = arith.constant 0 : i32
      %dma_wait3A_104 = arith.constant 0 : i32
      %dma_wait3A_105 = tpu.memref_slice %arg9[%dma_wait3A_103, %dma_wait3A_104] : memref<125x128xf32, #tpu.memory_space<vmem>> -> memref<15x128xf32, #tpu.memory_space<vmem>>
      tpu.wait_dma2 semaphore(%run_scoped3A : memref<!tpu.dma_semaphore, #tpu.memory_space<semaphore_mem>>) src(%dma_wait3A_105 : memref<15x128xf32, #tpu.memory_space<vmem>>) dst(%dma_wait3A_102 : memref<15x128xf32, #tpu.memory_space<vmem_shared>>)
      tpu.yield
    }) : () -> ()
    %barrier3A = arith.constant 0 : index
    tpu.barrier barrier_id(%barrier3A)
    %dma_start3A = arith.constant 0 : i32
    %dma_start3A_12 = arith.constant 0 : i32
    %dma_start3A_13 = arith.constant 0 : i32
    %dma_start3A_14 = tpu.memref_slice %arg3[%arg0, %arg1, %dma_start3A_12, %dma_start3A_13] : memref<2x16x40x125xi32, #tpu.memory_space<hbm>> -> memref<1x1x40x125xi32, #tpu.memory_space<hbm>>
    %dma_start3A_15 = tpu.memref_squeeze %dma_start3A_14 : memref<1x1x40x125xi32, #tpu.memory_space<hbm>> -> memref<40x125xi32, #tpu.memory_space<hbm>>
    %dma_start3A_16 = arith.constant 0 : i32
    %dma_start3A_17 = tpu.memref_slice %dma_start3A_15[%dma_start3A, %dma_start3A_16] : memref<40x125xi32, #tpu.memory_space<hbm>> -> memref<1x125xi32, #tpu.memory_space<hbm>>
    %dma_start3A_18 = tpu.memref_squeeze %dma_start3A_17 : memref<1x125xi32, #tpu.memory_space<hbm>> -> memref<125xi32, #tpu.memory_space<hbm>>
    %dma_start3A_19 = arith.constant 0 : i32
    %dma_start3A_20 = arith.constant 0 : i32
    %dma_start3A_21 = tpu.memref_slice %arg3[%arg0, %arg1, %dma_start3A_19, %dma_start3A_20] : memref<2x16x40x125xi32, #tpu.memory_space<hbm>> -> memref<1x1x40x125xi32, #tpu.memory_space<hbm>>
    %dma_start3A_22 = tpu.memref_squeeze %dma_start3A_21 : memref<1x1x40x125xi32, #tpu.memory_space<hbm>> -> memref<40x125xi32, #tpu.memory_space<hbm>>
    %dma_start3A_23 = arith.constant 0 : i32
    %dma_start3A_24 = tpu.memref_slice %dma_start3A_22[%dma_start3A, %dma_start3A_23] : memref<40x125xi32, #tpu.memory_space<hbm>> -> memref<1x125xi32, #tpu.memory_space<hbm>>
    %dma_start3A_25 = tpu.memref_squeeze %dma_start3A_24 : memref<1x125xi32, #tpu.memory_space<hbm>> -> memref<125xi32, #tpu.memory_space<hbm>>
    tpu.enqueue_dma source(%dma_start3A_25 : memref<125xi32, #tpu.memory_space<hbm>>) target(%arg7 : memref<125xi32, #tpu.memory_space<vmem>>) target_semaphore(%arg16 : memref<!tpu.dma_semaphore, #tpu.memory_space<semaphore_mem>>)
    %dma_start3A_26 = arith.constant 1 : i32
    %dma_start3A_27 = arith.constant 0 : i32
    %dma_start3A_28 = arith.constant 0 : i32
    %dma_start3A_29 = tpu.memref_slice %arg3[%arg0, %arg1, %dma_start3A_27, %dma_start3A_28] : memref<2x16x40x125xi32, #tpu.memory_space<hbm>> -> memref<1x1x40x125xi32, #tpu.memory_space<hbm>>
    %dma_start3A_30 = tpu.memref_squeeze %dma_start3A_29 : memref<1x1x40x125xi32, #tpu.memory_space<hbm>> -> memref<40x125xi32, #tpu.memory_space<hbm>>
    %dma_start3A_31 = arith.constant 0 : i32
    %dma_start3A_32 = tpu.memref_slice %dma_start3A_30[%dma_start3A_26, %dma_start3A_31] : memref<40x125xi32, #tpu.memory_space<hbm>> -> memref<1x125xi32, #tpu.memory_space<hbm>>
    %dma_start3A_33 = tpu.memref_squeeze %dma_start3A_32 : memref<1x125xi32, #tpu.memory_space<hbm>> -> memref<125xi32, #tpu.memory_space<hbm>>
    %dma_start3A_34 = arith.constant 0 : i32
    %dma_start3A_35 = arith.constant 0 : i32
    %dma_start3A_36 = tpu.memref_slice %arg3[%arg0, %arg1, %dma_start3A_34, %dma_start3A_35] : memref<2x16x40x125xi32, #tpu.memory_space<hbm>> -> memref<1x1x40x125xi32, #tpu.memory_space<hbm>>
    %dma_start3A_37 = tpu.memref_squeeze %dma_start3A_36 : memref<1x1x40x125xi32, #tpu.memory_space<hbm>> -> memref<40x125xi32, #tpu.memory_space<hbm>>
    %dma_start3A_38 = arith.constant 0 : i32
    %dma_start3A_39 = tpu.memref_slice %dma_start3A_37[%dma_start3A_26, %dma_start3A_38] : memref<40x125xi32, #tpu.memory_space<hbm>> -> memref<1x125xi32, #tpu.memory_space<hbm>>
    %dma_start3A_40 = tpu.memref_squeeze %dma_start3A_39 : memref<1x125xi32, #tpu.memory_space<hbm>> -> memref<125xi32, #tpu.memory_space<hbm>>
    tpu.enqueue_dma source(%dma_start3A_40 : memref<125xi32, #tpu.memory_space<hbm>>) target(%arg8 : memref<125xi32, #tpu.memory_space<vmem>>) target_semaphore(%arg17 : memref<!tpu.dma_semaphore, #tpu.memory_space<semaphore_mem>>)
    %dma_wait3A = arith.constant 0 : i32
    %dma_wait3A_41 = arith.constant 0 : i32
    %dma_wait3A_42 = arith.constant 0 : i32
    %dma_wait3A_43 = tpu.memref_slice %arg3[%arg0, %arg1, %dma_wait3A_41, %dma_wait3A_42] : memref<2x16x40x125xi32, #tpu.memory_space<hbm>> -> memref<1x1x40x125xi32, #tpu.memory_space<hbm>>
    %dma_wait3A_44 = tpu.memref_squeeze %dma_wait3A_43 : memref<1x1x40x125xi32, #tpu.memory_space<hbm>> -> memref<40x125xi32, #tpu.memory_space<hbm>>
    %dma_wait3A_45 = arith.constant 0 : i32
    %dma_wait3A_46 = tpu.memref_slice %dma_wait3A_44[%dma_wait3A, %dma_wait3A_45] : memref<40x125xi32, #tpu.memory_space<hbm>> -> memref<1x125xi32, #tpu.memory_space<hbm>>
    %dma_wait3A_47 = tpu.memref_squeeze %dma_wait3A_46 : memref<1x125xi32, #tpu.memory_space<hbm>> -> memref<125xi32, #tpu.memory_space<hbm>>
    %dma_wait3A_48 = arith.constant 0 : i32
    %dma_wait3A_49 = arith.constant 0 : i32
    %dma_wait3A_50 = tpu.memref_slice %arg3[%arg0, %arg1, %dma_wait3A_48, %dma_wait3A_49] : memref<2x16x40x125xi32, #tpu.memory_space<hbm>> -> memref<1x1x40x125xi32, #tpu.memory_space<hbm>>
    %dma_wait3A_51 = tpu.memref_squeeze %dma_wait3A_50 : memref<1x1x40x125xi32, #tpu.memory_space<hbm>> -> memref<40x125xi32, #tpu.memory_space<hbm>>
    %dma_wait3A_52 = arith.constant 0 : i32
    %dma_wait3A_53 = tpu.memref_slice %dma_wait3A_51[%dma_wait3A, %dma_wait3A_52] : memref<40x125xi32, #tpu.memory_space<hbm>> -> memref<1x125xi32, #tpu.memory_space<hbm>>
    %dma_wait3A_54 = tpu.memref_squeeze %dma_wait3A_53 : memref<1x125xi32, #tpu.memory_space<hbm>> -> memref<125xi32, #tpu.memory_space<hbm>>
    tpu.wait_dma2 semaphore(%arg16 : memref<!tpu.dma_semaphore, #tpu.memory_space<semaphore_mem>>) src(%dma_wait3A_54 : memref<125xi32, #tpu.memory_space<hbm>>) dst(%arg7 : memref<125xi32, #tpu.memory_space<vmem>>)
    %dma_start3A_55 = arith.constant 0 : i32
    %dma_start3A_56 = arith.constant 0 : i32
    %dma_start3A_57 = tpu.memref_slice %arg2[%dma_start3A_55, %dma_start3A_56] : memref<10240x128xf32, #tpu.memory_space<hbm>> -> memref<10240x128xf32, #tpu.memory_space<hbm>>
    tpu.enqueue_indirect_dma source(%dma_start3A_57 : memref<10240x128xf32, #tpu.memory_space<hbm>>) target(%arg9 : memref<125x128xf32, #tpu.memory_space<vmem>>) offsets(%arg7 : memref<125xi32, #tpu.memory_space<vmem>>) semaphore(%arg12 : memref<!tpu.dma_semaphore, #tpu.memory_space<semaphore_mem>>)
    %dma_wait3A_58 = arith.constant 1 : i32
    %dma_wait3A_59 = arith.constant 0 : i32
    %dma_wait3A_60 = arith.constant 0 : i32
    %dma_wait3A_61 = tpu.memref_slice %arg3[%arg0, %arg1, %dma_wait3A_59, %dma_wait3A_60] : memref<2x16x40x125xi32, #tpu.memory_space<hbm>> -> memref<1x1x40x125xi32, #tpu.memory_space<hbm>>
    %dma_wait3A_62 = tpu.memref_squeeze %dma_wait3A_61 : memref<1x1x40x125xi32, #tpu.memory_space<hbm>> -> memref<40x125xi32, #tpu.memory_space<hbm>>
    %dma_wait3A_63 = arith.constant 0 : i32
    %dma_wait3A_64 = tpu.memref_slice %dma_wait3A_62[%dma_wait3A_58, %dma_wait3A_63] : memref<40x125xi32, #tpu.memory_space<hbm>> -> memref<1x125xi32, #tpu.memory_space<hbm>>
    %dma_wait3A_65 = tpu.memref_squeeze %dma_wait3A_64 : memref<1x125xi32, #tpu.memory_space<hbm>> -> memref<125xi32, #tpu.memory_space<hbm>>
    %dma_wait3A_66 = arith.constant 0 : i32
    %dma_wait3A_67 = arith.constant 0 : i32
    %dma_wait3A_68 = tpu.memref_slice %arg3[%arg0, %arg1, %dma_wait3A_66, %dma_wait3A_67] : memref<2x16x40x125xi32, #tpu.memory_space<hbm>> -> memref<1x1x40x125xi32, #tpu.memory_space<hbm>>
    %dma_wait3A_69 = tpu.memref_squeeze %dma_wait3A_68 : memref<1x1x40x125xi32, #tpu.memory_space<hbm>> -> memref<40x125xi32, #tpu.memory_space<hbm>>
    %dma_wait3A_70 = arith.constant 0 : i32
    %dma_wait3A_71 = tpu.memref_slice %dma_wait3A_69[%dma_wait3A_58, %dma_wait3A_70] : memref<40x125xi32, #tpu.memory_space<hbm>> -> memref<1x125xi32, #tpu.memory_space<hbm>>
    %dma_wait3A_72 = tpu.memref_squeeze %dma_wait3A_71 : memref<1x125xi32, #tpu.memory_space<hbm>> -> memref<125xi32, #tpu.memory_space<hbm>>
    tpu.wait_dma2 semaphore(%arg17 : memref<!tpu.dma_semaphore, #tpu.memory_space<semaphore_mem>>) src(%dma_wait3A_72 : memref<125xi32, #tpu.memory_space<hbm>>) dst(%arg8 : memref<125xi32, #tpu.memory_space<vmem>>)
    %dma_start3A_73 = arith.constant 0 : i32
    %dma_start3A_74 = arith.constant 0 : i32
    %dma_start3A_75 = tpu.memref_slice %arg2[%dma_start3A_73, %dma_start3A_74] : memref<10240x128xf32, #tpu.memory_space<hbm>> -> memref<10240x128xf32, #tpu.memory_space<hbm>>
    tpu.enqueue_indirect_dma source(%dma_start3A_75 : memref<10240x128xf32, #tpu.memory_space<hbm>>) target(%arg10 : memref<125x128xf32, #tpu.memory_space<vmem>>) offsets(%arg8 : memref<125xi32, #tpu.memory_space<vmem>>) semaphore(%arg13 : memref<!tpu.dma_semaphore, #tpu.memory_space<semaphore_mem>>)
    %scan3A_76 = arith.constant 0 : i32
    %scan3A_77 = arith.constant 20 : i32
    %scan3A_78 = arith.addi %scan3A_76, %scan3A_77 : i32
    %scan3A_79 = arith.constant 1 : i32
    scf.for %scan3A_86 = %scan3A_76 to %scan3A_78 step %scan3A_79  : i32 {
      %mul3A_87 = arith.constant 2 : i32
      %mul3A_88 = arith.muli %mul3A_87, %scan3A_86 : i32
      %dma_wait3A_89 = arith.constant 0 : i32
      %dma_wait3A_90 = arith.constant 0 : i32
      %dma_wait3A_91 = tpu.memref_slice %arg2[%dma_wait3A_89, %dma_wait3A_90] : memref<10240x128xf32, #tpu.memory_space<hbm>> -> memref<10240x128xf32, #tpu.memory_space<hbm>>
      tpu.wait_indirect_dma semaphore(%arg12 : memref<!tpu.dma_semaphore, #tpu.memory_space<semaphore_mem>>) src(%dma_wait3A_91 : memref<10240x128xf32, #tpu.memory_space<hbm>>) dst(%arg9 : memref<125x128xf32, #tpu.memory_space<vmem>>)
      %add3A_92 = arith.constant 2 : i32
      %add3A_93 = arith.addi %mul3A_88, %add3A_92 : i32
      %lt3A = arith.constant 40 : i32
      %lt3A_94 = arith.cmpi slt, %add3A_93, %lt3A : i32
      %convert_element_type3A = arith.extui %lt3A_94 : i1 to i32
      %cond3A = arith.constant 0 : i32
      %cond3A_95 = arith.cmpi ne, %convert_element_type3A, %cond3A : i32
      scf.if %cond3A_95 {
        %add3A_148 = arith.constant 2 : i32
        %add3A_149 = arith.addi %mul3A_88, %add3A_148 : i32
        %dma_start3A_150 = arith.constant 0 : i32
        %dma_start3A_151 = arith.constant 0 : i32
        %dma_start3A_152 = tpu.memref_slice %arg3[%arg0, %arg1, %dma_start3A_150, %dma_start3A_151] : memref<2x16x40x125xi32, #tpu.memory_space<hbm>> -> memref<1x1x40x125xi32, #tpu.memory_space<hbm>>
        %dma_start3A_153 = tpu.memref_squeeze %dma_start3A_152 : memref<1x1x40x125xi32, #tpu.memory_space<hbm>> -> memref<40x125xi32, #tpu.memory_space<hbm>>
        %dma_start3A_154 = arith.constant 0 : i32
        %dma_start3A_155 = tpu.memref_slice %dma_start3A_153[%add3A_149, %dma_start3A_154] : memref<40x125xi32, #tpu.memory_space<hbm>> -> memref<1x125xi32, #tpu.memory_space<hbm>>
        %dma_start3A_156 = tpu.memref_squeeze %dma_start3A_155 : memref<1x125xi32, #tpu.memory_space<hbm>> -> memref<125xi32, #tpu.memory_space<hbm>>
        %dma_start3A_157 = arith.constant 0 : i32
        %dma_start3A_158 = arith.constant 0 : i32
        %dma_start3A_159 = tpu.memref_slice %arg3[%arg0, %arg1, %dma_start3A_157, %dma_start3A_158] : memref<2x16x40x125xi32, #tpu.memory_space<hbm>> -> memref<1x1x40x125xi32, #tpu.memory_space<hbm>>
        %dma_start3A_160 = tpu.memref_squeeze %dma_start3A_159 : memref<1x1x40x125xi32, #tpu.memory_space<hbm>> -> memref<40x125xi32, #tpu.memory_space<hbm>>
        %dma_start3A_161 = arith.constant 0 : i32
        %dma_start3A_162 = tpu.memref_slice %dma_start3A_160[%add3A_149, %dma_start3A_161] : memref<40x125xi32, #tpu.memory_space<hbm>> -> memref<1x125xi32, #tpu.memory_space<hbm>>
        %dma_start3A_163 = tpu.memref_squeeze %dma_start3A_162 : memref<1x125xi32, #tpu.memory_space<hbm>> -> memref<125xi32, #tpu.memory_space<hbm>>
        tpu.enqueue_dma source(%dma_start3A_163 : memref<125xi32, #tpu.memory_space<hbm>>) target(%arg7 : memref<125xi32, #tpu.memory_space<vmem>>) target_semaphore(%arg16 : memref<!tpu.dma_semaphore, #tpu.memory_space<semaphore_mem>>)
      } else {
      }
      %dma_start3A_96 = arith.constant 0 : i32
      %dma_start3A_97 = tpu.memref_slice %arg6[%mul3A_88, %dma_start3A_96] : memref<40x125xi32, #tpu.memory_space<vmem>> -> memref<1x125xi32, #tpu.memory_space<vmem>>
      %dma_start3A_98 = tpu.memref_squeeze %dma_start3A_97 : memref<1x125xi32, #tpu.memory_space<vmem>> -> memref<125xi32, #tpu.memory_space<vmem>>
      %dma_start3A_99 = arith.constant 0 : i32
      %dma_start3A_100 = arith.constant 0 : i32
      %dma_start3A_101 = tpu.memref_slice %arg11[%dma_start3A_99, %dma_start3A_100] : memref<10240x128xf32, #tpu.memory_space<vmem_shared>> -> memref<10240x128xf32, #tpu.memory_space<vmem_shared>>
      tpu.enqueue_indirect_dma source(%arg9 : memref<125x128xf32, #tpu.memory_space<vmem>>) target(%dma_start3A_101 : memref<10240x128xf32, #tpu.memory_space<vmem_shared>>) offsets(%dma_start3A_98 : memref<125xi32, #tpu.memory_space<vmem>>) semaphore(%arg14 : memref<!tpu.dma_semaphore, #tpu.memory_space<semaphore_mem>>) {add = true}
      %dma_wait3A_102 = arith.constant 0 : i32
      %dma_wait3A_103 = tpu.memref_slice %arg6[%mul3A_88, %dma_wait3A_102] : memref<40x125xi32, #tpu.memory_space<vmem>> -> memref<1x125xi32, #tpu.memory_space<vmem>>
      %dma_wait3A_104 = tpu.memref_squeeze %dma_wait3A_103 : memref<1x125xi32, #tpu.memory_space<vmem>> -> memref<125xi32, #tpu.memory_space<vmem>>
      %dma_wait3A_105 = arith.constant 0 : i32
      %dma_wait3A_106 = arith.constant 0 : i32
      %dma_wait3A_107 = tpu.memref_slice %arg11[%dma_wait3A_105, %dma_wait3A_106] : memref<10240x128xf32, #tpu.memory_space<vmem_shared>> -> memref<10240x128xf32, #tpu.memory_space<vmem_shared>>
      tpu.wait_indirect_dma semaphore(%arg14 : memref<!tpu.dma_semaphore, #tpu.memory_space<semaphore_mem>>) src(%arg9 : memref<125x128xf32, #tpu.memory_space<vmem>>) dst(%dma_wait3A_107 : memref<10240x128xf32, #tpu.memory_space<vmem_shared>>)
      %add3A_108 = arith.constant 2 : i32
      %add3A_109 = arith.addi %mul3A_88, %add3A_108 : i32
      %lt3A_110 = arith.constant 40 : i32
      %lt3A_111 = arith.cmpi slt, %add3A_109, %lt3A_110 : i32
      %convert_element_type3A_112 = arith.extui %lt3A_111 : i1 to i32
      %cond3A_113 = arith.constant 0 : i32
      %cond3A_114 = arith.cmpi ne, %convert_element_type3A_112, %cond3A_113 : i32
      scf.if %cond3A_114 {
        %add3A_148 = arith.constant 2 : i32
        %add3A_149 = arith.addi %mul3A_88, %add3A_148 : i32
        %dma_wait3A_150 = arith.constant 0 : i32
        %dma_wait3A_151 = arith.constant 0 : i32
        %dma_wait3A_152 = tpu.memref_slice %arg3[%arg0, %arg1, %dma_wait3A_150, %dma_wait3A_151] : memref<2x16x40x125xi32, #tpu.memory_space<hbm>> -> memref<1x1x40x125xi32, #tpu.memory_space<hbm>>
        %dma_wait3A_153 = tpu.memref_squeeze %dma_wait3A_152 : memref<1x1x40x125xi32, #tpu.memory_space<hbm>> -> memref<40x125xi32, #tpu.memory_space<hbm>>
        %dma_wait3A_154 = arith.constant 0 : i32
        %dma_wait3A_155 = tpu.memref_slice %dma_wait3A_153[%add3A_149, %dma_wait3A_154] : memref<40x125xi32, #tpu.memory_space<hbm>> -> memref<1x125xi32, #tpu.memory_space<hbm>>
        %dma_wait3A_156 = tpu.memref_squeeze %dma_wait3A_155 : memref<1x125xi32, #tpu.memory_space<hbm>> -> memref<125xi32, #tpu.memory_space<hbm>>
        %dma_wait3A_157 = arith.constant 0 : i32
        %dma_wait3A_158 = arith.constant 0 : i32
        %dma_wait3A_159 = tpu.memref_slice %arg3[%arg0, %arg1, %dma_wait3A_157, %dma_wait3A_158] : memref<2x16x40x125xi32, #tpu.memory_space<hbm>> -> memref<1x1x40x125xi32, #tpu.memory_space<hbm>>
        %dma_wait3A_160 = tpu.memref_squeeze %dma_wait3A_159 : memref<1x1x40x125xi32, #tpu.memory_space<hbm>> -> memref<40x125xi32, #tpu.memory_space<hbm>>
        %dma_wait3A_161 = arith.constant 0 : i32
        %dma_wait3A_162 = tpu.memref_slice %dma_wait3A_160[%add3A_149, %dma_wait3A_161] : memref<40x125xi32, #tpu.memory_space<hbm>> -> memref<1x125xi32, #tpu.memory_space<hbm>>
        %dma_wait3A_163 = tpu.memref_squeeze %dma_wait3A_162 : memref<1x125xi32, #tpu.memory_space<hbm>> -> memref<125xi32, #tpu.memory_space<hbm>>
        tpu.wait_dma2 semaphore(%arg16 : memref<!tpu.dma_semaphore, #tpu.memory_space<semaphore_mem>>) src(%dma_wait3A_163 : memref<125xi32, #tpu.memory_space<hbm>>) dst(%arg7 : memref<125xi32, #tpu.memory_space<vmem>>)
        %dma_start3A_164 = arith.constant 0 : i32
        %dma_start3A_165 = arith.constant 0 : i32
        %dma_start3A_166 = tpu.memref_slice %arg2[%dma_start3A_164, %dma_start3A_165] : memref<10240x128xf32, #tpu.memory_space<hbm>> -> memref<10240x128xf32, #tpu.memory_space<hbm>>
        tpu.enqueue_indirect_dma source(%dma_start3A_166 : memref<10240x128xf32, #tpu.memory_space<hbm>>) target(%arg9 : memref<125x128xf32, #tpu.memory_space<vmem>>) offsets(%arg7 : memref<125xi32, #tpu.memory_space<vmem>>) semaphore(%arg12 : memref<!tpu.dma_semaphore, #tpu.memory_space<semaphore_mem>>)
      } else {
      }
      %mul3A_115 = arith.constant 2 : i32
      %mul3A_116 = arith.muli %mul3A_115, %scan3A_86 : i32
      %add3A_117 = arith.constant 1 : i32
      %add3A_118 = arith.addi %mul3A_116, %add3A_117 : i32
      %dma_wait3A_119 = arith.constant 0 : i32
      %dma_wait3A_120 = arith.constant 0 : i32
      %dma_wait3A_121 = tpu.memref_slice %arg2[%dma_wait3A_119, %dma_wait3A_120] : memref<10240x128xf32, #tpu.memory_space<hbm>> -> memref<10240x128xf32, #tpu.memory_space<hbm>>
      tpu.wait_indirect_dma semaphore(%arg13 : memref<!tpu.dma_semaphore, #tpu.memory_space<semaphore_mem>>) src(%dma_wait3A_121 : memref<10240x128xf32, #tpu.memory_space<hbm>>) dst(%arg10 : memref<125x128xf32, #tpu.memory_space<vmem>>)
      %add3A_122 = arith.constant 2 : i32
      %add3A_123 = arith.addi %add3A_118, %add3A_122 : i32
      %lt3A_124 = arith.constant 40 : i32
      %lt3A_125 = arith.cmpi slt, %add3A_123, %lt3A_124 : i32
      %convert_element_type3A_126 = arith.extui %lt3A_125 : i1 to i32
      %cond3A_127 = arith.constant 0 : i32
      %cond3A_128 = arith.cmpi ne, %convert_element_type3A_126, %cond3A_127 : i32
      scf.if %cond3A_128 {
        %add3A_148 = arith.constant 2 : i32
        %add3A_149 = arith.addi %add3A_118, %add3A_148 : i32
        %dma_start3A_150 = arith.constant 0 : i32
        %dma_start3A_151 = arith.constant 0 : i32
        %dma_start3A_152 = tpu.memref_slice %arg3[%arg0, %arg1, %dma_start3A_150, %dma_start3A_151] : memref<2x16x40x125xi32, #tpu.memory_space<hbm>> -> memref<1x1x40x125xi32, #tpu.memory_space<hbm>>
        %dma_start3A_153 = tpu.memref_squeeze %dma_start3A_152 : memref<1x1x40x125xi32, #tpu.memory_space<hbm>> -> memref<40x125xi32, #tpu.memory_space<hbm>>
        %dma_start3A_154 = arith.constant 0 : i32
        %dma_start3A_155 = tpu.memref_slice %dma_start3A_153[%add3A_149, %dma_start3A_154] : memref<40x125xi32, #tpu.memory_space<hbm>> -> memref<1x125xi32, #tpu.memory_space<hbm>>
        %dma_start3A_156 = tpu.memref_squeeze %dma_start3A_155 : memref<1x125xi32, #tpu.memory_space<hbm>> -> memref<125xi32, #tpu.memory_space<hbm>>
        %dma_start3A_157 = arith.constant 0 : i32
        %dma_start3A_158 = arith.constant 0 : i32
        %dma_start3A_159 = tpu.memref_slice %arg3[%arg0, %arg1, %dma_start3A_157, %dma_start3A_158] : memref<2x16x40x125xi32, #tpu.memory_space<hbm>> -> memref<1x1x40x125xi32, #tpu.memory_space<hbm>>
        %dma_start3A_160 = tpu.memref_squeeze %dma_start3A_159 : memref<1x1x40x125xi32, #tpu.memory_space<hbm>> -> memref<40x125xi32, #tpu.memory_space<hbm>>
        %dma_start3A_161 = arith.constant 0 : i32
        %dma_start3A_162 = tpu.memref_slice %dma_start3A_160[%add3A_149, %dma_start3A_161] : memref<40x125xi32, #tpu.memory_space<hbm>> -> memref<1x125xi32, #tpu.memory_space<hbm>>
        %dma_start3A_163 = tpu.memref_squeeze %dma_start3A_162 : memref<1x125xi32, #tpu.memory_space<hbm>> -> memref<125xi32, #tpu.memory_space<hbm>>
        tpu.enqueue_dma source(%dma_start3A_163 : memref<125xi32, #tpu.memory_space<hbm>>) target(%arg8 : memref<125xi32, #tpu.memory_space<vmem>>) target_semaphore(%arg17 : memref<!tpu.dma_semaphore, #tpu.memory_space<semaphore_mem>>)
      } else {
      }
      %dma_start3A_129 = arith.constant 0 : i32
      %dma_start3A_130 = tpu.memref_slice %arg6[%add3A_118, %dma_start3A_129] : memref<40x125xi32, #tpu.memory_space<vmem>> -> memref<1x125xi32, #tpu.memory_space<vmem>>
      %dma_start3A_131 = tpu.memref_squeeze %dma_start3A_130 : memref<1x125xi32, #tpu.memory_space<vmem>> -> memref<125xi32, #tpu.memory_space<vmem>>
      %dma_start3A_132 = arith.constant 0 : i32
      %dma_start3A_133 = arith.constant 0 : i32
      %dma_start3A_134 = tpu.memref_slice %arg11[%dma_start3A_132, %dma_start3A_133] : memref<10240x128xf32, #tpu.memory_space<vmem_shared>> -> memref<10240x128xf32, #tpu.memory_space<vmem_shared>>
      tpu.enqueue_indirect_dma source(%arg10 : memref<125x128xf32, #tpu.memory_space<vmem>>) target(%dma_start3A_134 : memref<10240x128xf32, #tpu.memory_space<vmem_shared>>) offsets(%dma_start3A_131 : memref<125xi32, #tpu.memory_space<vmem>>) semaphore(%arg15 : memref<!tpu.dma_semaphore, #tpu.memory_space<semaphore_mem>>) {add = true}
      %dma_wait3A_135 = arith.constant 0 : i32
      %dma_wait3A_136 = tpu.memref_slice %arg6[%add3A_118, %dma_wait3A_135] : memref<40x125xi32, #tpu.memory_space<vmem>> -> memref<1x125xi32, #tpu.memory_space<vmem>>
      %dma_wait3A_137 = tpu.memref_squeeze %dma_wait3A_136 : memref<1x125xi32, #tpu.memory_space<vmem>> -> memref<125xi32, #tpu.memory_space<vmem>>
      %dma_wait3A_138 = arith.constant 0 : i32
      %dma_wait3A_139 = arith.constant 0 : i32
      %dma_wait3A_140 = tpu.memref_slice %arg11[%dma_wait3A_138, %dma_wait3A_139] : memref<10240x128xf32, #tpu.memory_space<vmem_shared>> -> memref<10240x128xf32, #tpu.memory_space<vmem_shared>>
      tpu.wait_indirect_dma semaphore(%arg15 : memref<!tpu.dma_semaphore, #tpu.memory_space<semaphore_mem>>) src(%arg10 : memref<125x128xf32, #tpu.memory_space<vmem>>) dst(%dma_wait3A_140 : memref<10240x128xf32, #tpu.memory_space<vmem_shared>>)
      %add3A_141 = arith.constant 2 : i32
      %add3A_142 = arith.addi %add3A_118, %add3A_141 : i32
      %lt3A_143 = arith.constant 40 : i32
      %lt3A_144 = arith.cmpi slt, %add3A_142, %lt3A_143 : i32
      %convert_element_type3A_145 = arith.extui %lt3A_144 : i1 to i32
      %cond3A_146 = arith.constant 0 : i32
      %cond3A_147 = arith.cmpi ne, %convert_element_type3A_145, %cond3A_146 : i32
      scf.if %cond3A_147 {
        %add3A_148 = arith.constant 2 : i32
        %add3A_149 = arith.addi %add3A_118, %add3A_148 : i32
        %dma_wait3A_150 = arith.constant 0 : i32
        %dma_wait3A_151 = arith.constant 0 : i32
        %dma_wait3A_152 = tpu.memref_slice %arg3[%arg0, %arg1, %dma_wait3A_150, %dma_wait3A_151] : memref<2x16x40x125xi32, #tpu.memory_space<hbm>> -> memref<1x1x40x125xi32, #tpu.memory_space<hbm>>
        %dma_wait3A_153 = tpu.memref_squeeze %dma_wait3A_152 : memref<1x1x40x125xi32, #tpu.memory_space<hbm>> -> memref<40x125xi32, #tpu.memory_space<hbm>>
        %dma_wait3A_154 = arith.constant 0 : i32
        %dma_wait3A_155 = tpu.memref_slice %dma_wait3A_153[%add3A_149, %dma_wait3A_154] : memref<40x125xi32, #tpu.memory_space<hbm>> -> memref<1x125xi32, #tpu.memory_space<hbm>>
        %dma_wait3A_156 = tpu.memref_squeeze %dma_wait3A_155 : memref<1x125xi32, #tpu.memory_space<hbm>> -> memref<125xi32, #tpu.memory_space<hbm>>
        %dma_wait3A_157 = arith.constant 0 : i32
        %dma_wait3A_158 = arith.constant 0 : i32
        %dma_wait3A_159 = tpu.memref_slice %arg3[%arg0, %arg1, %dma_wait3A_157, %dma_wait3A_158] : memref<2x16x40x125xi32, #tpu.memory_space<hbm>> -> memref<1x1x40x125xi32, #tpu.memory_space<hbm>>
        %dma_wait3A_160 = tpu.memref_squeeze %dma_wait3A_159 : memref<1x1x40x125xi32, #tpu.memory_space<hbm>> -> memref<40x125xi32, #tpu.memory_space<hbm>>
        %dma_wait3A_161 = arith.constant 0 : i32
        %dma_wait3A_162 = tpu.memref_slice %dma_wait3A_160[%add3A_149, %dma_wait3A_161] : memref<40x125xi32, #tpu.memory_space<hbm>> -> memref<1x125xi32, #tpu.memory_space<hbm>>
        %dma_wait3A_163 = tpu.memref_squeeze %dma_wait3A_162 : memref<1x125xi32, #tpu.memory_space<hbm>> -> memref<125xi32, #tpu.memory_space<hbm>>
        tpu.wait_dma2 semaphore(%arg17 : memref<!tpu.dma_semaphore, #tpu.memory_space<semaphore_mem>>) src(%dma_wait3A_163 : memref<125xi32, #tpu.memory_space<hbm>>) dst(%arg8 : memref<125xi32, #tpu.memory_space<vmem>>)
        %dma_start3A_164 = arith.constant 0 : i32
        %dma_start3A_165 = arith.constant 0 : i32
        %dma_start3A_166 = tpu.memref_slice %arg2[%dma_start3A_164, %dma_start3A_165] : memref<10240x128xf32, #tpu.memory_space<hbm>> -> memref<10240x128xf32, #tpu.memory_space<hbm>>
        tpu.enqueue_indirect_dma source(%dma_start3A_166 : memref<10240x128xf32, #tpu.memory_space<hbm>>) target(%arg10 : memref<125x128xf32, #tpu.memory_space<vmem>>) offsets(%arg8 : memref<125xi32, #tpu.memory_space<vmem>>) semaphore(%arg13 : memref<!tpu.dma_semaphore, #tpu.memory_space<semaphore_mem>>)
      } else {
      }
    }
    %scan3A_80 = arith.constant 20 : i32
    %barrier3A_81 = arith.constant 0 : index
    tpu.barrier barrier_id(%barrier3A_81)
    %mul3A_82 = arith.constant 640 : i32
    %mul3A_83 = arith.muli %arg1, %mul3A_82 : i32
    %mul3A_84 = arith.constant 640 : i32
    %mul3A_85 = arith.muli %arg1, %mul3A_84 : i32
    "tpu.region"() ({
      %run_scoped3A = tpu.sem_alloc : memref<!tpu.dma_semaphore, #tpu.memory_space<semaphore_mem>>
      %dma_start3A_86 = arith.constant 0 : i32
      %dma_start3A_87 = tpu.memref_slice %arg5[%arg0, %mul3A_85, %dma_start3A_86] : memref<2x10240x128xf32, #tpu.memory_space<hbm>> -> memref<1x640x128xf32, #tpu.memory_space<hbm>>
      %dma_start3A_88 = tpu.memref_squeeze %dma_start3A_87 : memref<1x640x128xf32, #tpu.memory_space<hbm>> -> memref<640x128xf32, #tpu.memory_space<hbm>>
      %dma_start3A_89 = arith.constant 0 : i32
      %dma_start3A_90 = tpu.memref_slice %arg11[%mul3A_83, %dma_start3A_89] : memref<10240x128xf32, #tpu.memory_space<vmem_shared>> -> memref<640x128xf32, #tpu.memory_space<vmem_shared>>
      tpu.enqueue_dma source(%dma_start3A_90 : memref<640x128xf32, #tpu.memory_space<vmem_shared>>) target(%dma_start3A_88 : memref<640x128xf32, #tpu.memory_space<hbm>>) target_semaphore(%run_scoped3A : memref<!tpu.dma_semaphore, #tpu.memory_space<semaphore_mem>>)
      %dma_wait3A_91 = arith.constant 0 : i32
      %dma_wait3A_92 = tpu.memref_slice %arg5[%arg0, %mul3A_85, %dma_wait3A_91] : memref<2x10240x128xf32, #tpu.memory_space<hbm>> -> memref<1x640x128xf32, #tpu.memory_space<hbm>>
      %dma_wait3A_93 = tpu.memref_squeeze %dma_wait3A_92 : memref<1x640x128xf32, #tpu.memory_space<hbm>> -> memref<640x128xf32, #tpu.memory_space<hbm>>
      %dma_wait3A_94 = arith.constant 0 : i32
      %dma_wait3A_95 = tpu.memref_slice %arg11[%mul3A_83, %dma_wait3A_94] : memref<10240x128xf32, #tpu.memory_space<vmem_shared>> -> memref<640x128xf32, #tpu.memory_space<vmem_shared>>
      tpu.wait_dma2 semaphore(%run_scoped3A : memref<!tpu.dma_semaphore, #tpu.memory_space<semaphore_mem>>) src(%dma_wait3A_95 : memref<640x128xf32, #tpu.memory_space<vmem_shared>>) dst(%dma_wait3A_93 : memref<640x128xf32, #tpu.memory_space<hbm>>)
      tpu.yield
    }) : () -> ()
    return
  }
}

#map = affine_map<(d0, d1) -> (0)>
#map1 = affine_map<(d0, d1) -> (0, 0, 0)>
module attributes {stable_mosaic.version = 14 : i64} {
  func.func @_deg_kernel(%arg0: i32, %arg1: i32, %arg2: memref<160000xi32, #tpu.memory_space<hbm>>, %arg3: memref<160000xi32, #tpu.memory_space<hbm>>, %arg4: memref<2x2x10240xf32, #tpu.memory_space<hbm>>, %arg5: memref<5000xi32, #tpu.memory_space<vmem>>, %arg6: memref<5000xi32, #tpu.memory_space<vmem>>, %arg7: memref<10240xf32, #tpu.memory_space<vmem>>, %arg8: memref<10240xf32, #tpu.memory_space<vmem>>, %arg9: memref<2x16x10240xf32, #tpu.memory_space<vmem_shared>>, %arg10: memref<16x640xf32, #tpu.memory_space<vmem>>, %arg11: memref<640xf32, #tpu.memory_space<vmem>>, %arg12: memref<!tpu.dma_semaphore, #tpu.memory_space<semaphore_mem>>) attributes {dimension_semantics = [#tpu.dimension_semantics<core_parallel>, #tpu.dimension_semantics<subcore_parallel>], iteration_bounds = array<i64: 2, 16>, scalar_prefetch = 0 : i64, scratch_operands = 8 : i64, tpu.core_type = #tpu.core_type<sc_vector_subcore>, window_params = [{transform_indices = #map}, {transform_indices = #map}, {transform_indices = #map1}]} {
    %mul3A = arith.constant 16 : i32
    %mul3A_0 = arith.muli %arg0, %mul3A : i32
    %add3A = arith.addi %mul3A_0, %arg1 : i32
    %broadcast_in_dim3A = arith.constant 0.000000e+00 : f32
    %broadcast_in_dim3A_1 = vector.broadcast %broadcast_in_dim3A : f32 to vector<16xf32>
    %scan3A = arith.constant 0 : i32
    %scan3A_2 = arith.constant 640 : i32
    %scan3A_3 = arith.addi %scan3A, %scan3A_2 : i32
    %scan3A_4 = arith.constant 1 : i32
    scf.for %scan3A_45 = %scan3A to %scan3A_3 step %scan3A_4  : i32 {
      %mul3A_46 = arith.constant 16 : i32
      %mul3A_47 = arith.muli %scan3A_45, %mul3A_46 : i32
      %swap3A = arith.index_cast %mul3A_47 : i32 to index
      %swap3A_48 = tpu.vector_load %arg7[%swap3A] {strides = array<i32>} : memref<10240xf32, #tpu.memory_space<vmem>>, vector<16xf32>,
      tpu.vector_store %arg7[%swap3A], %broadcast_in_dim3A_1 {strides = array<i32>} : memref<10240xf32, #tpu.memory_space<vmem>>, vector<16xf32>,
      %mul3A_49 = arith.constant 16 : i32
      %mul3A_50 = arith.muli %scan3A_45, %mul3A_49 : i32
      %swap3A_51 = arith.index_cast %mul3A_50 : i32 to index
      %swap3A_52 = tpu.vector_load %arg8[%swap3A_51] {strides = array<i32>} : memref<10240xf32, #tpu.memory_space<vmem>>, vector<16xf32>,
      tpu.vector_store %arg8[%swap3A_51], %broadcast_in_dim3A_1 {strides = array<i32>} : memref<10240xf32, #tpu.memory_space<vmem>>, vector<16xf32>,
    }
    %scan3A_5 = arith.constant 640 : i32
    %mul3A_6 = arith.constant 5000 : i32
    %mul3A_7 = arith.muli %add3A, %mul3A_6 : i32
    "tpu.region"() ({
      %run_scoped3A_45 = tpu.sem_alloc : memref<!tpu.dma_semaphore, #tpu.memory_space<semaphore_mem>>
      %dma_start3A = tpu.memref_slice %arg2[%mul3A_7] : memref<160000xi32, #tpu.memory_space<hbm>> -> memref<5000xi32, #tpu.memory_space<hbm>>
      %dma_start3A_46 = tpu.memref_slice %arg2[%mul3A_7] : memref<160000xi32, #tpu.memory_space<hbm>> -> memref<5000xi32, #tpu.memory_space<hbm>>
      tpu.enqueue_dma source(%dma_start3A_46 : memref<5000xi32, #tpu.memory_space<hbm>>) target(%arg5 : memref<5000xi32, #tpu.memory_space<vmem>>) target_semaphore(%run_scoped3A_45 : memref<!tpu.dma_semaphore, #tpu.memory_space<semaphore_mem>>)
      %dma_wait3A = tpu.memref_slice %arg2[%mul3A_7] : memref<160000xi32, #tpu.memory_space<hbm>> -> memref<5000xi32, #tpu.memory_space<hbm>>
      %dma_wait3A_47 = tpu.memref_slice %arg2[%mul3A_7] : memref<160000xi32, #tpu.memory_space<hbm>> -> memref<5000xi32, #tpu.memory_space<hbm>>
      tpu.wait_dma2 semaphore(%run_scoped3A_45 : memref<!tpu.dma_semaphore, #tpu.memory_space<semaphore_mem>>) src(%dma_wait3A_47 : memref<5000xi32, #tpu.memory_space<hbm>>) dst(%arg5 : memref<5000xi32, #tpu.memory_space<vmem>>)
      tpu.yield
    }) : () -> ()
    %mul3A_8 = arith.constant 5000 : i32
    %mul3A_9 = arith.muli %add3A, %mul3A_8 : i32
    "tpu.region"() ({
      %run_scoped3A_45 = tpu.sem_alloc : memref<!tpu.dma_semaphore, #tpu.memory_space<semaphore_mem>>
      %dma_start3A = tpu.memref_slice %arg3[%mul3A_9] : memref<160000xi32, #tpu.memory_space<hbm>> -> memref<5000xi32, #tpu.memory_space<hbm>>
      %dma_start3A_46 = tpu.memref_slice %arg3[%mul3A_9] : memref<160000xi32, #tpu.memory_space<hbm>> -> memref<5000xi32, #tpu.memory_space<hbm>>
      tpu.enqueue_dma source(%dma_start3A_46 : memref<5000xi32, #tpu.memory_space<hbm>>) target(%arg6 : memref<5000xi32, #tpu.memory_space<vmem>>) target_semaphore(%run_scoped3A_45 : memref<!tpu.dma_semaphore, #tpu.memory_space<semaphore_mem>>)
      %dma_wait3A = tpu.memref_slice %arg3[%mul3A_9] : memref<160000xi32, #tpu.memory_space<hbm>> -> memref<5000xi32, #tpu.memory_space<hbm>>
      %dma_wait3A_47 = tpu.memref_slice %arg3[%mul3A_9] : memref<160000xi32, #tpu.memory_space<hbm>> -> memref<5000xi32, #tpu.memory_space<hbm>>
      tpu.wait_dma2 semaphore(%run_scoped3A_45 : memref<!tpu.dma_semaphore, #tpu.memory_space<semaphore_mem>>) src(%dma_wait3A_47 : memref<5000xi32, #tpu.memory_space<hbm>>) dst(%arg6 : memref<5000xi32, #tpu.memory_space<vmem>>)
      tpu.yield
    }) : () -> ()
    %broadcast_in_dim3A_10 = arith.constant 1.000000e+00 : f32
    %broadcast_in_dim3A_11 = vector.broadcast %broadcast_in_dim3A_10 : f32 to vector<16xf32>
    %scan3A_12 = arith.constant 0 : i32
    %scan3A_13 = arith.constant 312 : i32
    %scan3A_14 = arith.addi %scan3A_12, %scan3A_13 : i32
    %scan3A_15 = arith.constant 1 : i32
    scf.for %scan3A_45 = %scan3A_12 to %scan3A_14 step %scan3A_15  : i32 {
      %mul3A_46 = arith.constant 16 : i32
      %mul3A_47 = arith.muli %scan3A_45, %mul3A_46 : i32
      %get3A_48 = arith.index_cast %mul3A_47 : i32 to index
      %get3A_49 = tpu.vector_load %arg5[%get3A_48] {strides = array<i32>} : memref<5000xi32, #tpu.memory_space<vmem>>, vector<16xi32>,
      %mul3A_50 = arith.constant 16 : i32
      %mul3A_51 = arith.muli %scan3A_45, %mul3A_50 : i32
      %get3A_52 = arith.index_cast %mul3A_51 : i32 to index
      %get3A_53 = tpu.vector_load %arg6[%get3A_52] {strides = array<i32>} : memref<5000xi32, #tpu.memory_space<vmem>>, vector<16xi32>,
      tpu.vector_store_idx %arg7[%get3A_49], %broadcast_in_dim3A_11 {add = true} : memref<10240xf32, #tpu.memory_space<vmem>>[vector<16xi32>], vector<16xf32>,
      tpu.vector_store_idx %arg8[%get3A_53], %broadcast_in_dim3A_11 {add = true} : memref<10240xf32, #tpu.memory_space<vmem>>[vector<16xi32>], vector<16xf32>,
    }
    %scan3A_16 = arith.constant 312 : i32
    %iota3A = tpu.iota {dimensions = array<i32: 0>} : vector<16xi32>
    %ge3A = arith.constant 8 : i32
    %ge3A_17 = vector.broadcast %ge3A : i32 to vector<16xi32>
    %ge3A_18 = arith.cmpi sge, %iota3A, %ge3A_17 : vector<16xi32>
    %get3A = arith.constant 4984 : index
    %get3A_19 = tpu.vector_load %arg5[%get3A] {strides = array<i32>} : memref<5000xi32, #tpu.memory_space<vmem>>, vector<16xi32>,
    %get3A_20 = arith.constant 4984 : index
    %get3A_21 = tpu.vector_load %arg6[%get3A_20] {strides = array<i32>} : memref<5000xi32, #tpu.memory_space<vmem>>, vector<16xi32>,
    tpu.vector_store_idx %arg7[%get3A_19], %broadcast_in_dim3A_11 masked %ge3A_18 {add = true} : memref<10240xf32, #tpu.memory_space<vmem>>[vector<16xi32>], vector<16xf32>, vector<16xi1>
    tpu.vector_store_idx %arg8[%get3A_21], %broadcast_in_dim3A_11 masked %ge3A_18 {add = true} : memref<10240xf32, #tpu.memory_space<vmem>>[vector<16xi32>], vector<16xf32>, vector<16xi1>
    %run_scoped3A = arith.constant 0 : i32
    "tpu.region"() ({
      %run_scoped3A_45 = tpu.sem_alloc : memref<!tpu.dma_semaphore, #tpu.memory_space<semaphore_mem>>
      %dma_start3A = arith.constant 0 : i32
      %dma_start3A_46 = tpu.memref_slice %arg9[%run_scoped3A, %arg1, %dma_start3A] : memref<2x16x10240xf32, #tpu.memory_space<vmem_shared>> -> memref<1x1x10240xf32, #tpu.memory_space<vmem_shared>>
      %dma_start3A_47 = tpu.memref_squeeze %dma_start3A_46 : memref<1x1x10240xf32, #tpu.memory_space<vmem_shared>> -> memref<10240xf32, #tpu.memory_space<vmem_shared>>
      %dma_start3A_48 = arith.constant 0 : i32
      %dma_start3A_49 = tpu.memref_slice %arg9[%run_scoped3A, %arg1, %dma_start3A_48] : memref<2x16x10240xf32, #tpu.memory_space<vmem_shared>> -> memref<1x1x10240xf32, #tpu.memory_space<vmem_shared>>
      %dma_start3A_50 = tpu.memref_squeeze %dma_start3A_49 : memref<1x1x10240xf32, #tpu.memory_space<vmem_shared>> -> memref<10240xf32, #tpu.memory_space<vmem_shared>>
      tpu.enqueue_dma source(%arg7 : memref<10240xf32, #tpu.memory_space<vmem>>) target(%dma_start3A_50 : memref<10240xf32, #tpu.memory_space<vmem_shared>>) target_semaphore(%run_scoped3A_45 : memref<!tpu.dma_semaphore, #tpu.memory_space<semaphore_mem>>)
      %dma_wait3A = arith.constant 0 : i32
      %dma_wait3A_51 = tpu.memref_slice %arg9[%run_scoped3A, %arg1, %dma_wait3A] : memref<2x16x10240xf32, #tpu.memory_space<vmem_shared>> -> memref<1x1x10240xf32, #tpu.memory_space<vmem_shared>>
      %dma_wait3A_52 = tpu.memref_squeeze %dma_wait3A_51 : memref<1x1x10240xf32, #tpu.memory_space<vmem_shared>> -> memref<10240xf32, #tpu.memory_space<vmem_shared>>
      %dma_wait3A_53 = arith.constant 0 : i32
      %dma_wait3A_54 = tpu.memref_slice %arg9[%run_scoped3A, %arg1, %dma_wait3A_53] : memref<2x16x10240xf32, #tpu.memory_space<vmem_shared>> -> memref<1x1x10240xf32, #tpu.memory_space<vmem_shared>>
      %dma_wait3A_55 = tpu.memref_squeeze %dma_wait3A_54 : memref<1x1x10240xf32, #tpu.memory_space<vmem_shared>> -> memref<10240xf32, #tpu.memory_space<vmem_shared>>
      tpu.wait_dma2 semaphore(%run_scoped3A_45 : memref<!tpu.dma_semaphore, #tpu.memory_space<semaphore_mem>>) src(%arg7 : memref<10240xf32, #tpu.memory_space<vmem>>) dst(%dma_wait3A_55 : memref<10240xf32, #tpu.memory_space<vmem_shared>>)
      tpu.yield
    }) : () -> ()
    %run_scoped3A_22 = arith.constant 1 : i32
    "tpu.region"() ({
      %run_scoped3A_45 = tpu.sem_alloc : memref<!tpu.dma_semaphore, #tpu.memory_space<semaphore_mem>>
      %dma_start3A = arith.constant 0 : i32
      %dma_start3A_46 = tpu.memref_slice %arg9[%run_scoped3A_22, %arg1, %dma_start3A] : memref<2x16x10240xf32, #tpu.memory_space<vmem_shared>> -> memref<1x1x10240xf32, #tpu.memory_space<vmem_shared>>
      %dma_start3A_47 = tpu.memref_squeeze %dma_start3A_46 : memref<1x1x10240xf32, #tpu.memory_space<vmem_shared>> -> memref<10240xf32, #tpu.memory_space<vmem_shared>>
      %dma_start3A_48 = arith.constant 0 : i32
      %dma_start3A_49 = tpu.memref_slice %arg9[%run_scoped3A_22, %arg1, %dma_start3A_48] : memref<2x16x10240xf32, #tpu.memory_space<vmem_shared>> -> memref<1x1x10240xf32, #tpu.memory_space<vmem_shared>>
      %dma_start3A_50 = tpu.memref_squeeze %dma_start3A_49 : memref<1x1x10240xf32, #tpu.memory_space<vmem_shared>> -> memref<10240xf32, #tpu.memory_space<vmem_shared>>
      tpu.enqueue_dma source(%arg8 : memref<10240xf32, #tpu.memory_space<vmem>>) target(%dma_start3A_50 : memref<10240xf32, #tpu.memory_space<vmem_shared>>) target_semaphore(%run_scoped3A_45 : memref<!tpu.dma_semaphore, #tpu.memory_space<semaphore_mem>>)
      %dma_wait3A = arith.constant 0 : i32
      %dma_wait3A_51 = tpu.memref_slice %arg9[%run_scoped3A_22, %arg1, %dma_wait3A] : memref<2x16x10240xf32, #tpu.memory_space<vmem_shared>> -> memref<1x1x10240xf32, #tpu.memory_space<vmem_shared>>
      %dma_wait3A_52 = tpu.memref_squeeze %dma_wait3A_51 : memref<1x1x10240xf32, #tpu.memory_space<vmem_shared>> -> memref<10240xf32, #tpu.memory_space<vmem_shared>>
      %dma_wait3A_53 = arith.constant 0 : i32
      %dma_wait3A_54 = tpu.memref_slice %arg9[%run_scoped3A_22, %arg1, %dma_wait3A_53] : memref<2x16x10240xf32, #tpu.memory_space<vmem_shared>> -> memref<1x1x10240xf32, #tpu.memory_space<vmem_shared>>
      %dma_wait3A_55 = tpu.memref_squeeze %dma_wait3A_54 : memref<1x1x10240xf32, #tpu.memory_space<vmem_shared>> -> memref<10240xf32, #tpu.memory_space<vmem_shared>>
      tpu.wait_dma2 semaphore(%run_scoped3A_45 : memref<!tpu.dma_semaphore, #tpu.memory_space<semaphore_mem>>) src(%arg8 : memref<10240xf32, #tpu.memory_space<vmem>>) dst(%dma_wait3A_55 : memref<10240xf32, #tpu.memory_space<vmem_shared>>)
      tpu.yield
    }) : () -> ()
    %barrier3A = arith.constant 0 : index
    tpu.barrier barrier_id(%barrier3A)
    %mul3A_23 = arith.constant 640 : i32
    %mul3A_24 = arith.muli %arg1, %mul3A_23 : i32
    %run_scoped3A_25 = arith.constant 0 : i32
    "tpu.region"() ({
      %run_scoped3A_45 = tpu.sem_alloc : memref<!tpu.dma_semaphore, #tpu.memory_space<semaphore_mem>>
      %dma_start3A = arith.constant 0 : i32
      %dma_start3A_46 = tpu.memref_slice %arg9[%run_scoped3A_25, %dma_start3A, %mul3A_24] : memref<2x16x10240xf32, #tpu.memory_space<vmem_shared>> -> memref<1x16x640xf32, #tpu.memory_space<vmem_shared>>
      %dma_start3A_47 = tpu.memref_squeeze %dma_start3A_46 : memref<1x16x640xf32, #tpu.memory_space<vmem_shared>> -> memref<16x640xf32, #tpu.memory_space<vmem_shared>>
      %dma_start3A_48 = arith.constant 0 : i32
      %dma_start3A_49 = tpu.memref_slice %arg9[%run_scoped3A_25, %dma_start3A_48, %mul3A_24] : memref<2x16x10240xf32, #tpu.memory_space<vmem_shared>> -> memref<1x16x640xf32, #tpu.memory_space<vmem_shared>>
      %dma_start3A_50 = tpu.memref_squeeze %dma_start3A_49 : memref<1x16x640xf32, #tpu.memory_space<vmem_shared>> -> memref<16x640xf32, #tpu.memory_space<vmem_shared>>
      tpu.enqueue_dma source(%dma_start3A_50 : memref<16x640xf32, #tpu.memory_space<vmem_shared>>) target(%arg10 : memref<16x640xf32, #tpu.memory_space<vmem>>) target_semaphore(%run_scoped3A_45 : memref<!tpu.dma_semaphore, #tpu.memory_space<semaphore_mem>>)
      %dma_wait3A = arith.constant 0 : i32
      %dma_wait3A_51 = tpu.memref_slice %arg9[%run_scoped3A_25, %dma_wait3A, %mul3A_24] : memref<2x16x10240xf32, #tpu.memory_space<vmem_shared>> -> memref<1x16x640xf32, #tpu.memory_space<vmem_shared>>
      %dma_wait3A_52 = tpu.memref_squeeze %dma_wait3A_51 : memref<1x16x640xf32, #tpu.memory_space<vmem_shared>> -> memref<16x640xf32, #tpu.memory_space<vmem_shared>>
      %dma_wait3A_53 = arith.constant 0 : i32
      %dma_wait3A_54 = tpu.memref_slice %arg9[%run_scoped3A_25, %dma_wait3A_53, %mul3A_24] : memref<2x16x10240xf32, #tpu.memory_space<vmem_shared>> -> memref<1x16x640xf32, #tpu.memory_space<vmem_shared>>
      %dma_wait3A_55 = tpu.memref_squeeze %dma_wait3A_54 : memref<1x16x640xf32, #tpu.memory_space<vmem_shared>> -> memref<16x640xf32, #tpu.memory_space<vmem_shared>>
      tpu.wait_dma2 semaphore(%run_scoped3A_45 : memref<!tpu.dma_semaphore, #tpu.memory_space<semaphore_mem>>) src(%dma_wait3A_55 : memref<16x640xf32, #tpu.memory_space<vmem_shared>>) dst(%arg10 : memref<16x640xf32, #tpu.memory_space<vmem>>)
      tpu.yield
    }) : () -> ()
    %scan3A_26 = arith.constant 0 : i32
    %scan3A_27 = arith.constant 40 : i32
    %scan3A_28 = arith.addi %scan3A_26, %scan3A_27 : i32
    %scan3A_29 = arith.constant 1 : i32
    scf.for %scan3A_45 = %scan3A_26 to %scan3A_28 step %scan3A_29  : i32 {
      %mul3A_46 = arith.constant 16 : i32
      %mul3A_47 = arith.muli %scan3A_45, %mul3A_46 : i32
      %get3A_48 = arith.constant 0 : i32
      %get3A_49 = arith.index_cast %get3A_48 : i32 to index
      %get3A_50 = arith.index_cast %mul3A_47 : i32 to index
      %get3A_51 = tpu.vector_load %arg10[%get3A_49, %get3A_50] {strides = array<i32>} : memref<16x640xf32, #tpu.memory_space<vmem>>, vector<16xf32>,
      %mul3A_52 = arith.constant 16 : i32
      %mul3A_53 = arith.muli %scan3A_45, %mul3A_52 : i32
      %get3A_54 = arith.constant 1 : i32
      %get3A_55 = arith.index_cast %get3A_54 : i32 to index
      %get3A_56 = arith.index_cast %mul3A_53 : i32 to index
      %get3A_57 = tpu.vector_load %arg10[%get3A_55, %get3A_56] {strides = array<i32>} : memref<16x640xf32, #tpu.memory_space<vmem>>, vector<16xf32>,
      %add3A_58 = arith.addf %get3A_51, %get3A_57 : vector<16xf32>
      %mul3A_59 = arith.constant 16 : i32
      %mul3A_60 = arith.muli %scan3A_45, %mul3A_59 : i32
      %get3A_61 = arith.constant 2 : i32
      %get3A_62 = arith.index_cast %get3A_61 : i32 to index
      %get3A_63 = arith.index_cast %mul3A_60 : i32 to index
      %get3A_64 = tpu.vector_load %arg10[%get3A_62, %get3A_63] {strides = array<i32>} : memref<16x640xf32, #tpu.memory_space<vmem>>, vector<16xf32>,
      %add3A_65 = arith.addf %add3A_58, %get3A_64 : vector<16xf32>
      %mul3A_66 = arith.constant 16 : i32
      %mul3A_67 = arith.muli %scan3A_45, %mul3A_66 : i32
      %get3A_68 = arith.constant 3 : i32
      %get3A_69 = arith.index_cast %get3A_68 : i32 to index
      %get3A_70 = arith.index_cast %mul3A_67 : i32 to index
      %get3A_71 = tpu.vector_load %arg10[%get3A_69, %get3A_70] {strides = array<i32>} : memref<16x640xf32, #tpu.memory_space<vmem>>, vector<16xf32>,
      %add3A_72 = arith.addf %add3A_65, %get3A_71 : vector<16xf32>
      %mul3A_73 = arith.constant 16 : i32
      %mul3A_74 = arith.muli %scan3A_45, %mul3A_73 : i32
      %get3A_75 = arith.constant 4 : i32
      %get3A_76 = arith.index_cast %get3A_75 : i32 to index
      %get3A_77 = arith.index_cast %mul3A_74 : i32 to index
      %get3A_78 = tpu.vector_load %arg10[%get3A_76, %get3A_77] {strides = array<i32>} : memref<16x640xf32, #tpu.memory_space<vmem>>, vector<16xf32>,
      %add3A_79 = arith.addf %add3A_72, %get3A_78 : vector<16xf32>
      %mul3A_80 = arith.constant 16 : i32
      %mul3A_81 = arith.muli %scan3A_45, %mul3A_80 : i32
      %get3A_82 = arith.constant 5 : i32
      %get3A_83 = arith.index_cast %get3A_82 : i32 to index
      %get3A_84 = arith.index_cast %mul3A_81 : i32 to index
      %get3A_85 = tpu.vector_load %arg10[%get3A_83, %get3A_84] {strides = array<i32>} : memref<16x640xf32, #tpu.memory_space<vmem>>, vector<16xf32>,
      %add3A_86 = arith.addf %add3A_79, %get3A_85 : vector<16xf32>
      %mul3A_87 = arith.constant 16 : i32
      %mul3A_88 = arith.muli %scan3A_45, %mul3A_87 : i32
      %get3A_89 = arith.constant 6 : i32
      %get3A_90 = arith.index_cast %get3A_89 : i32 to index
      %get3A_91 = arith.index_cast %mul3A_88 : i32 to index
      %get3A_92 = tpu.vector_load %arg10[%get3A_90, %get3A_91] {strides = array<i32>} : memref<16x640xf32, #tpu.memory_space<vmem>>, vector<16xf32>,
      %add3A_93 = arith.addf %add3A_86, %get3A_92 : vector<16xf32>
      %mul3A_94 = arith.constant 16 : i32
      %mul3A_95 = arith.muli %scan3A_45, %mul3A_94 : i32
      %get3A_96 = arith.constant 7 : i32
      %get3A_97 = arith.index_cast %get3A_96 : i32 to index
      %get3A_98 = arith.index_cast %mul3A_95 : i32 to index
      %get3A_99 = tpu.vector_load %arg10[%get3A_97, %get3A_98] {strides = array<i32>} : memref<16x640xf32, #tpu.memory_space<vmem>>, vector<16xf32>,
      %add3A_100 = arith.addf %add3A_93, %get3A_99 : vector<16xf32>
      %mul3A_101 = arith.constant 16 : i32
      %mul3A_102 = arith.muli %scan3A_45, %mul3A_101 : i32
      %get3A_103 = arith.constant 8 : i32
      %get3A_104 = arith.index_cast %get3A_103 : i32 to index
      %get3A_105 = arith.index_cast %mul3A_102 : i32 to index
      %get3A_106 = tpu.vector_load %arg10[%get3A_104, %get3A_105] {strides = array<i32>} : memref<16x640xf32, #tpu.memory_space<vmem>>, vector<16xf32>,
      %add3A_107 = arith.addf %add3A_100, %get3A_106 : vector<16xf32>
      %mul3A_108 = arith.constant 16 : i32
      %mul3A_109 = arith.muli %scan3A_45, %mul3A_108 : i32
      %get3A_110 = arith.constant 9 : i32
      %get3A_111 = arith.index_cast %get3A_110 : i32 to index
      %get3A_112 = arith.index_cast %mul3A_109 : i32 to index
      %get3A_113 = tpu.vector_load %arg10[%get3A_111, %get3A_112] {strides = array<i32>} : memref<16x640xf32, #tpu.memory_space<vmem>>, vector<16xf32>,
      %add3A_114 = arith.addf %add3A_107, %get3A_113 : vector<16xf32>
      %mul3A_115 = arith.constant 16 : i32
      %mul3A_116 = arith.muli %scan3A_45, %mul3A_115 : i32
      %get3A_117 = arith.constant 10 : i32
      %get3A_118 = arith.index_cast %get3A_117 : i32 to index
      %get3A_119 = arith.index_cast %mul3A_116 : i32 to index
      %get3A_120 = tpu.vector_load %arg10[%get3A_118, %get3A_119] {strides = array<i32>} : memref<16x640xf32, #tpu.memory_space<vmem>>, vector<16xf32>,
      %add3A_121 = arith.addf %add3A_114, %get3A_120 : vector<16xf32>
      %mul3A_122 = arith.constant 16 : i32
      %mul3A_123 = arith.muli %scan3A_45, %mul3A_122 : i32
      %get3A_124 = arith.constant 11 : i32
      %get3A_125 = arith.index_cast %get3A_124 : i32 to index
      %get3A_126 = arith.index_cast %mul3A_123 : i32 to index
      %get3A_127 = tpu.vector_load %arg10[%get3A_125, %get3A_126] {strides = array<i32>} : memref<16x640xf32, #tpu.memory_space<vmem>>, vector<16xf32>,
      %add3A_128 = arith.addf %add3A_121, %get3A_127 : vector<16xf32>
      %mul3A_129 = arith.constant 16 : i32
      %mul3A_130 = arith.muli %scan3A_45, %mul3A_129 : i32
      %get3A_131 = arith.constant 12 : i32
      %get3A_132 = arith.index_cast %get3A_131 : i32 to index
      %get3A_133 = arith.index_cast %mul3A_130 : i32 to index
      %get3A_134 = tpu.vector_load %arg10[%get3A_132, %get3A_133] {strides = array<i32>} : memref<16x640xf32, #tpu.memory_space<vmem>>, vector<16xf32>,
      %add3A_135 = arith.addf %add3A_128, %get3A_134 : vector<16xf32>
      %mul3A_136 = arith.constant 16 : i32
      %mul3A_137 = arith.muli %scan3A_45, %mul3A_136 : i32
      %get3A_138 = arith.constant 13 : i32
      %get3A_139 = arith.index_cast %get3A_138 : i32 to index
      %get3A_140 = arith.index_cast %mul3A_137 : i32 to index
      %get3A_141 = tpu.vector_load %arg10[%get3A_139, %get3A_140] {strides = array<i32>} : memref<16x640xf32, #tpu.memory_space<vmem>>, vector<16xf32>,
      %add3A_142 = arith.addf %add3A_135, %get3A_141 : vector<16xf32>
      %mul3A_143 = arith.constant 16 : i32
      %mul3A_144 = arith.muli %scan3A_45, %mul3A_143 : i32
      %get3A_145 = arith.constant 14 : i32
      %get3A_146 = arith.index_cast %get3A_145 : i32 to index
      %get3A_147 = arith.index_cast %mul3A_144 : i32 to index
      %get3A_148 = tpu.vector_load %arg10[%get3A_146, %get3A_147] {strides = array<i32>} : memref<16x640xf32, #tpu.memory_space<vmem>>, vector<16xf32>,
      %add3A_149 = arith.addf %add3A_142, %get3A_148 : vector<16xf32>
      %mul3A_150 = arith.constant 16 : i32
      %mul3A_151 = arith.muli %scan3A_45, %mul3A_150 : i32
      %get3A_152 = arith.constant 15 : i32
      %get3A_153 = arith.index_cast %get3A_152 : i32 to index
      %get3A_154 = arith.index_cast %mul3A_151 : i32 to index
      %get3A_155 = tpu.vector_load %arg10[%get3A_153, %get3A_154] {strides = array<i32>} : memref<16x640xf32, #tpu.memory_space<vmem>>, vector<16xf32>,
      %add3A_156 = arith.addf %add3A_149, %get3A_155 : vector<16xf32>
      %mul3A_157 = arith.constant 16 : i32
      %mul3A_158 = arith.muli %scan3A_45, %mul3A_157 : i32
      %swap3A = arith.index_cast %mul3A_158 : i32 to index
      %swap3A_159 = tpu.vector_load %arg11[%swap3A] {strides = array<i32>} : memref<640xf32, #tpu.memory_space<vmem>>, vector<16xf32>,
      tpu.vector_store %arg11[%swap3A], %add3A_156 {strides = array<i32>} : memref<640xf32, #tpu.memory_space<vmem>>, vector<16xf32>,
    }
    %scan3A_30 = arith.constant 40 : i32
    %mul3A_31 = arith.constant 640 : i32
    %mul3A_32 = arith.muli %arg1, %mul3A_31 : i32
    %run_scoped3A_33 = arith.constant 0 : i32
    "tpu.region"() ({
      %run_scoped3A_45 = tpu.sem_alloc : memref<!tpu.dma_semaphore, #tpu.memory_space<semaphore_mem>>
      %dma_start3A = tpu.memref_slice %arg4[%run_scoped3A_33, %arg0, %mul3A_32] : memref<2x2x10240xf32, #tpu.memory_space<hbm>> -> memref<1x1x640xf32, #tpu.memory_space<hbm>>
      %dma_start3A_46 = tpu.memref_squeeze %dma_start3A : memref<1x1x640xf32, #tpu.memory_space<hbm>> -> memref<640xf32, #tpu.memory_space<hbm>>
      %dma_start3A_47 = tpu.memref_slice %arg4[%run_scoped3A_33, %arg0, %mul3A_32] : memref<2x2x10240xf32, #tpu.memory_space<hbm>> -> memref<1x1x640xf32, #tpu.memory_space<hbm>>
      %dma_start3A_48 = tpu.memref_squeeze %dma_start3A_47 : memref<1x1x640xf32, #tpu.memory_space<hbm>> -> memref<640xf32, #tpu.memory_space<hbm>>
      tpu.enqueue_dma source(%arg11 : memref<640xf32, #tpu.memory_space<vmem>>) target(%dma_start3A_48 : memref<640xf32, #tpu.memory_space<hbm>>) target_semaphore(%run_scoped3A_45 : memref<!tpu.dma_semaphore, #tpu.memory_space<semaphore_mem>>)
      %dma_wait3A = tpu.memref_slice %arg4[%run_scoped3A_33, %arg0, %mul3A_32] : memref<2x2x10240xf32, #tpu.memory_space<hbm>> -> memref<1x1x640xf32, #tpu.memory_space<hbm>>
      %dma_wait3A_49 = tpu.memref_squeeze %dma_wait3A : memref<1x1x640xf32, #tpu.memory_space<hbm>> -> memref<640xf32, #tpu.memory_space<hbm>>
      %dma_wait3A_50 = tpu.memref_slice %arg4[%run_scoped3A_33, %arg0, %mul3A_32] : memref<2x2x10240xf32, #tpu.memory_space<hbm>> -> memref<1x1x640xf32, #tpu.memory_space<hbm>>
      %dma_wait3A_51 = tpu.memref_squeeze %dma_wait3A_50 : memref<1x1x640xf32, #tpu.memory_space<hbm>> -> memref<640xf32, #tpu.memory_space<hbm>>
      tpu.wait_dma2 semaphore(%run_scoped3A_45 : memref<!tpu.dma_semaphore, #tpu.memory_space<semaphore_mem>>) src(%arg11 : memref<640xf32, #tpu.memory_space<vmem>>) dst(%dma_wait3A_51 : memref<640xf32, #tpu.memory_space<hbm>>)
      tpu.yield
    }) : () -> ()
    %mul3A_34 = arith.constant 640 : i32
    %mul3A_35 = arith.muli %arg1, %mul3A_34 : i32
    %run_scoped3A_36 = arith.constant 1 : i32
    "tpu.region"() ({
      %run_scoped3A_45 = tpu.sem_alloc : memref<!tpu.dma_semaphore, #tpu.memory_space<semaphore_mem>>
      %dma_start3A = arith.constant 0 : i32
      %dma_start3A_46 = tpu.memref_slice %arg9[%run_scoped3A_36, %dma_start3A, %mul3A_35] : memref<2x16x10240xf32, #tpu.memory_space<vmem_shared>> -> memref<1x16x640xf32, #tpu.memory_space<vmem_shared>>
      %dma_start3A_47 = tpu.memref_squeeze %dma_start3A_46 : memref<1x16x640xf32, #tpu.memory_space<vmem_shared>> -> memref<16x640xf32, #tpu.memory_space<vmem_shared>>
      %dma_start3A_48 = arith.constant 0 : i32
      %dma_start3A_49 = tpu.memref_slice %arg9[%run_scoped3A_36, %dma_start3A_48, %mul3A_35] : memref<2x16x10240xf32, #tpu.memory_space<vmem_shared>> -> memref<1x16x640xf32, #tpu.memory_space<vmem_shared>>
      %dma_start3A_50 = tpu.memref_squeeze %dma_start3A_49 : memref<1x16x640xf32, #tpu.memory_space<vmem_shared>> -> memref<16x640xf32, #tpu.memory_space<vmem_shared>>
      tpu.enqueue_dma source(%dma_start3A_50 : memref<16x640xf32, #tpu.memory_space<vmem_shared>>) target(%arg10 : memref<16x640xf32, #tpu.memory_space<vmem>>) target_semaphore(%run_scoped3A_45 : memref<!tpu.dma_semaphore, #tpu.memory_space<semaphore_mem>>)
      %dma_wait3A = arith.constant 0 : i32
      %dma_wait3A_51 = tpu.memref_slice %arg9[%run_scoped3A_36, %dma_wait3A, %mul3A_35] : memref<2x16x10240xf32, #tpu.memory_space<vmem_shared>> -> memref<1x16x640xf32, #tpu.memory_space<vmem_shared>>
      %dma_wait3A_52 = tpu.memref_squeeze %dma_wait3A_51 : memref<1x16x640xf32, #tpu.memory_space<vmem_shared>> -> memref<16x640xf32, #tpu.memory_space<vmem_shared>>
      %dma_wait3A_53 = arith.constant 0 : i32
      %dma_wait3A_54 = tpu.memref_slice %arg9[%run_scoped3A_36, %dma_wait3A_53, %mul3A_35] : memref<2x16x10240xf32, #tpu.memory_space<vmem_shared>> -> memref<1x16x640xf32, #tpu.memory_space<vmem_shared>>
      %dma_wait3A_55 = tpu.memref_squeeze %dma_wait3A_54 : memref<1x16x640xf32, #tpu.memory_space<vmem_shared>> -> memref<16x640xf32, #tpu.memory_space<vmem_shared>>
      tpu.wait_dma2 semaphore(%run_scoped3A_45 : memref<!tpu.dma_semaphore, #tpu.memory_space<semaphore_mem>>) src(%dma_wait3A_55 : memref<16x640xf32, #tpu.memory_space<vmem_shared>>) dst(%arg10 : memref<16x640xf32, #tpu.memory_space<vmem>>)
      tpu.yield
    }) : () -> ()
    %scan3A_37 = arith.constant 0 : i32
    %scan3A_38 = arith.constant 40 : i32
    %scan3A_39 = arith.addi %scan3A_37, %scan3A_38 : i32
    %scan3A_40 = arith.constant 1 : i32
    scf.for %scan3A_45 = %scan3A_37 to %scan3A_39 step %scan3A_40  : i32 {
      %mul3A_46 = arith.constant 16 : i32
      %mul3A_47 = arith.muli %scan3A_45, %mul3A_46 : i32
      %get3A_48 = arith.constant 0 : i32
      %get3A_49 = arith.index_cast %get3A_48 : i32 to index
      %get3A_50 = arith.index_cast %mul3A_47 : i32 to index
      %get3A_51 = tpu.vector_load %arg10[%get3A_49, %get3A_50] {strides = array<i32>} : memref<16x640xf32, #tpu.memory_space<vmem>>, vector<16xf32>,
      %mul3A_52 = arith.constant 16 : i32
      %mul3A_53 = arith.muli %scan3A_45, %mul3A_52 : i32
      %get3A_54 = arith.constant 1 : i32
      %get3A_55 = arith.index_cast %get3A_54 : i32 to index
      %get3A_56 = arith.index_cast %mul3A_53 : i32 to index
      %get3A_57 = tpu.vector_load %arg10[%get3A_55, %get3A_56] {strides = array<i32>} : memref<16x640xf32, #tpu.memory_space<vmem>>, vector<16xf32>,
      %add3A_58 = arith.addf %get3A_51, %get3A_57 : vector<16xf32>
      %mul3A_59 = arith.constant 16 : i32
      %mul3A_60 = arith.muli %scan3A_45, %mul3A_59 : i32
      %get3A_61 = arith.constant 2 : i32
      %get3A_62 = arith.index_cast %get3A_61 : i32 to index
      %get3A_63 = arith.index_cast %mul3A_60 : i32 to index
      %get3A_64 = tpu.vector_load %arg10[%get3A_62, %get3A_63] {strides = array<i32>} : memref<16x640xf32, #tpu.memory_space<vmem>>, vector<16xf32>,
      %add3A_65 = arith.addf %add3A_58, %get3A_64 : vector<16xf32>
      %mul3A_66 = arith.constant 16 : i32
      %mul3A_67 = arith.muli %scan3A_45, %mul3A_66 : i32
      %get3A_68 = arith.constant 3 : i32
      %get3A_69 = arith.index_cast %get3A_68 : i32 to index
      %get3A_70 = arith.index_cast %mul3A_67 : i32 to index
      %get3A_71 = tpu.vector_load %arg10[%get3A_69, %get3A_70] {strides = array<i32>} : memref<16x640xf32, #tpu.memory_space<vmem>>, vector<16xf32>,
      %add3A_72 = arith.addf %add3A_65, %get3A_71 : vector<16xf32>
      %mul3A_73 = arith.constant 16 : i32
      %mul3A_74 = arith.muli %scan3A_45, %mul3A_73 : i32
      %get3A_75 = arith.constant 4 : i32
      %get3A_76 = arith.index_cast %get3A_75 : i32 to index
      %get3A_77 = arith.index_cast %mul3A_74 : i32 to index
      %get3A_78 = tpu.vector_load %arg10[%get3A_76, %get3A_77] {strides = array<i32>} : memref<16x640xf32, #tpu.memory_space<vmem>>, vector<16xf32>,
      %add3A_79 = arith.addf %add3A_72, %get3A_78 : vector<16xf32>
      %mul3A_80 = arith.constant 16 : i32
      %mul3A_81 = arith.muli %scan3A_45, %mul3A_80 : i32
      %get3A_82 = arith.constant 5 : i32
      %get3A_83 = arith.index_cast %get3A_82 : i32 to index
      %get3A_84 = arith.index_cast %mul3A_81 : i32 to index
      %get3A_85 = tpu.vector_load %arg10[%get3A_83, %get3A_84] {strides = array<i32>} : memref<16x640xf32, #tpu.memory_space<vmem>>, vector<16xf32>,
      %add3A_86 = arith.addf %add3A_79, %get3A_85 : vector<16xf32>
      %mul3A_87 = arith.constant 16 : i32
      %mul3A_88 = arith.muli %scan3A_45, %mul3A_87 : i32
      %get3A_89 = arith.constant 6 : i32
      %get3A_90 = arith.index_cast %get3A_89 : i32 to index
      %get3A_91 = arith.index_cast %mul3A_88 : i32 to index
      %get3A_92 = tpu.vector_load %arg10[%get3A_90, %get3A_91] {strides = array<i32>} : memref<16x640xf32, #tpu.memory_space<vmem>>, vector<16xf32>,
      %add3A_93 = arith.addf %add3A_86, %get3A_92 : vector<16xf32>
      %mul3A_94 = arith.constant 16 : i32
      %mul3A_95 = arith.muli %scan3A_45, %mul3A_94 : i32
      %get3A_96 = arith.constant 7 : i32
      %get3A_97 = arith.index_cast %get3A_96 : i32 to index
      %get3A_98 = arith.index_cast %mul3A_95 : i32 to index
      %get3A_99 = tpu.vector_load %arg10[%get3A_97, %get3A_98] {strides = array<i32>} : memref<16x640xf32, #tpu.memory_space<vmem>>, vector<16xf32>,
      %add3A_100 = arith.addf %add3A_93, %get3A_99 : vector<16xf32>
      %mul3A_101 = arith.constant 16 : i32
      %mul3A_102 = arith.muli %scan3A_45, %mul3A_101 : i32
      %get3A_103 = arith.constant 8 : i32
      %get3A_104 = arith.index_cast %get3A_103 : i32 to index
      %get3A_105 = arith.index_cast %mul3A_102 : i32 to index
      %get3A_106 = tpu.vector_load %arg10[%get3A_104, %get3A_105] {strides = array<i32>} : memref<16x640xf32, #tpu.memory_space<vmem>>, vector<16xf32>,
      %add3A_107 = arith.addf %add3A_100, %get3A_106 : vector<16xf32>
      %mul3A_108 = arith.constant 16 : i32
      %mul3A_109 = arith.muli %scan3A_45, %mul3A_108 : i32
      %get3A_110 = arith.constant 9 : i32
      %get3A_111 = arith.index_cast %get3A_110 : i32 to index
      %get3A_112 = arith.index_cast %mul3A_109 : i32 to index
      %get3A_113 = tpu.vector_load %arg10[%get3A_111, %get3A_112] {strides = array<i32>} : memref<16x640xf32, #tpu.memory_space<vmem>>, vector<16xf32>,
      %add3A_114 = arith.addf %add3A_107, %get3A_113 : vector<16xf32>
      %mul3A_115 = arith.constant 16 : i32
      %mul3A_116 = arith.muli %scan3A_45, %mul3A_115 : i32
      %get3A_117 = arith.constant 10 : i32
      %get3A_118 = arith.index_cast %get3A_117 : i32 to index
      %get3A_119 = arith.index_cast %mul3A_116 : i32 to index
      %get3A_120 = tpu.vector_load %arg10[%get3A_118, %get3A_119] {strides = array<i32>} : memref<16x640xf32, #tpu.memory_space<vmem>>, vector<16xf32>,
      %add3A_121 = arith.addf %add3A_114, %get3A_120 : vector<16xf32>
      %mul3A_122 = arith.constant 16 : i32
      %mul3A_123 = arith.muli %scan3A_45, %mul3A_122 : i32
      %get3A_124 = arith.constant 11 : i32
      %get3A_125 = arith.index_cast %get3A_124 : i32 to index
      %get3A_126 = arith.index_cast %mul3A_123 : i32 to index
      %get3A_127 = tpu.vector_load %arg10[%get3A_125, %get3A_126] {strides = array<i32>} : memref<16x640xf32, #tpu.memory_space<vmem>>, vector<16xf32>,
      %add3A_128 = arith.addf %add3A_121, %get3A_127 : vector<16xf32>
      %mul3A_129 = arith.constant 16 : i32
      %mul3A_130 = arith.muli %scan3A_45, %mul3A_129 : i32
      %get3A_131 = arith.constant 12 : i32
      %get3A_132 = arith.index_cast %get3A_131 : i32 to index
      %get3A_133 = arith.index_cast %mul3A_130 : i32 to index
      %get3A_134 = tpu.vector_load %arg10[%get3A_132, %get3A_133] {strides = array<i32>} : memref<16x640xf32, #tpu.memory_space<vmem>>, vector<16xf32>,
      %add3A_135 = arith.addf %add3A_128, %get3A_134 : vector<16xf32>
      %mul3A_136 = arith.constant 16 : i32
      %mul3A_137 = arith.muli %scan3A_45, %mul3A_136 : i32
      %get3A_138 = arith.constant 13 : i32
      %get3A_139 = arith.index_cast %get3A_138 : i32 to index
      %get3A_140 = arith.index_cast %mul3A_137 : i32 to index
      %get3A_141 = tpu.vector_load %arg10[%get3A_139, %get3A_140] {strides = array<i32>} : memref<16x640xf32, #tpu.memory_space<vmem>>, vector<16xf32>,
      %add3A_142 = arith.addf %add3A_135, %get3A_141 : vector<16xf32>
      %mul3A_143 = arith.constant 16 : i32
      %mul3A_144 = arith.muli %scan3A_45, %mul3A_143 : i32
      %get3A_145 = arith.constant 14 : i32
      %get3A_146 = arith.index_cast %get3A_145 : i32 to index
      %get3A_147 = arith.index_cast %mul3A_144 : i32 to index
      %get3A_148 = tpu.vector_load %arg10[%get3A_146, %get3A_147] {strides = array<i32>} : memref<16x640xf32, #tpu.memory_space<vmem>>, vector<16xf32>,
      %add3A_149 = arith.addf %add3A_142, %get3A_148 : vector<16xf32>
      %mul3A_150 = arith.constant 16 : i32
      %mul3A_151 = arith.muli %scan3A_45, %mul3A_150 : i32
      %get3A_152 = arith.constant 15 : i32
      %get3A_153 = arith.index_cast %get3A_152 : i32 to index
      %get3A_154 = arith.index_cast %mul3A_151 : i32 to index
      %get3A_155 = tpu.vector_load %arg10[%get3A_153, %get3A_154] {strides = array<i32>} : memref<16x640xf32, #tpu.memory_space<vmem>>, vector<16xf32>,
      %add3A_156 = arith.addf %add3A_149, %get3A_155 : vector<16xf32>
      %mul3A_157 = arith.constant 16 : i32
      %mul3A_158 = arith.muli %scan3A_45, %mul3A_157 : i32
      %swap3A = arith.index_cast %mul3A_158 : i32 to index
      %swap3A_159 = tpu.vector_load %arg11[%swap3A] {strides = array<i32>} : memref<640xf32, #tpu.memory_space<vmem>>, vector<16xf32>,
      tpu.vector_store %arg11[%swap3A], %add3A_156 {strides = array<i32>} : memref<640xf32, #tpu.memory_space<vmem>>, vector<16xf32>,
    }
    %scan3A_41 = arith.constant 40 : i32
    %mul3A_42 = arith.constant 640 : i32
    %mul3A_43 = arith.muli %arg1, %mul3A_42 : i32
    %run_scoped3A_44 = arith.constant 1 : i32
    "tpu.region"() ({
      %run_scoped3A_45 = tpu.sem_alloc : memref<!tpu.dma_semaphore, #tpu.memory_space<semaphore_mem>>
      %dma_start3A = tpu.memref_slice %arg4[%run_scoped3A_44, %arg0, %mul3A_43] : memref<2x2x10240xf32, #tpu.memory_space<hbm>> -> memref<1x1x640xf32, #tpu.memory_space<hbm>>
      %dma_start3A_46 = tpu.memref_squeeze %dma_start3A : memref<1x1x640xf32, #tpu.memory_space<hbm>> -> memref<640xf32, #tpu.memory_space<hbm>>
      %dma_start3A_47 = tpu.memref_slice %arg4[%run_scoped3A_44, %arg0, %mul3A_43] : memref<2x2x10240xf32, #tpu.memory_space<hbm>> -> memref<1x1x640xf32, #tpu.memory_space<hbm>>
      %dma_start3A_48 = tpu.memref_squeeze %dma_start3A_47 : memref<1x1x640xf32, #tpu.memory_space<hbm>> -> memref<640xf32, #tpu.memory_space<hbm>>
      tpu.enqueue_dma source(%arg11 : memref<640xf32, #tpu.memory_space<vmem>>) target(%dma_start3A_48 : memref<640xf32, #tpu.memory_space<hbm>>) target_semaphore(%run_scoped3A_45 : memref<!tpu.dma_semaphore, #tpu.memory_space<semaphore_mem>>)
      %dma_wait3A = tpu.memref_slice %arg4[%run_scoped3A_44, %arg0, %mul3A_43] : memref<2x2x10240xf32, #tpu.memory_space<hbm>> -> memref<1x1x640xf32, #tpu.memory_space<hbm>>
      %dma_wait3A_49 = tpu.memref_squeeze %dma_wait3A : memref<1x1x640xf32, #tpu.memory_space<hbm>> -> memref<640xf32, #tpu.memory_space<hbm>>
      %dma_wait3A_50 = tpu.memref_slice %arg4[%run_scoped3A_44, %arg0, %mul3A_43] : memref<2x2x10240xf32, #tpu.memory_space<hbm>> -> memref<1x1x640xf32, #tpu.memory_space<hbm>>
      %dma_wait3A_51 = tpu.memref_squeeze %dma_wait3A_50 : memref<1x1x640xf32, #tpu.memory_space<hbm>> -> memref<640xf32, #tpu.memory_space<hbm>>
      tpu.wait_dma2 semaphore(%run_scoped3A_45 : memref<!tpu.dma_semaphore, #tpu.memory_space<semaphore_mem>>) src(%arg11 : memref<640xf32, #tpu.memory_space<vmem>>) dst(%dma_wait3A_51 : memref<640xf32, #tpu.memory_space<hbm>>)
      tpu.yield
    }) : () -> ()
    return
  }
}

#map = affine_map<(d0, d1) -> (0, 0)>
#map1 = affine_map<(d0, d1) -> (0, 0, 0, 0)>
#map2 = affine_map<(d0, d1) -> (0, 0, 0)>
module attributes {stable_mosaic.version = 14 : i64} {
  func.func @_prop_col_kernel(%arg0: i32, %arg1: i32, %arg2: memref<20480x128xf32, #tpu.memory_space<hbm>>, %arg3: memref<2x16x80x125xi32, #tpu.memory_space<hbm>>, %arg4: memref<16x80x125xi32, #tpu.memory_space<hbm>>, %arg5: memref<20480x128xf32, #tpu.memory_space<hbm>>, %arg6: memref<80x125xi32, #tpu.memory_space<vmem>>, %arg7: memref<125xi32, #tpu.memory_space<vmem>>, %arg8: memref<125xi32, #tpu.memory_space<vmem>>, %arg9: memref<125x128xf32, #tpu.memory_space<vmem>>, %arg10: memref<125x128xf32, #tpu.memory_space<vmem>>, %arg11: memref<10240x128xf32, #tpu.memory_space<vmem_shared>>, %arg12: memref<!tpu.dma_semaphore, #tpu.memory_space<semaphore_mem>>, %arg13: memref<!tpu.dma_semaphore, #tpu.memory_space<semaphore_mem>>, %arg14: memref<!tpu.dma_semaphore, #tpu.memory_space<semaphore_mem>>, %arg15: memref<!tpu.dma_semaphore, #tpu.memory_space<semaphore_mem>>, %arg16: memref<!tpu.dma_semaphore, #tpu.memory_space<semaphore_mem>>, %arg17: memref<!tpu.dma_semaphore, #tpu.memory_space<semaphore_mem>>) attributes {dimension_semantics = [#tpu.dimension_semantics<core_parallel>, #tpu.dimension_semantics<subcore_parallel>], iteration_bounds = array<i64: 2, 16>, scalar_prefetch = 0 : i64, scratch_operands = 12 : i64, tpu.core_type = #tpu.core_type<sc_vector_subcore>, window_params = [{transform_indices = #map}, {transform_indices = #map1}, {transform_indices = #map2}, {transform_indices = #map}]} {
    "tpu.region"() ({
      %run_scoped3A = tpu.sem_alloc : memref<!tpu.dma_semaphore, #tpu.memory_space<semaphore_mem>>
      %dma_start3A_89 = arith.constant 0 : i32
      %dma_start3A_90 = arith.constant 0 : i32
      %dma_start3A_91 = tpu.memref_slice %arg4[%arg1, %dma_start3A_89, %dma_start3A_90] : memref<16x80x125xi32, #tpu.memory_space<hbm>> -> memref<1x80x125xi32, #tpu.memory_space<hbm>>
      %dma_start3A_92 = tpu.memref_squeeze %dma_start3A_91 : memref<1x80x125xi32, #tpu.memory_space<hbm>> -> memref<80x125xi32, #tpu.memory_space<hbm>>
      %dma_start3A_93 = arith.constant 0 : i32
      %dma_start3A_94 = arith.constant 0 : i32
      %dma_start3A_95 = tpu.memref_slice %arg4[%arg1, %dma_start3A_93, %dma_start3A_94] : memref<16x80x125xi32, #tpu.memory_space<hbm>> -> memref<1x80x125xi32, #tpu.memory_space<hbm>>
      %dma_start3A_96 = tpu.memref_squeeze %dma_start3A_95 : memref<1x80x125xi32, #tpu.memory_space<hbm>> -> memref<80x125xi32, #tpu.memory_space<hbm>>
      tpu.enqueue_dma source(%dma_start3A_96 : memref<80x125xi32, #tpu.memory_space<hbm>>) target(%arg6 : memref<80x125xi32, #tpu.memory_space<vmem>>) target_semaphore(%run_scoped3A : memref<!tpu.dma_semaphore, #tpu.memory_space<semaphore_mem>>)
      %dma_wait3A_97 = arith.constant 0 : i32
      %dma_wait3A_98 = arith.constant 0 : i32
      %dma_wait3A_99 = tpu.memref_slice %arg4[%arg1, %dma_wait3A_97, %dma_wait3A_98] : memref<16x80x125xi32, #tpu.memory_space<hbm>> -> memref<1x80x125xi32, #tpu.memory_space<hbm>>
      %dma_wait3A_100 = tpu.memref_squeeze %dma_wait3A_99 : memref<1x80x125xi32, #tpu.memory_space<hbm>> -> memref<80x125xi32, #tpu.memory_space<hbm>>
      %dma_wait3A_101 = arith.constant 0 : i32
      %dma_wait3A_102 = arith.constant 0 : i32
      %dma_wait3A_103 = tpu.memref_slice %arg4[%arg1, %dma_wait3A_101, %dma_wait3A_102] : memref<16x80x125xi32, #tpu.memory_space<hbm>> -> memref<1x80x125xi32, #tpu.memory_space<hbm>>
      %dma_wait3A_104 = tpu.memref_squeeze %dma_wait3A_103 : memref<1x80x125xi32, #tpu.memory_space<hbm>> -> memref<80x125xi32, #tpu.memory_space<hbm>>
      tpu.wait_dma2 semaphore(%run_scoped3A : memref<!tpu.dma_semaphore, #tpu.memory_space<semaphore_mem>>) src(%dma_wait3A_104 : memref<80x125xi32, #tpu.memory_space<hbm>>) dst(%arg6 : memref<80x125xi32, #tpu.memory_space<vmem>>)
      tpu.yield
    }) : () -> ()
    %broadcast_in_dim3A = arith.constant 0.000000e+00 : f32
    %broadcast_in_dim3A_0 = vector.broadcast %broadcast_in_dim3A : f32 to vector<16xf32>
    %scan3A = arith.constant 0 : i32
    %scan3A_1 = arith.constant 125 : i32
    %scan3A_2 = arith.addi %scan3A, %scan3A_1 : i32
    %scan3A_3 = arith.constant 1 : i32
    scf.for %scan3A_89 = %scan3A to %scan3A_2 step %scan3A_3  : i32 {
      %scan3A_90 = arith.constant 0 : i32
      %scan3A_91 = arith.constant 8 : i32
      %scan3A_92 = arith.addi %scan3A_90, %scan3A_91 : i32
      %scan3A_93 = arith.constant 1 : i32
      scf.for %scan3A_95 = %scan3A_90 to %scan3A_92 step %scan3A_93  : i32 {
        %mul3A_96 = arith.constant 16 : i32
        %mul3A_97 = arith.muli %scan3A_95, %mul3A_96 : i32
        %swap3A = arith.index_cast %scan3A_89 : i32 to index
        %swap3A_98 = arith.index_cast %mul3A_97 : i32 to index
        %swap3A_99 = tpu.vector_load %arg9[%swap3A, %swap3A_98] {strides = array<i32>} : memref<125x128xf32, #tpu.memory_space<vmem>>, vector<1x16xf32>,
        %swap3A_100 = vector.shape_cast %swap3A_99 : vector<1x16xf32> to vector<16xf32>
        %swap3A_101 = vector.shape_cast %broadcast_in_dim3A_0 : vector<16xf32> to vector<1x16xf32>
        tpu.vector_store %arg9[%swap3A, %swap3A_98], %swap3A_101 {strides = array<i32>} : memref<125x128xf32, #tpu.memory_space<vmem>>, vector<1x16xf32>,
      }
      %scan3A_94 = arith.constant 8 : i32
    }
    %scan3A_4 = arith.constant 125 : i32
    %scan3A_5 = arith.constant 0 : i32
    %scan3A_6 = arith.constant 5 : i32
    %scan3A_7 = arith.addi %scan3A_5, %scan3A_6 : i32
    %scan3A_8 = arith.constant 1 : i32
    scf.for %scan3A_89 = %scan3A_5 to %scan3A_7 step %scan3A_8  : i32 {
      %mul3A_90 = arith.constant 640 : i32
      %mul3A_91 = arith.muli %arg1, %mul3A_90 : i32
      %mul3A_92 = arith.constant 125 : i32
      %mul3A_93 = arith.muli %scan3A_89, %mul3A_92 : i32
      %add3A_94 = arith.addi %mul3A_91, %mul3A_93 : i32
      "tpu.region"() ({
        %run_scoped3A = tpu.sem_alloc : memref<!tpu.dma_semaphore, #tpu.memory_space<semaphore_mem>>
        %dma_start3A_95 = arith.constant 0 : i32
        %dma_start3A_96 = tpu.memref_slice %arg11[%add3A_94, %dma_start3A_95] : memref<10240x128xf32, #tpu.memory_space<vmem_shared>> -> memref<125x128xf32, #tpu.memory_space<vmem_shared>>
        %dma_start3A_97 = arith.constant 0 : i32
        %dma_start3A_98 = tpu.memref_slice %arg11[%add3A_94, %dma_start3A_97] : memref<10240x128xf32, #tpu.memory_space<vmem_shared>> -> memref<125x128xf32, #tpu.memory_space<vmem_shared>>
        tpu.enqueue_dma source(%arg9 : memref<125x128xf32, #tpu.memory_space<vmem>>) target(%dma_start3A_98 : memref<125x128xf32, #tpu.memory_space<vmem_shared>>) target_semaphore(%run_scoped3A : memref<!tpu.dma_semaphore, #tpu.memory_space<semaphore_mem>>)
        %dma_wait3A_99 = arith.constant 0 : i32
        %dma_wait3A_100 = tpu.memref_slice %arg11[%add3A_94, %dma_wait3A_99] : memref<10240x128xf32, #tpu.memory_space<vmem_shared>> -> memref<125x128xf32, #tpu.memory_space<vmem_shared>>
        %dma_wait3A_101 = arith.constant 0 : i32
        %dma_wait3A_102 = tpu.memref_slice %arg11[%add3A_94, %dma_wait3A_101] : memref<10240x128xf32, #tpu.memory_space<vmem_shared>> -> memref<125x128xf32, #tpu.memory_space<vmem_shared>>
        tpu.wait_dma2 semaphore(%run_scoped3A : memref<!tpu.dma_semaphore, #tpu.memory_space<semaphore_mem>>) src(%arg9 : memref<125x128xf32, #tpu.memory_space<vmem>>) dst(%dma_wait3A_102 : memref<125x128xf32, #tpu.memory_space<vmem_shared>>)
        tpu.yield
      }) : () -> ()
    }
    %scan3A_9 = arith.constant 5 : i32
    %mul3A = arith.constant 640 : i32
    %mul3A_10 = arith.muli %arg1, %mul3A : i32
    %add3A = arith.constant 625 : i32
    %add3A_11 = arith.addi %mul3A_10, %add3A : i32
    "tpu.region"() ({
      %run_scoped3A = tpu.sem_alloc : memref<!tpu.dma_semaphore, #tpu.memory_space<semaphore_mem>>
      %dma_start3A_89 = arith.constant 0 : i32
      %dma_start3A_90 = arith.constant 0 : i32
      %dma_start3A_91 = tpu.memref_slice %arg9[%dma_start3A_89, %dma_start3A_90] : memref<125x128xf32, #tpu.memory_space<vmem>> -> memref<15x128xf32, #tpu.memory_space<vmem>>
      %dma_start3A_92 = arith.constant 0 : i32
      %dma_start3A_93 = tpu.memref_slice %arg11[%add3A_11, %dma_start3A_92] : memref<10240x128xf32, #tpu.memory_space<vmem_shared>> -> memref<15x128xf32, #tpu.memory_space<vmem_shared>>
      %dma_start3A_94 = arith.constant 0 : i32
      %dma_start3A_95 = tpu.memref_slice %arg11[%add3A_11, %dma_start3A_94] : memref<10240x128xf32, #tpu.memory_space<vmem_shared>> -> memref<15x128xf32, #tpu.memory_space<vmem_shared>>
      %dma_start3A_96 = arith.constant 0 : i32
      %dma_start3A_97 = arith.constant 0 : i32
      %dma_start3A_98 = tpu.memref_slice %arg9[%dma_start3A_96, %dma_start3A_97] : memref<125x128xf32, #tpu.memory_space<vmem>> -> memref<15x128xf32, #tpu.memory_space<vmem>>
      tpu.enqueue_dma source(%dma_start3A_98 : memref<15x128xf32, #tpu.memory_space<vmem>>) target(%dma_start3A_95 : memref<15x128xf32, #tpu.memory_space<vmem_shared>>) target_semaphore(%run_scoped3A : memref<!tpu.dma_semaphore, #tpu.memory_space<semaphore_mem>>)
      %dma_wait3A_99 = arith.constant 0 : i32
      %dma_wait3A_100 = arith.constant 0 : i32
      %dma_wait3A_101 = tpu.memref_slice %arg9[%dma_wait3A_99, %dma_wait3A_100] : memref<125x128xf32, #tpu.memory_space<vmem>> -> memref<15x128xf32, #tpu.memory_space<vmem>>
      %dma_wait3A_102 = arith.constant 0 : i32
      %dma_wait3A_103 = tpu.memref_slice %arg11[%add3A_11, %dma_wait3A_102] : memref<10240x128xf32, #tpu.memory_space<vmem_shared>> -> memref<15x128xf32, #tpu.memory_space<vmem_shared>>
      %dma_wait3A_104 = arith.constant 0 : i32
      %dma_wait3A_105 = tpu.memref_slice %arg11[%add3A_11, %dma_wait3A_104] : memref<10240x128xf32, #tpu.memory_space<vmem_shared>> -> memref<15x128xf32, #tpu.memory_space<vmem_shared>>
      %dma_wait3A_106 = arith.constant 0 : i32
      %dma_wait3A_107 = arith.constant 0 : i32
      %dma_wait3A_108 = tpu.memref_slice %arg9[%dma_wait3A_106, %dma_wait3A_107] : memref<125x128xf32, #tpu.memory_space<vmem>> -> memref<15x128xf32, #tpu.memory_space<vmem>>
      tpu.wait_dma2 semaphore(%run_scoped3A : memref<!tpu.dma_semaphore, #tpu.memory_space<semaphore_mem>>) src(%dma_wait3A_108 : memref<15x128xf32, #tpu.memory_space<vmem>>) dst(%dma_wait3A_105 : memref<15x128xf32, #tpu.memory_space<vmem_shared>>)
      tpu.yield
    }) : () -> ()
    %barrier3A = arith.constant 0 : index
    tpu.barrier barrier_id(%barrier3A)
    %dma_start3A = arith.constant 0 : i32
    %dma_start3A_12 = arith.constant 0 : i32
    %dma_start3A_13 = arith.constant 0 : i32
    %dma_start3A_14 = tpu.memref_slice %arg3[%arg0, %arg1, %dma_start3A_12, %dma_start3A_13] : memref<2x16x80x125xi32, #tpu.memory_space<hbm>> -> memref<1x1x80x125xi32, #tpu.memory_space<hbm>>
    %dma_start3A_15 = tpu.memref_squeeze %dma_start3A_14 : memref<1x1x80x125xi32, #tpu.memory_space<hbm>> -> memref<80x125xi32, #tpu.memory_space<hbm>>
    %dma_start3A_16 = arith.constant 0 : i32
    %dma_start3A_17 = tpu.memref_slice %dma_start3A_15[%dma_start3A, %dma_start3A_16] : memref<80x125xi32, #tpu.memory_space<hbm>> -> memref<1x125xi32, #tpu.memory_space<hbm>>
    %dma_start3A_18 = tpu.memref_squeeze %dma_start3A_17 : memref<1x125xi32, #tpu.memory_space<hbm>> -> memref<125xi32, #tpu.memory_space<hbm>>
    %dma_start3A_19 = arith.constant 0 : i32
    %dma_start3A_20 = arith.constant 0 : i32
    %dma_start3A_21 = tpu.memref_slice %arg3[%arg0, %arg1, %dma_start3A_19, %dma_start3A_20] : memref<2x16x80x125xi32, #tpu.memory_space<hbm>> -> memref<1x1x80x125xi32, #tpu.memory_space<hbm>>
    %dma_start3A_22 = tpu.memref_squeeze %dma_start3A_21 : memref<1x1x80x125xi32, #tpu.memory_space<hbm>> -> memref<80x125xi32, #tpu.memory_space<hbm>>
    %dma_start3A_23 = arith.constant 0 : i32
    %dma_start3A_24 = tpu.memref_slice %dma_start3A_22[%dma_start3A, %dma_start3A_23] : memref<80x125xi32, #tpu.memory_space<hbm>> -> memref<1x125xi32, #tpu.memory_space<hbm>>
    %dma_start3A_25 = tpu.memref_squeeze %dma_start3A_24 : memref<1x125xi32, #tpu.memory_space<hbm>> -> memref<125xi32, #tpu.memory_space<hbm>>
    tpu.enqueue_dma source(%dma_start3A_25 : memref<125xi32, #tpu.memory_space<hbm>>) target(%arg7 : memref<125xi32, #tpu.memory_space<vmem>>) target_semaphore(%arg16 : memref<!tpu.dma_semaphore, #tpu.memory_space<semaphore_mem>>)
    %dma_start3A_26 = arith.constant 1 : i32
    %dma_start3A_27 = arith.constant 0 : i32
    %dma_start3A_28 = arith.constant 0 : i32
    %dma_start3A_29 = tpu.memref_slice %arg3[%arg0, %arg1, %dma_start3A_27, %dma_start3A_28] : memref<2x16x80x125xi32, #tpu.memory_space<hbm>> -> memref<1x1x80x125xi32, #tpu.memory_space<hbm>>
    %dma_start3A_30 = tpu.memref_squeeze %dma_start3A_29 : memref<1x1x80x125xi32, #tpu.memory_space<hbm>> -> memref<80x125xi32, #tpu.memory_space<hbm>>
    %dma_start3A_31 = arith.constant 0 : i32
    %dma_start3A_32 = tpu.memref_slice %dma_start3A_30[%dma_start3A_26, %dma_start3A_31] : memref<80x125xi32, #tpu.memory_space<hbm>> -> memref<1x125xi32, #tpu.memory_space<hbm>>
    %dma_start3A_33 = tpu.memref_squeeze %dma_start3A_32 : memref<1x125xi32, #tpu.memory_space<hbm>> -> memref<125xi32, #tpu.memory_space<hbm>>
    %dma_start3A_34 = arith.constant 0 : i32
    %dma_start3A_35 = arith.constant 0 : i32
    %dma_start3A_36 = tpu.memref_slice %arg3[%arg0, %arg1, %dma_start3A_34, %dma_start3A_35] : memref<2x16x80x125xi32, #tpu.memory_space<hbm>> -> memref<1x1x80x125xi32, #tpu.memory_space<hbm>>
    %dma_start3A_37 = tpu.memref_squeeze %dma_start3A_36 : memref<1x1x80x125xi32, #tpu.memory_space<hbm>> -> memref<80x125xi32, #tpu.memory_space<hbm>>
    %dma_start3A_38 = arith.constant 0 : i32
    %dma_start3A_39 = tpu.memref_slice %dma_start3A_37[%dma_start3A_26, %dma_start3A_38] : memref<80x125xi32, #tpu.memory_space<hbm>> -> memref<1x125xi32, #tpu.memory_space<hbm>>
    %dma_start3A_40 = tpu.memref_squeeze %dma_start3A_39 : memref<1x125xi32, #tpu.memory_space<hbm>> -> memref<125xi32, #tpu.memory_space<hbm>>
    tpu.enqueue_dma source(%dma_start3A_40 : memref<125xi32, #tpu.memory_space<hbm>>) target(%arg8 : memref<125xi32, #tpu.memory_space<vmem>>) target_semaphore(%arg17 : memref<!tpu.dma_semaphore, #tpu.memory_space<semaphore_mem>>)
    %dma_wait3A = arith.constant 0 : i32
    %dma_wait3A_41 = arith.constant 0 : i32
    %dma_wait3A_42 = arith.constant 0 : i32
    %dma_wait3A_43 = tpu.memref_slice %arg3[%arg0, %arg1, %dma_wait3A_41, %dma_wait3A_42] : memref<2x16x80x125xi32, #tpu.memory_space<hbm>> -> memref<1x1x80x125xi32, #tpu.memory_space<hbm>>
    %dma_wait3A_44 = tpu.memref_squeeze %dma_wait3A_43 : memref<1x1x80x125xi32, #tpu.memory_space<hbm>> -> memref<80x125xi32, #tpu.memory_space<hbm>>
    %dma_wait3A_45 = arith.constant 0 : i32
    %dma_wait3A_46 = tpu.memref_slice %dma_wait3A_44[%dma_wait3A, %dma_wait3A_45] : memref<80x125xi32, #tpu.memory_space<hbm>> -> memref<1x125xi32, #tpu.memory_space<hbm>>
    %dma_wait3A_47 = tpu.memref_squeeze %dma_wait3A_46 : memref<1x125xi32, #tpu.memory_space<hbm>> -> memref<125xi32, #tpu.memory_space<hbm>>
    %dma_wait3A_48 = arith.constant 0 : i32
    %dma_wait3A_49 = arith.constant 0 : i32
    %dma_wait3A_50 = tpu.memref_slice %arg3[%arg0, %arg1, %dma_wait3A_48, %dma_wait3A_49] : memref<2x16x80x125xi32, #tpu.memory_space<hbm>> -> memref<1x1x80x125xi32, #tpu.memory_space<hbm>>
    %dma_wait3A_51 = tpu.memref_squeeze %dma_wait3A_50 : memref<1x1x80x125xi32, #tpu.memory_space<hbm>> -> memref<80x125xi32, #tpu.memory_space<hbm>>
    %dma_wait3A_52 = arith.constant 0 : i32
    %dma_wait3A_53 = tpu.memref_slice %dma_wait3A_51[%dma_wait3A, %dma_wait3A_52] : memref<80x125xi32, #tpu.memory_space<hbm>> -> memref<1x125xi32, #tpu.memory_space<hbm>>
    %dma_wait3A_54 = tpu.memref_squeeze %dma_wait3A_53 : memref<1x125xi32, #tpu.memory_space<hbm>> -> memref<125xi32, #tpu.memory_space<hbm>>
    tpu.wait_dma2 semaphore(%arg16 : memref<!tpu.dma_semaphore, #tpu.memory_space<semaphore_mem>>) src(%dma_wait3A_54 : memref<125xi32, #tpu.memory_space<hbm>>) dst(%arg7 : memref<125xi32, #tpu.memory_space<vmem>>)
    %dma_start3A_55 = arith.constant 0 : i32
    %dma_start3A_56 = arith.constant 0 : i32
    %dma_start3A_57 = tpu.memref_slice %arg2[%dma_start3A_55, %dma_start3A_56] : memref<20480x128xf32, #tpu.memory_space<hbm>> -> memref<20480x128xf32, #tpu.memory_space<hbm>>
    tpu.enqueue_indirect_dma source(%dma_start3A_57 : memref<20480x128xf32, #tpu.memory_space<hbm>>) target(%arg9 : memref<125x128xf32, #tpu.memory_space<vmem>>) offsets(%arg7 : memref<125xi32, #tpu.memory_space<vmem>>) semaphore(%arg12 : memref<!tpu.dma_semaphore, #tpu.memory_space<semaphore_mem>>)
    %dma_wait3A_58 = arith.constant 1 : i32
    %dma_wait3A_59 = arith.constant 0 : i32
    %dma_wait3A_60 = arith.constant 0 : i32
    %dma_wait3A_61 = tpu.memref_slice %arg3[%arg0, %arg1, %dma_wait3A_59, %dma_wait3A_60] : memref<2x16x80x125xi32, #tpu.memory_space<hbm>> -> memref<1x1x80x125xi32, #tpu.memory_space<hbm>>
    %dma_wait3A_62 = tpu.memref_squeeze %dma_wait3A_61 : memref<1x1x80x125xi32, #tpu.memory_space<hbm>> -> memref<80x125xi32, #tpu.memory_space<hbm>>
    %dma_wait3A_63 = arith.constant 0 : i32
    %dma_wait3A_64 = tpu.memref_slice %dma_wait3A_62[%dma_wait3A_58, %dma_wait3A_63] : memref<80x125xi32, #tpu.memory_space<hbm>> -> memref<1x125xi32, #tpu.memory_space<hbm>>
    %dma_wait3A_65 = tpu.memref_squeeze %dma_wait3A_64 : memref<1x125xi32, #tpu.memory_space<hbm>> -> memref<125xi32, #tpu.memory_space<hbm>>
    %dma_wait3A_66 = arith.constant 0 : i32
    %dma_wait3A_67 = arith.constant 0 : i32
    %dma_wait3A_68 = tpu.memref_slice %arg3[%arg0, %arg1, %dma_wait3A_66, %dma_wait3A_67] : memref<2x16x80x125xi32, #tpu.memory_space<hbm>> -> memref<1x1x80x125xi32, #tpu.memory_space<hbm>>
    %dma_wait3A_69 = tpu.memref_squeeze %dma_wait3A_68 : memref<1x1x80x125xi32, #tpu.memory_space<hbm>> -> memref<80x125xi32, #tpu.memory_space<hbm>>
    %dma_wait3A_70 = arith.constant 0 : i32
    %dma_wait3A_71 = tpu.memref_slice %dma_wait3A_69[%dma_wait3A_58, %dma_wait3A_70] : memref<80x125xi32, #tpu.memory_space<hbm>> -> memref<1x125xi32, #tpu.memory_space<hbm>>
    %dma_wait3A_72 = tpu.memref_squeeze %dma_wait3A_71 : memref<1x125xi32, #tpu.memory_space<hbm>> -> memref<125xi32, #tpu.memory_space<hbm>>
    tpu.wait_dma2 semaphore(%arg17 : memref<!tpu.dma_semaphore, #tpu.memory_space<semaphore_mem>>) src(%dma_wait3A_72 : memref<125xi32, #tpu.memory_space<hbm>>) dst(%arg8 : memref<125xi32, #tpu.memory_space<vmem>>)
    %dma_start3A_73 = arith.constant 0 : i32
    %dma_start3A_74 = arith.constant 0 : i32
    %dma_start3A_75 = tpu.memref_slice %arg2[%dma_start3A_73, %dma_start3A_74] : memref<20480x128xf32, #tpu.memory_space<hbm>> -> memref<20480x128xf32, #tpu.memory_space<hbm>>
    tpu.enqueue_indirect_dma source(%dma_start3A_75 : memref<20480x128xf32, #tpu.memory_space<hbm>>) target(%arg10 : memref<125x128xf32, #tpu.memory_space<vmem>>) offsets(%arg8 : memref<125xi32, #tpu.memory_space<vmem>>) semaphore(%arg13 : memref<!tpu.dma_semaphore, #tpu.memory_space<semaphore_mem>>)
    %scan3A_76 = arith.constant 0 : i32
    %scan3A_77 = arith.constant 40 : i32
    %scan3A_78 = arith.addi %scan3A_76, %scan3A_77 : i32
    %scan3A_79 = arith.constant 1 : i32
    scf.for %scan3A_89 = %scan3A_76 to %scan3A_78 step %scan3A_79  : i32 {
      %mul3A_90 = arith.constant 2 : i32
      %mul3A_91 = arith.muli %mul3A_90, %scan3A_89 : i32
      %dma_wait3A_92 = arith.constant 0 : i32
      %dma_wait3A_93 = arith.constant 0 : i32
      %dma_wait3A_94 = tpu.memref_slice %arg2[%dma_wait3A_92, %dma_wait3A_93] : memref<20480x128xf32, #tpu.memory_space<hbm>> -> memref<20480x128xf32, #tpu.memory_space<hbm>>
      tpu.wait_indirect_dma semaphore(%arg12 : memref<!tpu.dma_semaphore, #tpu.memory_space<semaphore_mem>>) src(%dma_wait3A_94 : memref<20480x128xf32, #tpu.memory_space<hbm>>) dst(%arg9 : memref<125x128xf32, #tpu.memory_space<vmem>>)
      %add3A_95 = arith.constant 2 : i32
      %add3A_96 = arith.addi %mul3A_91, %add3A_95 : i32
      %lt3A = arith.constant 80 : i32
      %lt3A_97 = arith.cmpi slt, %add3A_96, %lt3A : i32
      %convert_element_type3A = arith.extui %lt3A_97 : i1 to i32
      %cond3A = arith.constant 0 : i32
      %cond3A_98 = arith.cmpi ne, %convert_element_type3A, %cond3A : i32
      scf.if %cond3A_98 {
        %add3A_151 = arith.constant 2 : i32
        %add3A_152 = arith.addi %mul3A_91, %add3A_151 : i32
        %dma_start3A_153 = arith.constant 0 : i32
        %dma_start3A_154 = arith.constant 0 : i32
        %dma_start3A_155 = tpu.memref_slice %arg3[%arg0, %arg1, %dma_start3A_153, %dma_start3A_154] : memref<2x16x80x125xi32, #tpu.memory_space<hbm>> -> memref<1x1x80x125xi32, #tpu.memory_space<hbm>>
        %dma_start3A_156 = tpu.memref_squeeze %dma_start3A_155 : memref<1x1x80x125xi32, #tpu.memory_space<hbm>> -> memref<80x125xi32, #tpu.memory_space<hbm>>
        %dma_start3A_157 = arith.constant 0 : i32
        %dma_start3A_158 = tpu.memref_slice %dma_start3A_156[%add3A_152, %dma_start3A_157] : memref<80x125xi32, #tpu.memory_space<hbm>> -> memref<1x125xi32, #tpu.memory_space<hbm>>
        %dma_start3A_159 = tpu.memref_squeeze %dma_start3A_158 : memref<1x125xi32, #tpu.memory_space<hbm>> -> memref<125xi32, #tpu.memory_space<hbm>>
        %dma_start3A_160 = arith.constant 0 : i32
        %dma_start3A_161 = arith.constant 0 : i32
        %dma_start3A_162 = tpu.memref_slice %arg3[%arg0, %arg1, %dma_start3A_160, %dma_start3A_161] : memref<2x16x80x125xi32, #tpu.memory_space<hbm>> -> memref<1x1x80x125xi32, #tpu.memory_space<hbm>>
        %dma_start3A_163 = tpu.memref_squeeze %dma_start3A_162 : memref<1x1x80x125xi32, #tpu.memory_space<hbm>> -> memref<80x125xi32, #tpu.memory_space<hbm>>
        %dma_start3A_164 = arith.constant 0 : i32
        %dma_start3A_165 = tpu.memref_slice %dma_start3A_163[%add3A_152, %dma_start3A_164] : memref<80x125xi32, #tpu.memory_space<hbm>> -> memref<1x125xi32, #tpu.memory_space<hbm>>
        %dma_start3A_166 = tpu.memref_squeeze %dma_start3A_165 : memref<1x125xi32, #tpu.memory_space<hbm>> -> memref<125xi32, #tpu.memory_space<hbm>>
        tpu.enqueue_dma source(%dma_start3A_166 : memref<125xi32, #tpu.memory_space<hbm>>) target(%arg7 : memref<125xi32, #tpu.memory_space<vmem>>) target_semaphore(%arg16 : memref<!tpu.dma_semaphore, #tpu.memory_space<semaphore_mem>>)
      } else {
      }
      %dma_start3A_99 = arith.constant 0 : i32
      %dma_start3A_100 = tpu.memref_slice %arg6[%mul3A_91, %dma_start3A_99] : memref<80x125xi32, #tpu.memory_space<vmem>> -> memref<1x125xi32, #tpu.memory_space<vmem>>
      %dma_start3A_101 = tpu.memref_squeeze %dma_start3A_100 : memref<1x125xi32, #tpu.memory_space<vmem>> -> memref<125xi32, #tpu.memory_space<vmem>>
      %dma_start3A_102 = arith.constant 0 : i32
      %dma_start3A_103 = arith.constant 0 : i32
      %dma_start3A_104 = tpu.memref_slice %arg11[%dma_start3A_102, %dma_start3A_103] : memref<10240x128xf32, #tpu.memory_space<vmem_shared>> -> memref<10240x128xf32, #tpu.memory_space<vmem_shared>>
      tpu.enqueue_indirect_dma source(%arg9 : memref<125x128xf32, #tpu.memory_space<vmem>>) target(%dma_start3A_104 : memref<10240x128xf32, #tpu.memory_space<vmem_shared>>) offsets(%dma_start3A_101 : memref<125xi32, #tpu.memory_space<vmem>>) semaphore(%arg14 : memref<!tpu.dma_semaphore, #tpu.memory_space<semaphore_mem>>) {add = true}
      %dma_wait3A_105 = arith.constant 0 : i32
      %dma_wait3A_106 = tpu.memref_slice %arg6[%mul3A_91, %dma_wait3A_105] : memref<80x125xi32, #tpu.memory_space<vmem>> -> memref<1x125xi32, #tpu.memory_space<vmem>>
      %dma_wait3A_107 = tpu.memref_squeeze %dma_wait3A_106 : memref<1x125xi32, #tpu.memory_space<vmem>> -> memref<125xi32, #tpu.memory_space<vmem>>
      %dma_wait3A_108 = arith.constant 0 : i32
      %dma_wait3A_109 = arith.constant 0 : i32
      %dma_wait3A_110 = tpu.memref_slice %arg11[%dma_wait3A_108, %dma_wait3A_109] : memref<10240x128xf32, #tpu.memory_space<vmem_shared>> -> memref<10240x128xf32, #tpu.memory_space<vmem_shared>>
      tpu.wait_indirect_dma semaphore(%arg14 : memref<!tpu.dma_semaphore, #tpu.memory_space<semaphore_mem>>) src(%arg9 : memref<125x128xf32, #tpu.memory_space<vmem>>) dst(%dma_wait3A_110 : memref<10240x128xf32, #tpu.memory_space<vmem_shared>>)
      %add3A_111 = arith.constant 2 : i32
      %add3A_112 = arith.addi %mul3A_91, %add3A_111 : i32
      %lt3A_113 = arith.constant 80 : i32
      %lt3A_114 = arith.cmpi slt, %add3A_112, %lt3A_113 : i32
      %convert_element_type3A_115 = arith.extui %lt3A_114 : i1 to i32
      %cond3A_116 = arith.constant 0 : i32
      %cond3A_117 = arith.cmpi ne, %convert_element_type3A_115, %cond3A_116 : i32
      scf.if %cond3A_117 {
        %add3A_151 = arith.constant 2 : i32
        %add3A_152 = arith.addi %mul3A_91, %add3A_151 : i32
        %dma_wait3A_153 = arith.constant 0 : i32
        %dma_wait3A_154 = arith.constant 0 : i32
        %dma_wait3A_155 = tpu.memref_slice %arg3[%arg0, %arg1, %dma_wait3A_153, %dma_wait3A_154] : memref<2x16x80x125xi32, #tpu.memory_space<hbm>> -> memref<1x1x80x125xi32, #tpu.memory_space<hbm>>
        %dma_wait3A_156 = tpu.memref_squeeze %dma_wait3A_155 : memref<1x1x80x125xi32, #tpu.memory_space<hbm>> -> memref<80x125xi32, #tpu.memory_space<hbm>>
        %dma_wait3A_157 = arith.constant 0 : i32
        %dma_wait3A_158 = tpu.memref_slice %dma_wait3A_156[%add3A_152, %dma_wait3A_157] : memref<80x125xi32, #tpu.memory_space<hbm>> -> memref<1x125xi32, #tpu.memory_space<hbm>>
        %dma_wait3A_159 = tpu.memref_squeeze %dma_wait3A_158 : memref<1x125xi32, #tpu.memory_space<hbm>> -> memref<125xi32, #tpu.memory_space<hbm>>
        %dma_wait3A_160 = arith.constant 0 : i32
        %dma_wait3A_161 = arith.constant 0 : i32
        %dma_wait3A_162 = tpu.memref_slice %arg3[%arg0, %arg1, %dma_wait3A_160, %dma_wait3A_161] : memref<2x16x80x125xi32, #tpu.memory_space<hbm>> -> memref<1x1x80x125xi32, #tpu.memory_space<hbm>>
        %dma_wait3A_163 = tpu.memref_squeeze %dma_wait3A_162 : memref<1x1x80x125xi32, #tpu.memory_space<hbm>> -> memref<80x125xi32, #tpu.memory_space<hbm>>
        %dma_wait3A_164 = arith.constant 0 : i32
        %dma_wait3A_165 = tpu.memref_slice %dma_wait3A_163[%add3A_152, %dma_wait3A_164] : memref<80x125xi32, #tpu.memory_space<hbm>> -> memref<1x125xi32, #tpu.memory_space<hbm>>
        %dma_wait3A_166 = tpu.memref_squeeze %dma_wait3A_165 : memref<1x125xi32, #tpu.memory_space<hbm>> -> memref<125xi32, #tpu.memory_space<hbm>>
        tpu.wait_dma2 semaphore(%arg16 : memref<!tpu.dma_semaphore, #tpu.memory_space<semaphore_mem>>) src(%dma_wait3A_166 : memref<125xi32, #tpu.memory_space<hbm>>) dst(%arg7 : memref<125xi32, #tpu.memory_space<vmem>>)
        %dma_start3A_167 = arith.constant 0 : i32
        %dma_start3A_168 = arith.constant 0 : i32
        %dma_start3A_169 = tpu.memref_slice %arg2[%dma_start3A_167, %dma_start3A_168] : memref<20480x128xf32, #tpu.memory_space<hbm>> -> memref<20480x128xf32, #tpu.memory_space<hbm>>
        tpu.enqueue_indirect_dma source(%dma_start3A_169 : memref<20480x128xf32, #tpu.memory_space<hbm>>) target(%arg9 : memref<125x128xf32, #tpu.memory_space<vmem>>) offsets(%arg7 : memref<125xi32, #tpu.memory_space<vmem>>) semaphore(%arg12 : memref<!tpu.dma_semaphore, #tpu.memory_space<semaphore_mem>>)
      } else {
      }
      %mul3A_118 = arith.constant 2 : i32
      %mul3A_119 = arith.muli %mul3A_118, %scan3A_89 : i32
      %add3A_120 = arith.constant 1 : i32
      %add3A_121 = arith.addi %mul3A_119, %add3A_120 : i32
      %dma_wait3A_122 = arith.constant 0 : i32
      %dma_wait3A_123 = arith.constant 0 : i32
      %dma_wait3A_124 = tpu.memref_slice %arg2[%dma_wait3A_122, %dma_wait3A_123] : memref<20480x128xf32, #tpu.memory_space<hbm>> -> memref<20480x128xf32, #tpu.memory_space<hbm>>
      tpu.wait_indirect_dma semaphore(%arg13 : memref<!tpu.dma_semaphore, #tpu.memory_space<semaphore_mem>>) src(%dma_wait3A_124 : memref<20480x128xf32, #tpu.memory_space<hbm>>) dst(%arg10 : memref<125x128xf32, #tpu.memory_space<vmem>>)
      %add3A_125 = arith.constant 2 : i32
      %add3A_126 = arith.addi %add3A_121, %add3A_125 : i32
      %lt3A_127 = arith.constant 80 : i32
      %lt3A_128 = arith.cmpi slt, %add3A_126, %lt3A_127 : i32
      %convert_element_type3A_129 = arith.extui %lt3A_128 : i1 to i32
      %cond3A_130 = arith.constant 0 : i32
      %cond3A_131 = arith.cmpi ne, %convert_element_type3A_129, %cond3A_130 : i32
      scf.if %cond3A_131 {
        %add3A_151 = arith.constant 2 : i32
        %add3A_152 = arith.addi %add3A_121, %add3A_151 : i32
        %dma_start3A_153 = arith.constant 0 : i32
        %dma_start3A_154 = arith.constant 0 : i32
        %dma_start3A_155 = tpu.memref_slice %arg3[%arg0, %arg1, %dma_start3A_153, %dma_start3A_154] : memref<2x16x80x125xi32, #tpu.memory_space<hbm>> -> memref<1x1x80x125xi32, #tpu.memory_space<hbm>>
        %dma_start3A_156 = tpu.memref_squeeze %dma_start3A_155 : memref<1x1x80x125xi32, #tpu.memory_space<hbm>> -> memref<80x125xi32, #tpu.memory_space<hbm>>
        %dma_start3A_157 = arith.constant 0 : i32
        %dma_start3A_158 = tpu.memref_slice %dma_start3A_156[%add3A_152, %dma_start3A_157] : memref<80x125xi32, #tpu.memory_space<hbm>> -> memref<1x125xi32, #tpu.memory_space<hbm>>
        %dma_start3A_159 = tpu.memref_squeeze %dma_start3A_158 : memref<1x125xi32, #tpu.memory_space<hbm>> -> memref<125xi32, #tpu.memory_space<hbm>>
        %dma_start3A_160 = arith.constant 0 : i32
        %dma_start3A_161 = arith.constant 0 : i32
        %dma_start3A_162 = tpu.memref_slice %arg3[%arg0, %arg1, %dma_start3A_160, %dma_start3A_161] : memref<2x16x80x125xi32, #tpu.memory_space<hbm>> -> memref<1x1x80x125xi32, #tpu.memory_space<hbm>>
        %dma_start3A_163 = tpu.memref_squeeze %dma_start3A_162 : memref<1x1x80x125xi32, #tpu.memory_space<hbm>> -> memref<80x125xi32, #tpu.memory_space<hbm>>
        %dma_start3A_164 = arith.constant 0 : i32
        %dma_start3A_165 = tpu.memref_slice %dma_start3A_163[%add3A_152, %dma_start3A_164] : memref<80x125xi32, #tpu.memory_space<hbm>> -> memref<1x125xi32, #tpu.memory_space<hbm>>
        %dma_start3A_166 = tpu.memref_squeeze %dma_start3A_165 : memref<1x125xi32, #tpu.memory_space<hbm>> -> memref<125xi32, #tpu.memory_space<hbm>>
        tpu.enqueue_dma source(%dma_start3A_166 : memref<125xi32, #tpu.memory_space<hbm>>) target(%arg8 : memref<125xi32, #tpu.memory_space<vmem>>) target_semaphore(%arg17 : memref<!tpu.dma_semaphore, #tpu.memory_space<semaphore_mem>>)
      } else {
      }
      %dma_start3A_132 = arith.constant 0 : i32
      %dma_start3A_133 = tpu.memref_slice %arg6[%add3A_121, %dma_start3A_132] : memref<80x125xi32, #tpu.memory_space<vmem>> -> memref<1x125xi32, #tpu.memory_space<vmem>>
      %dma_start3A_134 = tpu.memref_squeeze %dma_start3A_133 : memref<1x125xi32, #tpu.memory_space<vmem>> -> memref<125xi32, #tpu.memory_space<vmem>>
      %dma_start3A_135 = arith.constant 0 : i32
      %dma_start3A_136 = arith.constant 0 : i32
      %dma_start3A_137 = tpu.memref_slice %arg11[%dma_start3A_135, %dma_start3A_136] : memref<10240x128xf32, #tpu.memory_space<vmem_shared>> -> memref<10240x128xf32, #tpu.memory_space<vmem_shared>>
      tpu.enqueue_indirect_dma source(%arg10 : memref<125x128xf32, #tpu.memory_space<vmem>>) target(%dma_start3A_137 : memref<10240x128xf32, #tpu.memory_space<vmem_shared>>) offsets(%dma_start3A_134 : memref<125xi32, #tpu.memory_space<vmem>>) semaphore(%arg15 : memref<!tpu.dma_semaphore, #tpu.memory_space<semaphore_mem>>) {add = true}
      %dma_wait3A_138 = arith.constant 0 : i32
      %dma_wait3A_139 = tpu.memref_slice %arg6[%add3A_121, %dma_wait3A_138] : memref<80x125xi32, #tpu.memory_space<vmem>> -> memref<1x125xi32, #tpu.memory_space<vmem>>
      %dma_wait3A_140 = tpu.memref_squeeze %dma_wait3A_139 : memref<1x125xi32, #tpu.memory_space<vmem>> -> memref<125xi32, #tpu.memory_space<vmem>>
      %dma_wait3A_141 = arith.constant 0 : i32
      %dma_wait3A_142 = arith.constant 0 : i32
      %dma_wait3A_143 = tpu.memref_slice %arg11[%dma_wait3A_141, %dma_wait3A_142] : memref<10240x128xf32, #tpu.memory_space<vmem_shared>> -> memref<10240x128xf32, #tpu.memory_space<vmem_shared>>
      tpu.wait_indirect_dma semaphore(%arg15 : memref<!tpu.dma_semaphore, #tpu.memory_space<semaphore_mem>>) src(%arg10 : memref<125x128xf32, #tpu.memory_space<vmem>>) dst(%dma_wait3A_143 : memref<10240x128xf32, #tpu.memory_space<vmem_shared>>)
      %add3A_144 = arith.constant 2 : i32
      %add3A_145 = arith.addi %add3A_121, %add3A_144 : i32
      %lt3A_146 = arith.constant 80 : i32
      %lt3A_147 = arith.cmpi slt, %add3A_145, %lt3A_146 : i32
      %convert_element_type3A_148 = arith.extui %lt3A_147 : i1 to i32
      %cond3A_149 = arith.constant 0 : i32
      %cond3A_150 = arith.cmpi ne, %convert_element_type3A_148, %cond3A_149 : i32
      scf.if %cond3A_150 {
        %add3A_151 = arith.constant 2 : i32
        %add3A_152 = arith.addi %add3A_121, %add3A_151 : i32
        %dma_wait3A_153 = arith.constant 0 : i32
        %dma_wait3A_154 = arith.constant 0 : i32
        %dma_wait3A_155 = tpu.memref_slice %arg3[%arg0, %arg1, %dma_wait3A_153, %dma_wait3A_154] : memref<2x16x80x125xi32, #tpu.memory_space<hbm>> -> memref<1x1x80x125xi32, #tpu.memory_space<hbm>>
        %dma_wait3A_156 = tpu.memref_squeeze %dma_wait3A_155 : memref<1x1x80x125xi32, #tpu.memory_space<hbm>> -> memref<80x125xi32, #tpu.memory_space<hbm>>
        %dma_wait3A_157 = arith.constant 0 : i32
        %dma_wait3A_158 = tpu.memref_slice %dma_wait3A_156[%add3A_152, %dma_wait3A_157] : memref<80x125xi32, #tpu.memory_space<hbm>> -> memref<1x125xi32, #tpu.memory_space<hbm>>
        %dma_wait3A_159 = tpu.memref_squeeze %dma_wait3A_158 : memref<1x125xi32, #tpu.memory_space<hbm>> -> memref<125xi32, #tpu.memory_space<hbm>>
        %dma_wait3A_160 = arith.constant 0 : i32
        %dma_wait3A_161 = arith.constant 0 : i32
        %dma_wait3A_162 = tpu.memref_slice %arg3[%arg0, %arg1, %dma_wait3A_160, %dma_wait3A_161] : memref<2x16x80x125xi32, #tpu.memory_space<hbm>> -> memref<1x1x80x125xi32, #tpu.memory_space<hbm>>
        %dma_wait3A_163 = tpu.memref_squeeze %dma_wait3A_162 : memref<1x1x80x125xi32, #tpu.memory_space<hbm>> -> memref<80x125xi32, #tpu.memory_space<hbm>>
        %dma_wait3A_164 = arith.constant 0 : i32
        %dma_wait3A_165 = tpu.memref_slice %dma_wait3A_163[%add3A_152, %dma_wait3A_164] : memref<80x125xi32, #tpu.memory_space<hbm>> -> memref<1x125xi32, #tpu.memory_space<hbm>>
        %dma_wait3A_166 = tpu.memref_squeeze %dma_wait3A_165 : memref<1x125xi32, #tpu.memory_space<hbm>> -> memref<125xi32, #tpu.memory_space<hbm>>
        tpu.wait_dma2 semaphore(%arg17 : memref<!tpu.dma_semaphore, #tpu.memory_space<semaphore_mem>>) src(%dma_wait3A_166 : memref<125xi32, #tpu.memory_space<hbm>>) dst(%arg8 : memref<125xi32, #tpu.memory_space<vmem>>)
        %dma_start3A_167 = arith.constant 0 : i32
        %dma_start3A_168 = arith.constant 0 : i32
        %dma_start3A_169 = tpu.memref_slice %arg2[%dma_start3A_167, %dma_start3A_168] : memref<20480x128xf32, #tpu.memory_space<hbm>> -> memref<20480x128xf32, #tpu.memory_space<hbm>>
        tpu.enqueue_indirect_dma source(%dma_start3A_169 : memref<20480x128xf32, #tpu.memory_space<hbm>>) target(%arg10 : memref<125x128xf32, #tpu.memory_space<vmem>>) offsets(%arg8 : memref<125xi32, #tpu.memory_space<vmem>>) semaphore(%arg13 : memref<!tpu.dma_semaphore, #tpu.memory_space<semaphore_mem>>)
      } else {
      }
    }
    %scan3A_80 = arith.constant 40 : i32
    %barrier3A_81 = arith.constant 0 : index
    tpu.barrier barrier_id(%barrier3A_81)
    %mul3A_82 = arith.constant 640 : i32
    %mul3A_83 = arith.muli %arg1, %mul3A_82 : i32
    %mul3A_84 = arith.constant 10240 : i32
    %mul3A_85 = arith.muli %arg0, %mul3A_84 : i32
    %mul3A_86 = arith.constant 640 : i32
    %mul3A_87 = arith.muli %arg1, %mul3A_86 : i32
    %add3A_88 = arith.addi %mul3A_85, %mul3A_87 : i32
    "tpu.region"() ({
      %run_scoped3A = tpu.sem_alloc : memref<!tpu.dma_semaphore, #tpu.memory_space<semaphore_mem>>
      %dma_start3A_89 = arith.constant 0 : i32
      %dma_start3A_90 = tpu.memref_slice %arg5[%add3A_88, %dma_start3A_89] : memref<20480x128xf32, #tpu.memory_space<hbm>> -> memref<640x128xf32, #tpu.memory_space<hbm>>
      %dma_start3A_91 = arith.constant 0 : i32
      %dma_start3A_92 = tpu.memref_slice %arg11[%mul3A_83, %dma_start3A_91] : memref<10240x128xf32, #tpu.memory_space<vmem_shared>> -> memref<640x128xf32, #tpu.memory_space<vmem_shared>>
      tpu.enqueue_dma source(%dma_start3A_92 : memref<640x128xf32, #tpu.memory_space<vmem_shared>>) target(%dma_start3A_90 : memref<640x128xf32, #tpu.memory_space<hbm>>) target_semaphore(%run_scoped3A : memref<!tpu.dma_semaphore, #tpu.memory_space<semaphore_mem>>)
      %dma_wait3A_93 = arith.constant 0 : i32
      %dma_wait3A_94 = tpu.memref_slice %arg5[%add3A_88, %dma_wait3A_93] : memref<20480x128xf32, #tpu.memory_space<hbm>> -> memref<640x128xf32, #tpu.memory_space<hbm>>
      %dma_wait3A_95 = arith.constant 0 : i32
      %dma_wait3A_96 = tpu.memref_slice %arg11[%mul3A_83, %dma_wait3A_95] : memref<10240x128xf32, #tpu.memory_space<vmem_shared>> -> memref<640x128xf32, #tpu.memory_space<vmem_shared>>
      tpu.wait_dma2 semaphore(%run_scoped3A : memref<!tpu.dma_semaphore, #tpu.memory_space<semaphore_mem>>) src(%dma_wait3A_96 : memref<640x128xf32, #tpu.memory_space<vmem_shared>>) dst(%dma_wait3A_94 : memref<640x128xf32, #tpu.memory_space<hbm>>)
      tpu.yield
    }) : () -> ()
    return
  }
}

#map = affine_map<(d0, d1) -> (0, 0)>
#map1 = affine_map<(d0, d1) -> (0, 0, 0, 0)>
#map2 = affine_map<(d0, d1) -> (0, 0, 0)>
module attributes {stable_mosaic.version = 14 : i64} {
  func.func @_prop_col_kernel(%arg0: i32, %arg1: i32, %arg2: memref<20480x128xf32, #tpu.memory_space<hbm>>, %arg3: memref<2x16x80x125xi32, #tpu.memory_space<hbm>>, %arg4: memref<16x80x125xi32, #tpu.memory_space<hbm>>, %arg5: memref<20480x128xf32, #tpu.memory_space<hbm>>, %arg6: memref<80x125xi32, #tpu.memory_space<vmem>>, %arg7: memref<125xi32, #tpu.memory_space<vmem>>, %arg8: memref<125xi32, #tpu.memory_space<vmem>>, %arg9: memref<125x128xf32, #tpu.memory_space<vmem>>, %arg10: memref<125x128xf32, #tpu.memory_space<vmem>>, %arg11: memref<10240x128xf32, #tpu.memory_space<vmem_shared>>, %arg12: memref<!tpu.dma_semaphore, #tpu.memory_space<semaphore_mem>>, %arg13: memref<!tpu.dma_semaphore, #tpu.memory_space<semaphore_mem>>, %arg14: memref<!tpu.dma_semaphore, #tpu.memory_space<semaphore_mem>>, %arg15: memref<!tpu.dma_semaphore, #tpu.memory_space<semaphore_mem>>, %arg16: memref<!tpu.dma_semaphore, #tpu.memory_space<semaphore_mem>>, %arg17: memref<!tpu.dma_semaphore, #tpu.memory_space<semaphore_mem>>) attributes {dimension_semantics = [#tpu.dimension_semantics<core_parallel>, #tpu.dimension_semantics<subcore_parallel>], iteration_bounds = array<i64: 2, 16>, scalar_prefetch = 0 : i64, scratch_operands = 12 : i64, tpu.core_type = #tpu.core_type<sc_vector_subcore>, window_params = [{transform_indices = #map}, {transform_indices = #map1}, {transform_indices = #map2}, {transform_indices = #map}]} {
    "tpu.region"() ({
      %run_scoped3A = tpu.sem_alloc : memref<!tpu.dma_semaphore, #tpu.memory_space<semaphore_mem>>
      %dma_start3A_89 = arith.constant 0 : i32
      %dma_start3A_90 = arith.constant 0 : i32
      %dma_start3A_91 = tpu.memref_slice %arg4[%arg1, %dma_start3A_89, %dma_start3A_90] : memref<16x80x125xi32, #tpu.memory_space<hbm>> -> memref<1x80x125xi32, #tpu.memory_space<hbm>>
      %dma_start3A_92 = tpu.memref_squeeze %dma_start3A_91 : memref<1x80x125xi32, #tpu.memory_space<hbm>> -> memref<80x125xi32, #tpu.memory_space<hbm>>
      %dma_start3A_93 = arith.constant 0 : i32
      %dma_start3A_94 = arith.constant 0 : i32
      %dma_start3A_95 = tpu.memref_slice %arg4[%arg1, %dma_start3A_93, %dma_start3A_94] : memref<16x80x125xi32, #tpu.memory_space<hbm>> -> memref<1x80x125xi32, #tpu.memory_space<hbm>>
      %dma_start3A_96 = tpu.memref_squeeze %dma_start3A_95 : memref<1x80x125xi32, #tpu.memory_space<hbm>> -> memref<80x125xi32, #tpu.memory_space<hbm>>
      tpu.enqueue_dma source(%dma_start3A_96 : memref<80x125xi32, #tpu.memory_space<hbm>>) target(%arg6 : memref<80x125xi32, #tpu.memory_space<vmem>>) target_semaphore(%run_scoped3A : memref<!tpu.dma_semaphore, #tpu.memory_space<semaphore_mem>>)
      %dma_wait3A_97 = arith.constant 0 : i32
      %dma_wait3A_98 = arith.constant 0 : i32
      %dma_wait3A_99 = tpu.memref_slice %arg4[%arg1, %dma_wait3A_97, %dma_wait3A_98] : memref<16x80x125xi32, #tpu.memory_space<hbm>> -> memref<1x80x125xi32, #tpu.memory_space<hbm>>
      %dma_wait3A_100 = tpu.memref_squeeze %dma_wait3A_99 : memref<1x80x125xi32, #tpu.memory_space<hbm>> -> memref<80x125xi32, #tpu.memory_space<hbm>>
      %dma_wait3A_101 = arith.constant 0 : i32
      %dma_wait3A_102 = arith.constant 0 : i32
      %dma_wait3A_103 = tpu.memref_slice %arg4[%arg1, %dma_wait3A_101, %dma_wait3A_102] : memref<16x80x125xi32, #tpu.memory_space<hbm>> -> memref<1x80x125xi32, #tpu.memory_space<hbm>>
      %dma_wait3A_104 = tpu.memref_squeeze %dma_wait3A_103 : memref<1x80x125xi32, #tpu.memory_space<hbm>> -> memref<80x125xi32, #tpu.memory_space<hbm>>
      tpu.wait_dma2 semaphore(%run_scoped3A : memref<!tpu.dma_semaphore, #tpu.memory_space<semaphore_mem>>) src(%dma_wait3A_104 : memref<80x125xi32, #tpu.memory_space<hbm>>) dst(%arg6 : memref<80x125xi32, #tpu.memory_space<vmem>>)
      tpu.yield
    }) : () -> ()
    %broadcast_in_dim3A = arith.constant 0.000000e+00 : f32
    %broadcast_in_dim3A_0 = vector.broadcast %broadcast_in_dim3A : f32 to vector<16xf32>
    %scan3A = arith.constant 0 : i32
    %scan3A_1 = arith.constant 125 : i32
    %scan3A_2 = arith.addi %scan3A, %scan3A_1 : i32
    %scan3A_3 = arith.constant 1 : i32
    scf.for %scan3A_89 = %scan3A to %scan3A_2 step %scan3A_3  : i32 {
      %scan3A_90 = arith.constant 0 : i32
      %scan3A_91 = arith.constant 8 : i32
      %scan3A_92 = arith.addi %scan3A_90, %scan3A_91 : i32
      %scan3A_93 = arith.constant 1 : i32
      scf.for %scan3A_95 = %scan3A_90 to %scan3A_92 step %scan3A_93  : i32 {
        %mul3A_96 = arith.constant 16 : i32
        %mul3A_97 = arith.muli %scan3A_95, %mul3A_96 : i32
        %swap3A = arith.index_cast %scan3A_89 : i32 to index
        %swap3A_98 = arith.index_cast %mul3A_97 : i32 to index
        %swap3A_99 = tpu.vector_load %arg9[%swap3A, %swap3A_98] {strides = array<i32>} : memref<125x128xf32, #tpu.memory_space<vmem>>, vector<1x16xf32>,
        %swap3A_100 = vector.shape_cast %swap3A_99 : vector<1x16xf32> to vector<16xf32>
        %swap3A_101 = vector.shape_cast %broadcast_in_dim3A_0 : vector<16xf32> to vector<1x16xf32>
        tpu.vector_store %arg9[%swap3A, %swap3A_98], %swap3A_101 {strides = array<i32>} : memref<125x128xf32, #tpu.memory_space<vmem>>, vector<1x16xf32>,
      }
      %scan3A_94 = arith.constant 8 : i32
    }
    %scan3A_4 = arith.constant 125 : i32
    %scan3A_5 = arith.constant 0 : i32
    %scan3A_6 = arith.constant 5 : i32
    %scan3A_7 = arith.addi %scan3A_5, %scan3A_6 : i32
    %scan3A_8 = arith.constant 1 : i32
    scf.for %scan3A_89 = %scan3A_5 to %scan3A_7 step %scan3A_8  : i32 {
      %mul3A_90 = arith.constant 640 : i32
      %mul3A_91 = arith.muli %arg1, %mul3A_90 : i32
      %mul3A_92 = arith.constant 125 : i32
      %mul3A_93 = arith.muli %scan3A_89, %mul3A_92 : i32
      %add3A_94 = arith.addi %mul3A_91, %mul3A_93 : i32
      "tpu.region"() ({
        %run_scoped3A = tpu.sem_alloc : memref<!tpu.dma_semaphore, #tpu.memory_space<semaphore_mem>>
        %dma_start3A_95 = arith.constant 0 : i32
        %dma_start3A_96 = tpu.memref_slice %arg11[%add3A_94, %dma_start3A_95] : memref<10240x128xf32, #tpu.memory_space<vmem_shared>> -> memref<125x128xf32, #tpu.memory_space<vmem_shared>>
        %dma_start3A_97 = arith.constant 0 : i32
        %dma_start3A_98 = tpu.memref_slice %arg11[%add3A_94, %dma_start3A_97] : memref<10240x128xf32, #tpu.memory_space<vmem_shared>> -> memref<125x128xf32, #tpu.memory_space<vmem_shared>>
        tpu.enqueue_dma source(%arg9 : memref<125x128xf32, #tpu.memory_space<vmem>>) target(%dma_start3A_98 : memref<125x128xf32, #tpu.memory_space<vmem_shared>>) target_semaphore(%run_scoped3A : memref<!tpu.dma_semaphore, #tpu.memory_space<semaphore_mem>>)
        %dma_wait3A_99 = arith.constant 0 : i32
        %dma_wait3A_100 = tpu.memref_slice %arg11[%add3A_94, %dma_wait3A_99] : memref<10240x128xf32, #tpu.memory_space<vmem_shared>> -> memref<125x128xf32, #tpu.memory_space<vmem_shared>>
        %dma_wait3A_101 = arith.constant 0 : i32
        %dma_wait3A_102 = tpu.memref_slice %arg11[%add3A_94, %dma_wait3A_101] : memref<10240x128xf32, #tpu.memory_space<vmem_shared>> -> memref<125x128xf32, #tpu.memory_space<vmem_shared>>
        tpu.wait_dma2 semaphore(%run_scoped3A : memref<!tpu.dma_semaphore, #tpu.memory_space<semaphore_mem>>) src(%arg9 : memref<125x128xf32, #tpu.memory_space<vmem>>) dst(%dma_wait3A_102 : memref<125x128xf32, #tpu.memory_space<vmem_shared>>)
        tpu.yield
      }) : () -> ()
    }
    %scan3A_9 = arith.constant 5 : i32
    %mul3A = arith.constant 640 : i32
    %mul3A_10 = arith.muli %arg1, %mul3A : i32
    %add3A = arith.constant 625 : i32
    %add3A_11 = arith.addi %mul3A_10, %add3A : i32
    "tpu.region"() ({
      %run_scoped3A = tpu.sem_alloc : memref<!tpu.dma_semaphore, #tpu.memory_space<semaphore_mem>>
      %dma_start3A_89 = arith.constant 0 : i32
      %dma_start3A_90 = arith.constant 0 : i32
      %dma_start3A_91 = tpu.memref_slice %arg9[%dma_start3A_89, %dma_start3A_90] : memref<125x128xf32, #tpu.memory_space<vmem>> -> memref<15x128xf32, #tpu.memory_space<vmem>>
      %dma_start3A_92 = arith.constant 0 : i32
      %dma_start3A_93 = tpu.memref_slice %arg11[%add3A_11, %dma_start3A_92] : memref<10240x128xf32, #tpu.memory_space<vmem_shared>> -> memref<15x128xf32, #tpu.memory_space<vmem_shared>>
      %dma_start3A_94 = arith.constant 0 : i32
      %dma_start3A_95 = tpu.memref_slice %arg11[%add3A_11, %dma_start3A_94] : memref<10240x128xf32, #tpu.memory_space<vmem_shared>> -> memref<15x128xf32, #tpu.memory_space<vmem_shared>>
      %dma_start3A_96 = arith.constant 0 : i32
      %dma_start3A_97 = arith.constant 0 : i32
      %dma_start3A_98 = tpu.memref_slice %arg9[%dma_start3A_96, %dma_start3A_97] : memref<125x128xf32, #tpu.memory_space<vmem>> -> memref<15x128xf32, #tpu.memory_space<vmem>>
      tpu.enqueue_dma source(%dma_start3A_98 : memref<15x128xf32, #tpu.memory_space<vmem>>) target(%dma_start3A_95 : memref<15x128xf32, #tpu.memory_space<vmem_shared>>) target_semaphore(%run_scoped3A : memref<!tpu.dma_semaphore, #tpu.memory_space<semaphore_mem>>)
      %dma_wait3A_99 = arith.constant 0 : i32
      %dma_wait3A_100 = arith.constant 0 : i32
      %dma_wait3A_101 = tpu.memref_slice %arg9[%dma_wait3A_99, %dma_wait3A_100] : memref<125x128xf32, #tpu.memory_space<vmem>> -> memref<15x128xf32, #tpu.memory_space<vmem>>
      %dma_wait3A_102 = arith.constant 0 : i32
      %dma_wait3A_103 = tpu.memref_slice %arg11[%add3A_11, %dma_wait3A_102] : memref<10240x128xf32, #tpu.memory_space<vmem_shared>> -> memref<15x128xf32, #tpu.memory_space<vmem_shared>>
      %dma_wait3A_104 = arith.constant 0 : i32
      %dma_wait3A_105 = tpu.memref_slice %arg11[%add3A_11, %dma_wait3A_104] : memref<10240x128xf32, #tpu.memory_space<vmem_shared>> -> memref<15x128xf32, #tpu.memory_space<vmem_shared>>
      %dma_wait3A_106 = arith.constant 0 : i32
      %dma_wait3A_107 = arith.constant 0 : i32
      %dma_wait3A_108 = tpu.memref_slice %arg9[%dma_wait3A_106, %dma_wait3A_107] : memref<125x128xf32, #tpu.memory_space<vmem>> -> memref<15x128xf32, #tpu.memory_space<vmem>>
      tpu.wait_dma2 semaphore(%run_scoped3A : memref<!tpu.dma_semaphore, #tpu.memory_space<semaphore_mem>>) src(%dma_wait3A_108 : memref<15x128xf32, #tpu.memory_space<vmem>>) dst(%dma_wait3A_105 : memref<15x128xf32, #tpu.memory_space<vmem_shared>>)
      tpu.yield
    }) : () -> ()
    %barrier3A = arith.constant 0 : index
    tpu.barrier barrier_id(%barrier3A)
    %dma_start3A = arith.constant 0 : i32
    %dma_start3A_12 = arith.constant 0 : i32
    %dma_start3A_13 = arith.constant 0 : i32
    %dma_start3A_14 = tpu.memref_slice %arg3[%arg0, %arg1, %dma_start3A_12, %dma_start3A_13] : memref<2x16x80x125xi32, #tpu.memory_space<hbm>> -> memref<1x1x80x125xi32, #tpu.memory_space<hbm>>
    %dma_start3A_15 = tpu.memref_squeeze %dma_start3A_14 : memref<1x1x80x125xi32, #tpu.memory_space<hbm>> -> memref<80x125xi32, #tpu.memory_space<hbm>>
    %dma_start3A_16 = arith.constant 0 : i32
    %dma_start3A_17 = tpu.memref_slice %dma_start3A_15[%dma_start3A, %dma_start3A_16] : memref<80x125xi32, #tpu.memory_space<hbm>> -> memref<1x125xi32, #tpu.memory_space<hbm>>
    %dma_start3A_18 = tpu.memref_squeeze %dma_start3A_17 : memref<1x125xi32, #tpu.memory_space<hbm>> -> memref<125xi32, #tpu.memory_space<hbm>>
    %dma_start3A_19 = arith.constant 0 : i32
    %dma_start3A_20 = arith.constant 0 : i32
    %dma_start3A_21 = tpu.memref_slice %arg3[%arg0, %arg1, %dma_start3A_19, %dma_start3A_20] : memref<2x16x80x125xi32, #tpu.memory_space<hbm>> -> memref<1x1x80x125xi32, #tpu.memory_space<hbm>>
    %dma_start3A_22 = tpu.memref_squeeze %dma_start3A_21 : memref<1x1x80x125xi32, #tpu.memory_space<hbm>> -> memref<80x125xi32, #tpu.memory_space<hbm>>
    %dma_start3A_23 = arith.constant 0 : i32
    %dma_start3A_24 = tpu.memref_slice %dma_start3A_22[%dma_start3A, %dma_start3A_23] : memref<80x125xi32, #tpu.memory_space<hbm>> -> memref<1x125xi32, #tpu.memory_space<hbm>>
    %dma_start3A_25 = tpu.memref_squeeze %dma_start3A_24 : memref<1x125xi32, #tpu.memory_space<hbm>> -> memref<125xi32, #tpu.memory_space<hbm>>
    tpu.enqueue_dma source(%dma_start3A_25 : memref<125xi32, #tpu.memory_space<hbm>>) target(%arg7 : memref<125xi32, #tpu.memory_space<vmem>>) target_semaphore(%arg16 : memref<!tpu.dma_semaphore, #tpu.memory_space<semaphore_mem>>)
    %dma_start3A_26 = arith.constant 1 : i32
    %dma_start3A_27 = arith.constant 0 : i32
    %dma_start3A_28 = arith.constant 0 : i32
    %dma_start3A_29 = tpu.memref_slice %arg3[%arg0, %arg1, %dma_start3A_27, %dma_start3A_28] : memref<2x16x80x125xi32, #tpu.memory_space<hbm>> -> memref<1x1x80x125xi32, #tpu.memory_space<hbm>>
    %dma_start3A_30 = tpu.memref_squeeze %dma_start3A_29 : memref<1x1x80x125xi32, #tpu.memory_space<hbm>> -> memref<80x125xi32, #tpu.memory_space<hbm>>
    %dma_start3A_31 = arith.constant 0 : i32
    %dma_start3A_32 = tpu.memref_slice %dma_start3A_30[%dma_start3A_26, %dma_start3A_31] : memref<80x125xi32, #tpu.memory_space<hbm>> -> memref<1x125xi32, #tpu.memory_space<hbm>>
    %dma_start3A_33 = tpu.memref_squeeze %dma_start3A_32 : memref<1x125xi32, #tpu.memory_space<hbm>> -> memref<125xi32, #tpu.memory_space<hbm>>
    %dma_start3A_34 = arith.constant 0 : i32
    %dma_start3A_35 = arith.constant 0 : i32
    %dma_start3A_36 = tpu.memref_slice %arg3[%arg0, %arg1, %dma_start3A_34, %dma_start3A_35] : memref<2x16x80x125xi32, #tpu.memory_space<hbm>> -> memref<1x1x80x125xi32, #tpu.memory_space<hbm>>
    %dma_start3A_37 = tpu.memref_squeeze %dma_start3A_36 : memref<1x1x80x125xi32, #tpu.memory_space<hbm>> -> memref<80x125xi32, #tpu.memory_space<hbm>>
    %dma_start3A_38 = arith.constant 0 : i32
    %dma_start3A_39 = tpu.memref_slice %dma_start3A_37[%dma_start3A_26, %dma_start3A_38] : memref<80x125xi32, #tpu.memory_space<hbm>> -> memref<1x125xi32, #tpu.memory_space<hbm>>
    %dma_start3A_40 = tpu.memref_squeeze %dma_start3A_39 : memref<1x125xi32, #tpu.memory_space<hbm>> -> memref<125xi32, #tpu.memory_space<hbm>>
    tpu.enqueue_dma source(%dma_start3A_40 : memref<125xi32, #tpu.memory_space<hbm>>) target(%arg8 : memref<125xi32, #tpu.memory_space<vmem>>) target_semaphore(%arg17 : memref<!tpu.dma_semaphore, #tpu.memory_space<semaphore_mem>>)
    %dma_wait3A = arith.constant 0 : i32
    %dma_wait3A_41 = arith.constant 0 : i32
    %dma_wait3A_42 = arith.constant 0 : i32
    %dma_wait3A_43 = tpu.memref_slice %arg3[%arg0, %arg1, %dma_wait3A_41, %dma_wait3A_42] : memref<2x16x80x125xi32, #tpu.memory_space<hbm>> -> memref<1x1x80x125xi32, #tpu.memory_space<hbm>>
    %dma_wait3A_44 = tpu.memref_squeeze %dma_wait3A_43 : memref<1x1x80x125xi32, #tpu.memory_space<hbm>> -> memref<80x125xi32, #tpu.memory_space<hbm>>
    %dma_wait3A_45 = arith.constant 0 : i32
    %dma_wait3A_46 = tpu.memref_slice %dma_wait3A_44[%dma_wait3A, %dma_wait3A_45] : memref<80x125xi32, #tpu.memory_space<hbm>> -> memref<1x125xi32, #tpu.memory_space<hbm>>
    %dma_wait3A_47 = tpu.memref_squeeze %dma_wait3A_46 : memref<1x125xi32, #tpu.memory_space<hbm>> -> memref<125xi32, #tpu.memory_space<hbm>>
    %dma_wait3A_48 = arith.constant 0 : i32
    %dma_wait3A_49 = arith.constant 0 : i32
    %dma_wait3A_50 = tpu.memref_slice %arg3[%arg0, %arg1, %dma_wait3A_48, %dma_wait3A_49] : memref<2x16x80x125xi32, #tpu.memory_space<hbm>> -> memref<1x1x80x125xi32, #tpu.memory_space<hbm>>
    %dma_wait3A_51 = tpu.memref_squeeze %dma_wait3A_50 : memref<1x1x80x125xi32, #tpu.memory_space<hbm>> -> memref<80x125xi32, #tpu.memory_space<hbm>>
    %dma_wait3A_52 = arith.constant 0 : i32
    %dma_wait3A_53 = tpu.memref_slice %dma_wait3A_51[%dma_wait3A, %dma_wait3A_52] : memref<80x125xi32, #tpu.memory_space<hbm>> -> memref<1x125xi32, #tpu.memory_space<hbm>>
    %dma_wait3A_54 = tpu.memref_squeeze %dma_wait3A_53 : memref<1x125xi32, #tpu.memory_space<hbm>> -> memref<125xi32, #tpu.memory_space<hbm>>
    tpu.wait_dma2 semaphore(%arg16 : memref<!tpu.dma_semaphore, #tpu.memory_space<semaphore_mem>>) src(%dma_wait3A_54 : memref<125xi32, #tpu.memory_space<hbm>>) dst(%arg7 : memref<125xi32, #tpu.memory_space<vmem>>)
    %dma_start3A_55 = arith.constant 0 : i32
    %dma_start3A_56 = arith.constant 0 : i32
    %dma_start3A_57 = tpu.memref_slice %arg2[%dma_start3A_55, %dma_start3A_56] : memref<20480x128xf32, #tpu.memory_space<hbm>> -> memref<20480x128xf32, #tpu.memory_space<hbm>>
    tpu.enqueue_indirect_dma source(%dma_start3A_57 : memref<20480x128xf32, #tpu.memory_space<hbm>>) target(%arg9 : memref<125x128xf32, #tpu.memory_space<vmem>>) offsets(%arg7 : memref<125xi32, #tpu.memory_space<vmem>>) semaphore(%arg12 : memref<!tpu.dma_semaphore, #tpu.memory_space<semaphore_mem>>)
    %dma_wait3A_58 = arith.constant 1 : i32
    %dma_wait3A_59 = arith.constant 0 : i32
    %dma_wait3A_60 = arith.constant 0 : i32
    %dma_wait3A_61 = tpu.memref_slice %arg3[%arg0, %arg1, %dma_wait3A_59, %dma_wait3A_60] : memref<2x16x80x125xi32, #tpu.memory_space<hbm>> -> memref<1x1x80x125xi32, #tpu.memory_space<hbm>>
    %dma_wait3A_62 = tpu.memref_squeeze %dma_wait3A_61 : memref<1x1x80x125xi32, #tpu.memory_space<hbm>> -> memref<80x125xi32, #tpu.memory_space<hbm>>
    %dma_wait3A_63 = arith.constant 0 : i32
    %dma_wait3A_64 = tpu.memref_slice %dma_wait3A_62[%dma_wait3A_58, %dma_wait3A_63] : memref<80x125xi32, #tpu.memory_space<hbm>> -> memref<1x125xi32, #tpu.memory_space<hbm>>
    %dma_wait3A_65 = tpu.memref_squeeze %dma_wait3A_64 : memref<1x125xi32, #tpu.memory_space<hbm>> -> memref<125xi32, #tpu.memory_space<hbm>>
    %dma_wait3A_66 = arith.constant 0 : i32
    %dma_wait3A_67 = arith.constant 0 : i32
    %dma_wait3A_68 = tpu.memref_slice %arg3[%arg0, %arg1, %dma_wait3A_66, %dma_wait3A_67] : memref<2x16x80x125xi32, #tpu.memory_space<hbm>> -> memref<1x1x80x125xi32, #tpu.memory_space<hbm>>
    %dma_wait3A_69 = tpu.memref_squeeze %dma_wait3A_68 : memref<1x1x80x125xi32, #tpu.memory_space<hbm>> -> memref<80x125xi32, #tpu.memory_space<hbm>>
    %dma_wait3A_70 = arith.constant 0 : i32
    %dma_wait3A_71 = tpu.memref_slice %dma_wait3A_69[%dma_wait3A_58, %dma_wait3A_70] : memref<80x125xi32, #tpu.memory_space<hbm>> -> memref<1x125xi32, #tpu.memory_space<hbm>>
    %dma_wait3A_72 = tpu.memref_squeeze %dma_wait3A_71 : memref<1x125xi32, #tpu.memory_space<hbm>> -> memref<125xi32, #tpu.memory_space<hbm>>
    tpu.wait_dma2 semaphore(%arg17 : memref<!tpu.dma_semaphore, #tpu.memory_space<semaphore_mem>>) src(%dma_wait3A_72 : memref<125xi32, #tpu.memory_space<hbm>>) dst(%arg8 : memref<125xi32, #tpu.memory_space<vmem>>)
    %dma_start3A_73 = arith.constant 0 : i32
    %dma_start3A_74 = arith.constant 0 : i32
    %dma_start3A_75 = tpu.memref_slice %arg2[%dma_start3A_73, %dma_start3A_74] : memref<20480x128xf32, #tpu.memory_space<hbm>> -> memref<20480x128xf32, #tpu.memory_space<hbm>>
    tpu.enqueue_indirect_dma source(%dma_start3A_75 : memref<20480x128xf32, #tpu.memory_space<hbm>>) target(%arg10 : memref<125x128xf32, #tpu.memory_space<vmem>>) offsets(%arg8 : memref<125xi32, #tpu.memory_space<vmem>>) semaphore(%arg13 : memref<!tpu.dma_semaphore, #tpu.memory_space<semaphore_mem>>)
    %scan3A_76 = arith.constant 0 : i32
    %scan3A_77 = arith.constant 40 : i32
    %scan3A_78 = arith.addi %scan3A_76, %scan3A_77 : i32
    %scan3A_79 = arith.constant 1 : i32
    scf.for %scan3A_89 = %scan3A_76 to %scan3A_78 step %scan3A_79  : i32 {
      %mul3A_90 = arith.constant 2 : i32
      %mul3A_91 = arith.muli %mul3A_90, %scan3A_89 : i32
      %dma_wait3A_92 = arith.constant 0 : i32
      %dma_wait3A_93 = arith.constant 0 : i32
      %dma_wait3A_94 = tpu.memref_slice %arg2[%dma_wait3A_92, %dma_wait3A_93] : memref<20480x128xf32, #tpu.memory_space<hbm>> -> memref<20480x128xf32, #tpu.memory_space<hbm>>
      tpu.wait_indirect_dma semaphore(%arg12 : memref<!tpu.dma_semaphore, #tpu.memory_space<semaphore_mem>>) src(%dma_wait3A_94 : memref<20480x128xf32, #tpu.memory_space<hbm>>) dst(%arg9 : memref<125x128xf32, #tpu.memory_space<vmem>>)
      %add3A_95 = arith.constant 2 : i32
      %add3A_96 = arith.addi %mul3A_91, %add3A_95 : i32
      %lt3A = arith.constant 80 : i32
      %lt3A_97 = arith.cmpi slt, %add3A_96, %lt3A : i32
      %convert_element_type3A = arith.extui %lt3A_97 : i1 to i32
      %cond3A = arith.constant 0 : i32
      %cond3A_98 = arith.cmpi ne, %convert_element_type3A, %cond3A : i32
      scf.if %cond3A_98 {
        %add3A_151 = arith.constant 2 : i32
        %add3A_152 = arith.addi %mul3A_91, %add3A_151 : i32
        %dma_start3A_153 = arith.constant 0 : i32
        %dma_start3A_154 = arith.constant 0 : i32
        %dma_start3A_155 = tpu.memref_slice %arg3[%arg0, %arg1, %dma_start3A_153, %dma_start3A_154] : memref<2x16x80x125xi32, #tpu.memory_space<hbm>> -> memref<1x1x80x125xi32, #tpu.memory_space<hbm>>
        %dma_start3A_156 = tpu.memref_squeeze %dma_start3A_155 : memref<1x1x80x125xi32, #tpu.memory_space<hbm>> -> memref<80x125xi32, #tpu.memory_space<hbm>>
        %dma_start3A_157 = arith.constant 0 : i32
        %dma_start3A_158 = tpu.memref_slice %dma_start3A_156[%add3A_152, %dma_start3A_157] : memref<80x125xi32, #tpu.memory_space<hbm>> -> memref<1x125xi32, #tpu.memory_space<hbm>>
        %dma_start3A_159 = tpu.memref_squeeze %dma_start3A_158 : memref<1x125xi32, #tpu.memory_space<hbm>> -> memref<125xi32, #tpu.memory_space<hbm>>
        %dma_start3A_160 = arith.constant 0 : i32
        %dma_start3A_161 = arith.constant 0 : i32
        %dma_start3A_162 = tpu.memref_slice %arg3[%arg0, %arg1, %dma_start3A_160, %dma_start3A_161] : memref<2x16x80x125xi32, #tpu.memory_space<hbm>> -> memref<1x1x80x125xi32, #tpu.memory_space<hbm>>
        %dma_start3A_163 = tpu.memref_squeeze %dma_start3A_162 : memref<1x1x80x125xi32, #tpu.memory_space<hbm>> -> memref<80x125xi32, #tpu.memory_space<hbm>>
        %dma_start3A_164 = arith.constant 0 : i32
        %dma_start3A_165 = tpu.memref_slice %dma_start3A_163[%add3A_152, %dma_start3A_164] : memref<80x125xi32, #tpu.memory_space<hbm>> -> memref<1x125xi32, #tpu.memory_space<hbm>>
        %dma_start3A_166 = tpu.memref_squeeze %dma_start3A_165 : memref<1x125xi32, #tpu.memory_space<hbm>> -> memref<125xi32, #tpu.memory_space<hbm>>
        tpu.enqueue_dma source(%dma_start3A_166 : memref<125xi32, #tpu.memory_space<hbm>>) target(%arg7 : memref<125xi32, #tpu.memory_space<vmem>>) target_semaphore(%arg16 : memref<!tpu.dma_semaphore, #tpu.memory_space<semaphore_mem>>)
      } else {
      }
      %dma_start3A_99 = arith.constant 0 : i32
      %dma_start3A_100 = tpu.memref_slice %arg6[%mul3A_91, %dma_start3A_99] : memref<80x125xi32, #tpu.memory_space<vmem>> -> memref<1x125xi32, #tpu.memory_space<vmem>>
      %dma_start3A_101 = tpu.memref_squeeze %dma_start3A_100 : memref<1x125xi32, #tpu.memory_space<vmem>> -> memref<125xi32, #tpu.memory_space<vmem>>
      %dma_start3A_102 = arith.constant 0 : i32
      %dma_start3A_103 = arith.constant 0 : i32
      %dma_start3A_104 = tpu.memref_slice %arg11[%dma_start3A_102, %dma_start3A_103] : memref<10240x128xf32, #tpu.memory_space<vmem_shared>> -> memref<10240x128xf32, #tpu.memory_space<vmem_shared>>
      tpu.enqueue_indirect_dma source(%arg9 : memref<125x128xf32, #tpu.memory_space<vmem>>) target(%dma_start3A_104 : memref<10240x128xf32, #tpu.memory_space<vmem_shared>>) offsets(%dma_start3A_101 : memref<125xi32, #tpu.memory_space<vmem>>) semaphore(%arg14 : memref<!tpu.dma_semaphore, #tpu.memory_space<semaphore_mem>>) {add = true}
      %dma_wait3A_105 = arith.constant 0 : i32
      %dma_wait3A_106 = tpu.memref_slice %arg6[%mul3A_91, %dma_wait3A_105] : memref<80x125xi32, #tpu.memory_space<vmem>> -> memref<1x125xi32, #tpu.memory_space<vmem>>
      %dma_wait3A_107 = tpu.memref_squeeze %dma_wait3A_106 : memref<1x125xi32, #tpu.memory_space<vmem>> -> memref<125xi32, #tpu.memory_space<vmem>>
      %dma_wait3A_108 = arith.constant 0 : i32
      %dma_wait3A_109 = arith.constant 0 : i32
      %dma_wait3A_110 = tpu.memref_slice %arg11[%dma_wait3A_108, %dma_wait3A_109] : memref<10240x128xf32, #tpu.memory_space<vmem_shared>> -> memref<10240x128xf32, #tpu.memory_space<vmem_shared>>
      tpu.wait_indirect_dma semaphore(%arg14 : memref<!tpu.dma_semaphore, #tpu.memory_space<semaphore_mem>>) src(%arg9 : memref<125x128xf32, #tpu.memory_space<vmem>>) dst(%dma_wait3A_110 : memref<10240x128xf32, #tpu.memory_space<vmem_shared>>)
      %add3A_111 = arith.constant 2 : i32
      %add3A_112 = arith.addi %mul3A_91, %add3A_111 : i32
      %lt3A_113 = arith.constant 80 : i32
      %lt3A_114 = arith.cmpi slt, %add3A_112, %lt3A_113 : i32
      %convert_element_type3A_115 = arith.extui %lt3A_114 : i1 to i32
      %cond3A_116 = arith.constant 0 : i32
      %cond3A_117 = arith.cmpi ne, %convert_element_type3A_115, %cond3A_116 : i32
      scf.if %cond3A_117 {
        %add3A_151 = arith.constant 2 : i32
        %add3A_152 = arith.addi %mul3A_91, %add3A_151 : i32
        %dma_wait3A_153 = arith.constant 0 : i32
        %dma_wait3A_154 = arith.constant 0 : i32
        %dma_wait3A_155 = tpu.memref_slice %arg3[%arg0, %arg1, %dma_wait3A_153, %dma_wait3A_154] : memref<2x16x80x125xi32, #tpu.memory_space<hbm>> -> memref<1x1x80x125xi32, #tpu.memory_space<hbm>>
        %dma_wait3A_156 = tpu.memref_squeeze %dma_wait3A_155 : memref<1x1x80x125xi32, #tpu.memory_space<hbm>> -> memref<80x125xi32, #tpu.memory_space<hbm>>
        %dma_wait3A_157 = arith.constant 0 : i32
        %dma_wait3A_158 = tpu.memref_slice %dma_wait3A_156[%add3A_152, %dma_wait3A_157] : memref<80x125xi32, #tpu.memory_space<hbm>> -> memref<1x125xi32, #tpu.memory_space<hbm>>
        %dma_wait3A_159 = tpu.memref_squeeze %dma_wait3A_158 : memref<1x125xi32, #tpu.memory_space<hbm>> -> memref<125xi32, #tpu.memory_space<hbm>>
        %dma_wait3A_160 = arith.constant 0 : i32
        %dma_wait3A_161 = arith.constant 0 : i32
        %dma_wait3A_162 = tpu.memref_slice %arg3[%arg0, %arg1, %dma_wait3A_160, %dma_wait3A_161] : memref<2x16x80x125xi32, #tpu.memory_space<hbm>> -> memref<1x1x80x125xi32, #tpu.memory_space<hbm>>
        %dma_wait3A_163 = tpu.memref_squeeze %dma_wait3A_162 : memref<1x1x80x125xi32, #tpu.memory_space<hbm>> -> memref<80x125xi32, #tpu.memory_space<hbm>>
        %dma_wait3A_164 = arith.constant 0 : i32
        %dma_wait3A_165 = tpu.memref_slice %dma_wait3A_163[%add3A_152, %dma_wait3A_164] : memref<80x125xi32, #tpu.memory_space<hbm>> -> memref<1x125xi32, #tpu.memory_space<hbm>>
        %dma_wait3A_166 = tpu.memref_squeeze %dma_wait3A_165 : memref<1x125xi32, #tpu.memory_space<hbm>> -> memref<125xi32, #tpu.memory_space<hbm>>
        tpu.wait_dma2 semaphore(%arg16 : memref<!tpu.dma_semaphore, #tpu.memory_space<semaphore_mem>>) src(%dma_wait3A_166 : memref<125xi32, #tpu.memory_space<hbm>>) dst(%arg7 : memref<125xi32, #tpu.memory_space<vmem>>)
        %dma_start3A_167 = arith.constant 0 : i32
        %dma_start3A_168 = arith.constant 0 : i32
        %dma_start3A_169 = tpu.memref_slice %arg2[%dma_start3A_167, %dma_start3A_168] : memref<20480x128xf32, #tpu.memory_space<hbm>> -> memref<20480x128xf32, #tpu.memory_space<hbm>>
        tpu.enqueue_indirect_dma source(%dma_start3A_169 : memref<20480x128xf32, #tpu.memory_space<hbm>>) target(%arg9 : memref<125x128xf32, #tpu.memory_space<vmem>>) offsets(%arg7 : memref<125xi32, #tpu.memory_space<vmem>>) semaphore(%arg12 : memref<!tpu.dma_semaphore, #tpu.memory_space<semaphore_mem>>)
      } else {
      }
      %mul3A_118 = arith.constant 2 : i32
      %mul3A_119 = arith.muli %mul3A_118, %scan3A_89 : i32
      %add3A_120 = arith.constant 1 : i32
      %add3A_121 = arith.addi %mul3A_119, %add3A_120 : i32
      %dma_wait3A_122 = arith.constant 0 : i32
      %dma_wait3A_123 = arith.constant 0 : i32
      %dma_wait3A_124 = tpu.memref_slice %arg2[%dma_wait3A_122, %dma_wait3A_123] : memref<20480x128xf32, #tpu.memory_space<hbm>> -> memref<20480x128xf32, #tpu.memory_space<hbm>>
      tpu.wait_indirect_dma semaphore(%arg13 : memref<!tpu.dma_semaphore, #tpu.memory_space<semaphore_mem>>) src(%dma_wait3A_124 : memref<20480x128xf32, #tpu.memory_space<hbm>>) dst(%arg10 : memref<125x128xf32, #tpu.memory_space<vmem>>)
      %add3A_125 = arith.constant 2 : i32
      %add3A_126 = arith.addi %add3A_121, %add3A_125 : i32
      %lt3A_127 = arith.constant 80 : i32
      %lt3A_128 = arith.cmpi slt, %add3A_126, %lt3A_127 : i32
      %convert_element_type3A_129 = arith.extui %lt3A_128 : i1 to i32
      %cond3A_130 = arith.constant 0 : i32
      %cond3A_131 = arith.cmpi ne, %convert_element_type3A_129, %cond3A_130 : i32
      scf.if %cond3A_131 {
        %add3A_151 = arith.constant 2 : i32
        %add3A_152 = arith.addi %add3A_121, %add3A_151 : i32
        %dma_start3A_153 = arith.constant 0 : i32
        %dma_start3A_154 = arith.constant 0 : i32
        %dma_start3A_155 = tpu.memref_slice %arg3[%arg0, %arg1, %dma_start3A_153, %dma_start3A_154] : memref<2x16x80x125xi32, #tpu.memory_space<hbm>> -> memref<1x1x80x125xi32, #tpu.memory_space<hbm>>
        %dma_start3A_156 = tpu.memref_squeeze %dma_start3A_155 : memref<1x1x80x125xi32, #tpu.memory_space<hbm>> -> memref<80x125xi32, #tpu.memory_space<hbm>>
        %dma_start3A_157 = arith.constant 0 : i32
        %dma_start3A_158 = tpu.memref_slice %dma_start3A_156[%add3A_152, %dma_start3A_157] : memref<80x125xi32, #tpu.memory_space<hbm>> -> memref<1x125xi32, #tpu.memory_space<hbm>>
        %dma_start3A_159 = tpu.memref_squeeze %dma_start3A_158 : memref<1x125xi32, #tpu.memory_space<hbm>> -> memref<125xi32, #tpu.memory_space<hbm>>
        %dma_start3A_160 = arith.constant 0 : i32
        %dma_start3A_161 = arith.constant 0 : i32
        %dma_start3A_162 = tpu.memref_slice %arg3[%arg0, %arg1, %dma_start3A_160, %dma_start3A_161] : memref<2x16x80x125xi32, #tpu.memory_space<hbm>> -> memref<1x1x80x125xi32, #tpu.memory_space<hbm>>
        %dma_start3A_163 = tpu.memref_squeeze %dma_start3A_162 : memref<1x1x80x125xi32, #tpu.memory_space<hbm>> -> memref<80x125xi32, #tpu.memory_space<hbm>>
        %dma_start3A_164 = arith.constant 0 : i32
        %dma_start3A_165 = tpu.memref_slice %dma_start3A_163[%add3A_152, %dma_start3A_164] : memref<80x125xi32, #tpu.memory_space<hbm>> -> memref<1x125xi32, #tpu.memory_space<hbm>>
        %dma_start3A_166 = tpu.memref_squeeze %dma_start3A_165 : memref<1x125xi32, #tpu.memory_space<hbm>> -> memref<125xi32, #tpu.memory_space<hbm>>
        tpu.enqueue_dma source(%dma_start3A_166 : memref<125xi32, #tpu.memory_space<hbm>>) target(%arg8 : memref<125xi32, #tpu.memory_space<vmem>>) target_semaphore(%arg17 : memref<!tpu.dma_semaphore, #tpu.memory_space<semaphore_mem>>)
      } else {
      }
      %dma_start3A_132 = arith.constant 0 : i32
      %dma_start3A_133 = tpu.memref_slice %arg6[%add3A_121, %dma_start3A_132] : memref<80x125xi32, #tpu.memory_space<vmem>> -> memref<1x125xi32, #tpu.memory_space<vmem>>
      %dma_start3A_134 = tpu.memref_squeeze %dma_start3A_133 : memref<1x125xi32, #tpu.memory_space<vmem>> -> memref<125xi32, #tpu.memory_space<vmem>>
      %dma_start3A_135 = arith.constant 0 : i32
      %dma_start3A_136 = arith.constant 0 : i32
      %dma_start3A_137 = tpu.memref_slice %arg11[%dma_start3A_135, %dma_start3A_136] : memref<10240x128xf32, #tpu.memory_space<vmem_shared>> -> memref<10240x128xf32, #tpu.memory_space<vmem_shared>>
      tpu.enqueue_indirect_dma source(%arg10 : memref<125x128xf32, #tpu.memory_space<vmem>>) target(%dma_start3A_137 : memref<10240x128xf32, #tpu.memory_space<vmem_shared>>) offsets(%dma_start3A_134 : memref<125xi32, #tpu.memory_space<vmem>>) semaphore(%arg15 : memref<!tpu.dma_semaphore, #tpu.memory_space<semaphore_mem>>) {add = true}
      %dma_wait3A_138 = arith.constant 0 : i32
      %dma_wait3A_139 = tpu.memref_slice %arg6[%add3A_121, %dma_wait3A_138] : memref<80x125xi32, #tpu.memory_space<vmem>> -> memref<1x125xi32, #tpu.memory_space<vmem>>
      %dma_wait3A_140 = tpu.memref_squeeze %dma_wait3A_139 : memref<1x125xi32, #tpu.memory_space<vmem>> -> memref<125xi32, #tpu.memory_space<vmem>>
      %dma_wait3A_141 = arith.constant 0 : i32
      %dma_wait3A_142 = arith.constant 0 : i32
      %dma_wait3A_143 = tpu.memref_slice %arg11[%dma_wait3A_141, %dma_wait3A_142] : memref<10240x128xf32, #tpu.memory_space<vmem_shared>> -> memref<10240x128xf32, #tpu.memory_space<vmem_shared>>
      tpu.wait_indirect_dma semaphore(%arg15 : memref<!tpu.dma_semaphore, #tpu.memory_space<semaphore_mem>>) src(%arg10 : memref<125x128xf32, #tpu.memory_space<vmem>>) dst(%dma_wait3A_143 : memref<10240x128xf32, #tpu.memory_space<vmem_shared>>)
      %add3A_144 = arith.constant 2 : i32
      %add3A_145 = arith.addi %add3A_121, %add3A_144 : i32
      %lt3A_146 = arith.constant 80 : i32
      %lt3A_147 = arith.cmpi slt, %add3A_145, %lt3A_146 : i32
      %convert_element_type3A_148 = arith.extui %lt3A_147 : i1 to i32
      %cond3A_149 = arith.constant 0 : i32
      %cond3A_150 = arith.cmpi ne, %convert_element_type3A_148, %cond3A_149 : i32
      scf.if %cond3A_150 {
        %add3A_151 = arith.constant 2 : i32
        %add3A_152 = arith.addi %add3A_121, %add3A_151 : i32
        %dma_wait3A_153 = arith.constant 0 : i32
        %dma_wait3A_154 = arith.constant 0 : i32
        %dma_wait3A_155 = tpu.memref_slice %arg3[%arg0, %arg1, %dma_wait3A_153, %dma_wait3A_154] : memref<2x16x80x125xi32, #tpu.memory_space<hbm>> -> memref<1x1x80x125xi32, #tpu.memory_space<hbm>>
        %dma_wait3A_156 = tpu.memref_squeeze %dma_wait3A_155 : memref<1x1x80x125xi32, #tpu.memory_space<hbm>> -> memref<80x125xi32, #tpu.memory_space<hbm>>
        %dma_wait3A_157 = arith.constant 0 : i32
        %dma_wait3A_158 = tpu.memref_slice %dma_wait3A_156[%add3A_152, %dma_wait3A_157] : memref<80x125xi32, #tpu.memory_space<hbm>> -> memref<1x125xi32, #tpu.memory_space<hbm>>
        %dma_wait3A_159 = tpu.memref_squeeze %dma_wait3A_158 : memref<1x125xi32, #tpu.memory_space<hbm>> -> memref<125xi32, #tpu.memory_space<hbm>>
        %dma_wait3A_160 = arith.constant 0 : i32
        %dma_wait3A_161 = arith.constant 0 : i32
        %dma_wait3A_162 = tpu.memref_slice %arg3[%arg0, %arg1, %dma_wait3A_160, %dma_wait3A_161] : memref<2x16x80x125xi32, #tpu.memory_space<hbm>> -> memref<1x1x80x125xi32, #tpu.memory_space<hbm>>
        %dma_wait3A_163 = tpu.memref_squeeze %dma_wait3A_162 : memref<1x1x80x125xi32, #tpu.memory_space<hbm>> -> memref<80x125xi32, #tpu.memory_space<hbm>>
        %dma_wait3A_164 = arith.constant 0 : i32
        %dma_wait3A_165 = tpu.memref_slice %dma_wait3A_163[%add3A_152, %dma_wait3A_164] : memref<80x125xi32, #tpu.memory_space<hbm>> -> memref<1x125xi32, #tpu.memory_space<hbm>>
        %dma_wait3A_166 = tpu.memref_squeeze %dma_wait3A_165 : memref<1x125xi32, #tpu.memory_space<hbm>> -> memref<125xi32, #tpu.memory_space<hbm>>
        tpu.wait_dma2 semaphore(%arg17 : memref<!tpu.dma_semaphore, #tpu.memory_space<semaphore_mem>>) src(%dma_wait3A_166 : memref<125xi32, #tpu.memory_space<hbm>>) dst(%arg8 : memref<125xi32, #tpu.memory_space<vmem>>)
        %dma_start3A_167 = arith.constant 0 : i32
        %dma_start3A_168 = arith.constant 0 : i32
        %dma_start3A_169 = tpu.memref_slice %arg2[%dma_start3A_167, %dma_start3A_168] : memref<20480x128xf32, #tpu.memory_space<hbm>> -> memref<20480x128xf32, #tpu.memory_space<hbm>>
        tpu.enqueue_indirect_dma source(%dma_start3A_169 : memref<20480x128xf32, #tpu.memory_space<hbm>>) target(%arg10 : memref<125x128xf32, #tpu.memory_space<vmem>>) offsets(%arg8 : memref<125xi32, #tpu.memory_space<vmem>>) semaphore(%arg13 : memref<!tpu.dma_semaphore, #tpu.memory_space<semaphore_mem>>)
      } else {
      }
    }
    %scan3A_80 = arith.constant 40 : i32
    %barrier3A_81 = arith.constant 0 : index
    tpu.barrier barrier_id(%barrier3A_81)
    %mul3A_82 = arith.constant 640 : i32
    %mul3A_83 = arith.muli %arg1, %mul3A_82 : i32
    %mul3A_84 = arith.constant 10240 : i32
    %mul3A_85 = arith.muli %arg0, %mul3A_84 : i32
    %mul3A_86 = arith.constant 640 : i32
    %mul3A_87 = arith.muli %arg1, %mul3A_86 : i32
    %add3A_88 = arith.addi %mul3A_85, %mul3A_87 : i32
    "tpu.region"() ({
      %run_scoped3A = tpu.sem_alloc : memref<!tpu.dma_semaphore, #tpu.memory_space<semaphore_mem>>
      %dma_start3A_89 = arith.constant 0 : i32
      %dma_start3A_90 = tpu.memref_slice %arg5[%add3A_88, %dma_start3A_89] : memref<20480x128xf32, #tpu.memory_space<hbm>> -> memref<640x128xf32, #tpu.memory_space<hbm>>
      %dma_start3A_91 = arith.constant 0 : i32
      %dma_start3A_92 = tpu.memref_slice %arg11[%mul3A_83, %dma_start3A_91] : memref<10240x128xf32, #tpu.memory_space<vmem_shared>> -> memref<640x128xf32, #tpu.memory_space<vmem_shared>>
      tpu.enqueue_dma source(%dma_start3A_92 : memref<640x128xf32, #tpu.memory_space<vmem_shared>>) target(%dma_start3A_90 : memref<640x128xf32, #tpu.memory_space<hbm>>) target_semaphore(%run_scoped3A : memref<!tpu.dma_semaphore, #tpu.memory_space<semaphore_mem>>)
      %dma_wait3A_93 = arith.constant 0 : i32
      %dma_wait3A_94 = tpu.memref_slice %arg5[%add3A_88, %dma_wait3A_93] : memref<20480x128xf32, #tpu.memory_space<hbm>> -> memref<640x128xf32, #tpu.memory_space<hbm>>
      %dma_wait3A_95 = arith.constant 0 : i32
      %dma_wait3A_96 = tpu.memref_slice %arg11[%mul3A_83, %dma_wait3A_95] : memref<10240x128xf32, #tpu.memory_space<vmem_shared>> -> memref<640x128xf32, #tpu.memory_space<vmem_shared>>
      tpu.wait_dma2 semaphore(%run_scoped3A : memref<!tpu.dma_semaphore, #tpu.memory_space<semaphore_mem>>) src(%dma_wait3A_96 : memref<640x128xf32, #tpu.memory_space<vmem_shared>>) dst(%dma_wait3A_94 : memref<640x128xf32, #tpu.memory_space<hbm>>)
      tpu.yield
    }) : () -> ()
    return
  }
}

module attributes {stable_mosaic.version = 14 : i64} {
  func.func @_mm1_body(%arg0: i32, %arg1: i32, %arg2: memref<1024x256xf32, #tpu.memory_space<vmem>>, %arg3: memref<1024x1xf32, #tpu.memory_space<vmem>>, %arg4: memref<1024x1xf32, #tpu.memory_space<vmem>>, %arg5: memref<256x128xf32, #tpu.memory_space<vmem>>, %arg6: memref<1024x128xf32, #tpu.memory_space<vmem>>) attributes {dimension_semantics = [#tpu.dimension_semantics<arbitrary>, #tpu.dimension_semantics<arbitrary>], iteration_bounds = array<i64: 10, 2>, scalar_prefetch = 0 : i64, scratch_operands = 0 : i64, tpu.core_type = #tpu.core_type<tc>, window_params = [{transform_indices = @transform_0, window_bounds = array<i64: 1024, 256>}, {transform_indices = @transform_1, window_bounds = array<i64: 1024, 1>}, {transform_indices = @transform_2, window_bounds = array<i64: 1024, 1>}, {transform_indices = @transform_3, window_bounds = array<i64: 256, 128>}, {transform_indices = @transform_4, window_bounds = array<i64: 1024, 128>}]} {
    %get3A = arith.constant 0 : index
    %get3A_0 = arith.constant 0 : index
    %get3A_1 = vector.load %arg3[%get3A, %get3A_0] : memref<1024x1xf32, #tpu.memory_space<vmem>>, vector<1024x1xf32>
    %get3A_2 = arith.constant 0 : index
    %get3A_3 = arith.constant 0 : index
    %get3A_4 = vector.load %arg4[%get3A_2, %get3A_3] : memref<1024x1xf32, #tpu.memory_space<vmem>>, vector<1024x1xf32>
    %add3A = arith.addf %get3A_1, %get3A_4 : vector<1024x1xf32>
    %max3A = arith.constant 1.000000e+00 : f32
    %max3A_5 = vector.broadcast %max3A : f32 to vector<1024x1xf32>
    %max3A_6 = arith.maximumf %add3A, %max3A_5 : vector<1024x1xf32>
    %rsqrt3A = math.rsqrt %max3A_6 : vector<1024x1xf32>
    %get3A_7 = arith.constant 0 : index
    %get3A_8 = arith.constant 0 : index
    %get3A_9 = vector.load %arg2[%get3A_7, %get3A_8] : memref<1024x256xf32, #tpu.memory_space<vmem>>, vector<1024x256xf32>
    %mul3A = vector.broadcast %rsqrt3A : vector<1024x1xf32> to vector<1024x256xf32>
    %mul3A_10 = arith.mulf %get3A_9, %mul3A : vector<1024x256xf32>
    %get3A_11 = arith.constant 0 : index
    %get3A_12 = arith.constant 0 : index
    %get3A_13 = vector.load %arg5[%get3A_11, %get3A_12] : memref<256x128xf32, #tpu.memory_space<vmem>>, vector<256x128xf32>
    %dot_general3A = arith.constant dense<0.000000e+00> : vector<1024x128xf32>
    %dot_general3A_14 = tpu.matmul %mul3A_10, %get3A_13, %dot_general3A {dimension_numbers = #tpu.dot_dimension_numbers<[1], [0], [0], [1], [0, 0, 1, 1], [], []>, transpose_lhs_hint = false} : vector<1024x256xf32>, vector<256x128xf32>, vector<1024x128xf32> -> vector<1024x128xf32>
    %swap3A = arith.constant 0 : index
    %swap3A_15 = arith.constant 0 : index
    %swap3A_16 = vector.load %arg6[%swap3A, %swap3A_15] : memref<1024x128xf32, #tpu.memory_space<vmem>>, vector<1024x128xf32>
    tpu.vector_store %arg6[%swap3A, %swap3A_15], %dot_general3A_14 {strides = array<i32>} : memref<1024x128xf32, #tpu.memory_space<vmem>>, vector<1024x128xf32>,
    return
  }
  func.func @transform_0(%arg0: i32, %arg1: i32) -> (i32, i32) {
    %c0_i32 = arith.constant 0 : i32
    %c0_i32_0 = arith.constant 0 : i32
    return %arg0, %c0_i32 : i32, i32
  }
  func.func @transform_1(%arg0: i32, %arg1: i32) -> (i32, i32) {
    %c0_i32 = arith.constant 0 : i32
    %c0_i32_0 = arith.constant 0 : i32
    return %arg0, %c0_i32 : i32, i32
  }
  func.func @transform_2(%arg0: i32, %arg1: i32) -> (i32, i32) {
    %c0_i32 = arith.constant 0 : i32
    %c0_i32_0 = arith.constant 0 : i32
    return %arg0, %c0_i32 : i32, i32
  }
  func.func @transform_3(%arg0: i32, %arg1: i32) -> (i32, i32) {
    %c0_i32 = arith.constant 0 : i32
    %c0_i32_0 = arith.constant 0 : i32
    return %c0_i32, %arg1 : i32, i32
  }
  func.func @transform_4(%arg0: i32, %arg1: i32) -> (i32, i32) {
    %mul3A = arith.constant 10 : i32
    %mul3A_0 = arith.muli %arg1, %mul3A : i32
    %add3A = arith.addi %mul3A_0, %arg0 : i32
    %c0_i32 = arith.constant 0 : i32
    %c0_i32_1 = arith.constant 0 : i32
    return %add3A, %c0_i32 : i32, i32
  }
}

module attributes {stable_mosaic.version = 14 : i64} {
  func.func @_mm_mid_body(%arg0: i32, %arg1: i32, %arg2: i32, %arg3: memref<1024x128xf32, #tpu.memory_space<vmem>>, %arg4: memref<1024x1xf32, #tpu.memory_space<vmem>>, %arg5: memref<1024x1xf32, #tpu.memory_space<vmem>>, %arg6: memref<1024x1xf32, #tpu.memory_space<vmem>>, %arg7: memref<1024x1xf32, #tpu.memory_space<vmem>>, %arg8: memref<1x1x128xf32, #tpu.memory_space<vmem>>, %arg9: memref<128x128xf32, #tpu.memory_space<vmem>>, %arg10: memref<1024x128xf32, #tpu.memory_space<vmem>>) attributes {dimension_semantics = [#tpu.dimension_semantics<arbitrary>, #tpu.dimension_semantics<arbitrary>, #tpu.dimension_semantics<arbitrary>], iteration_bounds = array<i64: 10, 2, 2>, scalar_prefetch = 0 : i64, scratch_operands = 0 : i64, tpu.core_type = #tpu.core_type<tc>, window_params = [{transform_indices = @transform_0, window_bounds = array<i64: 1024, 128>}, {transform_indices = @transform_1, window_bounds = array<i64: 1024, 1>}, {transform_indices = @transform_2, window_bounds = array<i64: 1024, 1>}, {transform_indices = @transform_3, window_bounds = array<i64: 1024, 1>}, {transform_indices = @transform_4, window_bounds = array<i64: 1024, 1>}, {transform_indices = @transform_5, window_bounds = array<i64: 1, 1, 128>}, {transform_indices = @transform_6, window_bounds = array<i64: 128, 128>}, {transform_indices = @transform_7, window_bounds = array<i64: 1024, 128>}]} {
    %get3A = arith.constant 0 : index
    %get3A_0 = arith.constant 0 : index
    %get3A_1 = vector.load %arg4[%get3A, %get3A_0] : memref<1024x1xf32, #tpu.memory_space<vmem>>, vector<1024x1xf32>
    %get3A_2 = arith.constant 0 : index
    %get3A_3 = arith.constant 0 : index
    %get3A_4 = vector.load %arg5[%get3A_2, %get3A_3] : memref<1024x1xf32, #tpu.memory_space<vmem>>, vector<1024x1xf32>
    %add3A = arith.addf %get3A_1, %get3A_4 : vector<1024x1xf32>
    %max3A = arith.constant 1.000000e+00 : f32
    %max3A_5 = vector.broadcast %max3A : f32 to vector<1024x1xf32>
    %max3A_6 = arith.maximumf %add3A, %max3A_5 : vector<1024x1xf32>
    %rsqrt3A = math.rsqrt %max3A_6 : vector<1024x1xf32>
    %get3A_7 = arith.constant 0 : index
    %get3A_8 = arith.constant 0 : index
    %get3A_9 = vector.load %arg6[%get3A_7, %get3A_8] : memref<1024x1xf32, #tpu.memory_space<vmem>>, vector<1024x1xf32>
    %get3A_10 = arith.constant 0 : index
    %get3A_11 = arith.constant 0 : index
    %get3A_12 = vector.load %arg7[%get3A_10, %get3A_11] : memref<1024x1xf32, #tpu.memory_space<vmem>>, vector<1024x1xf32>
    %add3A_13 = arith.addf %get3A_9, %get3A_12 : vector<1024x1xf32>
    %max3A_14 = arith.constant 1.000000e+00 : f32
    %max3A_15 = vector.broadcast %max3A_14 : f32 to vector<1024x1xf32>
    %max3A_16 = arith.maximumf %add3A_13, %max3A_15 : vector<1024x1xf32>
    %rsqrt3A_17 = math.rsqrt %max3A_16 : vector<1024x1xf32>
    %get3A_18 = arith.constant 0 : index
    %get3A_19 = arith.constant 0 : index
    %get3A_20 = vector.load %arg3[%get3A_18, %get3A_19] : memref<1024x128xf32, #tpu.memory_space<vmem>>, vector<1024x128xf32>
    %mul3A = arith.mulf %rsqrt3A, %rsqrt3A_17 : vector<1024x1xf32>
    %mul3A_21 = vector.broadcast %mul3A : vector<1024x1xf32> to vector<1024x128xf32>
    %mul3A_22 = arith.mulf %get3A_20, %mul3A_21 : vector<1024x128xf32>
    %get3A_23 = arith.constant 0 : index
    %get3A_24 = arith.constant 0 : index
    %get3A_25 = arith.constant 0 : index
    %get3A_26 = vector.load %arg8[%get3A_23, %get3A_24, %get3A_25] : memref<1x1x128xf32, #tpu.memory_space<vmem>>, vector<1x1x128xf32>
    %get3A_27 = vector.shape_cast %get3A_26 : vector<1x1x128xf32> to vector<1x128xf32>
    %mul3A_28 = vector.broadcast %rsqrt3A : vector<1024x1xf32> to vector<1024x128xf32>
    %mul3A_29 = vector.broadcast %get3A_27 : vector<1x128xf32> to vector<1024x128xf32>
    %mul3A_30 = arith.mulf %mul3A_28, %mul3A_29 : vector<1024x128xf32>
    %add3A_31 = arith.addf %mul3A_22, %mul3A_30 : vector<1024x128xf32>
    %max3A_32 = arith.constant 0.000000e+00 : f32
    %max3A_33 = vector.broadcast %max3A_32 : f32 to vector<1024x128xf32>
    %max3A_34 = arith.maximumf %add3A_31, %max3A_33 : vector<1024x128xf32>
    %get3A_35 = arith.constant 0 : index
    %get3A_36 = arith.constant 0 : index
    %get3A_37 = vector.load %arg9[%get3A_35, %get3A_36] : memref<128x128xf32, #tpu.memory_space<vmem>>, vector<128x128xf32>
    %dot_general3A = arith.constant dense<0.000000e+00> : vector<1024x128xf32>
    %dot_general3A_38 = tpu.matmul %max3A_34, %get3A_37, %dot_general3A {dimension_numbers = #tpu.dot_dimension_numbers<[1], [0], [0], [1], [0, 0, 1, 1], [], []>, transpose_lhs_hint = false} : vector<1024x128xf32>, vector<128x128xf32>, vector<1024x128xf32> -> vector<1024x128xf32>
    %eq3A = arith.constant 0 : i32
    %eq3A_39 = arith.cmpi eq, %arg2, %eq3A : i32
    %convert_element_type3A = arith.extui %eq3A_39 : i1 to i32
    %cond3A = arith.constant 0 : i32
    %cond3A_40 = arith.cmpi ne, %convert_element_type3A, %cond3A : i32
    scf.if %cond3A_40 {
      %swap3A = arith.constant 0 : index
      %swap3A_45 = arith.constant 0 : index
      %swap3A_46 = vector.load %arg10[%swap3A, %swap3A_45] : memref<1024x128xf32, #tpu.memory_space<vmem>>, vector<1024x128xf32>
      tpu.vector_store %arg10[%swap3A, %swap3A_45], %dot_general3A_38 {strides = array<i32>} : memref<1024x128xf32, #tpu.memory_space<vmem>>, vector<1024x128xf32>,
    } else {
    }
    %ne3A = arith.constant 0 : i32
    %ne3A_41 = arith.cmpi ne, %arg2, %ne3A : i32
    %convert_element_type3A_42 = arith.extui %ne3A_41 : i1 to i32
    %cond3A_43 = arith.constant 0 : i32
    %cond3A_44 = arith.cmpi ne, %convert_element_type3A_42, %cond3A_43 : i32
    scf.if %cond3A_44 {
      %get3A_45 = arith.constant 0 : index
      %get3A_46 = arith.constant 0 : index
      %get3A_47 = vector.load %arg10[%get3A_45, %get3A_46] : memref<1024x128xf32, #tpu.memory_space<vmem>>, vector<1024x128xf32>
      %add3A_48 = arith.addf %get3A_47, %dot_general3A_38 : vector<1024x128xf32>
      %swap3A = arith.constant 0 : index
      %swap3A_49 = arith.constant 0 : index
      %swap3A_50 = vector.load %arg10[%swap3A, %swap3A_49] : memref<1024x128xf32, #tpu.memory_space<vmem>>, vector<1024x128xf32>
      tpu.vector_store %arg10[%swap3A, %swap3A_49], %add3A_48 {strides = array<i32>} : memref<1024x128xf32, #tpu.memory_space<vmem>>, vector<1024x128xf32>,
    } else {
    }
    return
  }
  func.func @transform_0(%arg0: i32, %arg1: i32, %arg2: i32) -> (i32, i32) {
    %mul3A = arith.constant 10 : i32
    %mul3A_0 = arith.muli %arg2, %mul3A : i32
    %add3A = arith.addi %mul3A_0, %arg0 : i32
    %c0_i32 = arith.constant 0 : i32
    %c0_i32_1 = arith.constant 0 : i32
    return %add3A, %c0_i32 : i32, i32
  }
  func.func @transform_1(%arg0: i32, %arg1: i32, %arg2: i32) -> (i32, i32) {
    %c0_i32 = arith.constant 0 : i32
    %c0_i32_0 = arith.constant 0 : i32
    return %arg0, %c0_i32 : i32, i32
  }
  func.func @transform_2(%arg0: i32, %arg1: i32, %arg2: i32) -> (i32, i32) {
    %c0_i32 = arith.constant 0 : i32
    %c0_i32_0 = arith.constant 0 : i32
    return %arg0, %c0_i32 : i32, i32
  }
  func.func @transform_3(%arg0: i32, %arg1: i32, %arg2: i32) -> (i32, i32) {
    %c0_i32 = arith.constant 0 : i32
    %c0_i32_0 = arith.constant 0 : i32
    return %arg0, %c0_i32 : i32, i32
  }
  func.func @transform_4(%arg0: i32, %arg1: i32, %arg2: i32) -> (i32, i32) {
    %c0_i32 = arith.constant 0 : i32
    %c0_i32_0 = arith.constant 0 : i32
    return %arg0, %c0_i32 : i32, i32
  }
  func.func @transform_5(%arg0: i32, %arg1: i32, %arg2: i32) -> (i32, i32, i32) {
    %c0_i32 = arith.constant 0 : i32
    %c0_i32_0 = arith.constant 0 : i32
    %c0_i32_1 = arith.constant 0 : i32
    return %arg2, %c0_i32, %c0_i32_0 : i32, i32, i32
  }
  func.func @transform_6(%arg0: i32, %arg1: i32, %arg2: i32) -> (i32, i32) {
    %c0_i32 = arith.constant 0 : i32
    return %arg2, %arg1 : i32, i32
  }
  func.func @transform_7(%arg0: i32, %arg1: i32, %arg2: i32) -> (i32, i32) {
    %mul3A = arith.constant 10 : i32
    %mul3A_0 = arith.muli %arg1, %mul3A : i32
    %add3A = arith.addi %mul3A_0, %arg0 : i32
    %c0_i32 = arith.constant 0 : i32
    %c0_i32_1 = arith.constant 0 : i32
    return %add3A, %c0_i32 : i32, i32
  }
}

module attributes {stable_mosaic.version = 14 : i64} {
  func.func @_mm3_body(%arg0: i32, %arg1: i32, %arg2: memref<1024x128xf32, #tpu.memory_space<vmem>>, %arg3: memref<1024x1xf32, #tpu.memory_space<vmem>>, %arg4: memref<1024x1xf32, #tpu.memory_space<vmem>>, %arg5: memref<1024x1xf32, #tpu.memory_space<vmem>>, %arg6: memref<1024x1xf32, #tpu.memory_space<vmem>>, %arg7: memref<1x1x128xf32, #tpu.memory_space<vmem>>, %arg8: memref<128x128xf32, #tpu.memory_space<vmem>>, %arg9: memref<1024x128xf32, #tpu.memory_space<vmem>>) attributes {dimension_semantics = [#tpu.dimension_semantics<arbitrary>, #tpu.dimension_semantics<arbitrary>], iteration_bounds = array<i64: 10, 2>, scalar_prefetch = 0 : i64, scratch_operands = 0 : i64, tpu.core_type = #tpu.core_type<tc>, window_params = [{transform_indices = @transform_0, window_bounds = array<i64: 1024, 128>}, {transform_indices = @transform_1, window_bounds = array<i64: 1024, 1>}, {transform_indices = @transform_2, window_bounds = array<i64: 1024, 1>}, {transform_indices = @transform_3, window_bounds = array<i64: 1024, 1>}, {transform_indices = @transform_4, window_bounds = array<i64: 1024, 1>}, {transform_indices = @transform_5, window_bounds = array<i64: 1, 1, 128>}, {transform_indices = @transform_6, window_bounds = array<i64: 128, 128>}, {transform_indices = @transform_7, window_bounds = array<i64: 1024, 128>}]} {
    %get3A = arith.constant 0 : index
    %get3A_0 = arith.constant 0 : index
    %get3A_1 = vector.load %arg3[%get3A, %get3A_0] : memref<1024x1xf32, #tpu.memory_space<vmem>>, vector<1024x1xf32>
    %get3A_2 = arith.constant 0 : index
    %get3A_3 = arith.constant 0 : index
    %get3A_4 = vector.load %arg4[%get3A_2, %get3A_3] : memref<1024x1xf32, #tpu.memory_space<vmem>>, vector<1024x1xf32>
    %add3A = arith.addf %get3A_1, %get3A_4 : vector<1024x1xf32>
    %max3A = arith.constant 1.000000e+00 : f32
    %max3A_5 = vector.broadcast %max3A : f32 to vector<1024x1xf32>
    %max3A_6 = arith.maximumf %add3A, %max3A_5 : vector<1024x1xf32>
    %rsqrt3A = math.rsqrt %max3A_6 : vector<1024x1xf32>
    %get3A_7 = arith.constant 0 : index
    %get3A_8 = arith.constant 0 : index
    %get3A_9 = vector.load %arg5[%get3A_7, %get3A_8] : memref<1024x1xf32, #tpu.memory_space<vmem>>, vector<1024x1xf32>
    %get3A_10 = arith.constant 0 : index
    %get3A_11 = arith.constant 0 : index
    %get3A_12 = vector.load %arg6[%get3A_10, %get3A_11] : memref<1024x1xf32, #tpu.memory_space<vmem>>, vector<1024x1xf32>
    %add3A_13 = arith.addf %get3A_9, %get3A_12 : vector<1024x1xf32>
    %max3A_14 = arith.constant 1.000000e+00 : f32
    %max3A_15 = vector.broadcast %max3A_14 : f32 to vector<1024x1xf32>
    %max3A_16 = arith.maximumf %add3A_13, %max3A_15 : vector<1024x1xf32>
    %rsqrt3A_17 = math.rsqrt %max3A_16 : vector<1024x1xf32>
    %get3A_18 = arith.constant 0 : index
    %get3A_19 = arith.constant 0 : index
    %get3A_20 = vector.load %arg2[%get3A_18, %get3A_19] : memref<1024x128xf32, #tpu.memory_space<vmem>>, vector<1024x128xf32>
    %mul3A = arith.mulf %rsqrt3A, %rsqrt3A_17 : vector<1024x1xf32>
    %mul3A_21 = vector.broadcast %mul3A : vector<1024x1xf32> to vector<1024x128xf32>
    %mul3A_22 = arith.mulf %get3A_20, %mul3A_21 : vector<1024x128xf32>
    %get3A_23 = arith.constant 0 : index
    %get3A_24 = arith.constant 0 : index
    %get3A_25 = arith.constant 0 : index
    %get3A_26 = vector.load %arg7[%get3A_23, %get3A_24, %get3A_25] : memref<1x1x128xf32, #tpu.memory_space<vmem>>, vector<1x1x128xf32>
    %get3A_27 = vector.shape_cast %get3A_26 : vector<1x1x128xf32> to vector<1x128xf32>
    %mul3A_28 = vector.broadcast %rsqrt3A : vector<1024x1xf32> to vector<1024x128xf32>
    %mul3A_29 = vector.broadcast %get3A_27 : vector<1x128xf32> to vector<1024x128xf32>
    %mul3A_30 = arith.mulf %mul3A_28, %mul3A_29 : vector<1024x128xf32>
    %add3A_31 = arith.addf %mul3A_22, %mul3A_30 : vector<1024x128xf32>
    %max3A_32 = arith.constant 0.000000e+00 : f32
    %max3A_33 = vector.broadcast %max3A_32 : f32 to vector<1024x128xf32>
    %max3A_34 = arith.maximumf %add3A_31, %max3A_33 : vector<1024x128xf32>
    %get3A_35 = arith.constant 0 : index
    %get3A_36 = arith.constant 0 : index
    %get3A_37 = vector.load %arg8[%get3A_35, %get3A_36] : memref<128x128xf32, #tpu.memory_space<vmem>>, vector<128x128xf32>
    %dot_general3A = arith.constant dense<0.000000e+00> : vector<1024x128xf32>
    %dot_general3A_38 = tpu.matmul %max3A_34, %get3A_37, %dot_general3A {dimension_numbers = #tpu.dot_dimension_numbers<[1], [0], [0], [1], [0, 0, 1, 1], [], []>, transpose_lhs_hint = false} : vector<1024x128xf32>, vector<128x128xf32>, vector<1024x128xf32> -> vector<1024x128xf32>
    %eq3A = arith.constant 0 : i32
    %eq3A_39 = arith.cmpi eq, %arg1, %eq3A : i32
    %convert_element_type3A = arith.extui %eq3A_39 : i1 to i32
    %cond3A = arith.constant 0 : i32
    %cond3A_40 = arith.cmpi ne, %convert_element_type3A, %cond3A : i32
    scf.if %cond3A_40 {
      %swap3A = arith.constant 0 : index
      %swap3A_45 = arith.constant 0 : index
      %swap3A_46 = vector.load %arg9[%swap3A, %swap3A_45] : memref<1024x128xf32, #tpu.memory_space<vmem>>, vector<1024x128xf32>
      tpu.vector_store %arg9[%swap3A, %swap3A_45], %dot_general3A_38 {strides = array<i32>} : memref<1024x128xf32, #tpu.memory_space<vmem>>, vector<1024x128xf32>,
    } else {
    }
    %ne3A = arith.constant 0 : i32
    %ne3A_41 = arith.cmpi ne, %arg1, %ne3A : i32
    %convert_element_type3A_42 = arith.extui %ne3A_41 : i1 to i32
    %cond3A_43 = arith.constant 0 : i32
    %cond3A_44 = arith.cmpi ne, %convert_element_type3A_42, %cond3A_43 : i32
    scf.if %cond3A_44 {
      %get3A_45 = arith.constant 0 : index
      %get3A_46 = arith.constant 0 : index
      %get3A_47 = vector.load %arg9[%get3A_45, %get3A_46] : memref<1024x128xf32, #tpu.memory_space<vmem>>, vector<1024x128xf32>
      %add3A_48 = arith.addf %get3A_47, %dot_general3A_38 : vector<1024x128xf32>
      %swap3A = arith.constant 0 : index
      %swap3A_49 = arith.constant 0 : index
      %swap3A_50 = vector.load %arg9[%swap3A, %swap3A_49] : memref<1024x128xf32, #tpu.memory_space<vmem>>, vector<1024x128xf32>
      tpu.vector_store %arg9[%swap3A, %swap3A_49], %add3A_48 {strides = array<i32>} : memref<1024x128xf32, #tpu.memory_space<vmem>>, vector<1024x128xf32>,
    } else {
    }
    return
  }
  func.func @transform_0(%arg0: i32, %arg1: i32) -> (i32, i32) {
    %mul3A = arith.constant 10 : i32
    %mul3A_0 = arith.muli %arg1, %mul3A : i32
    %add3A = arith.addi %mul3A_0, %arg0 : i32
    %c0_i32 = arith.constant 0 : i32
    %c0_i32_1 = arith.constant 0 : i32
    return %add3A, %c0_i32 : i32, i32
  }
  func.func @transform_1(%arg0: i32, %arg1: i32) -> (i32, i32) {
    %c0_i32 = arith.constant 0 : i32
    %c0_i32_0 = arith.constant 0 : i32
    return %arg0, %c0_i32 : i32, i32
  }
  func.func @transform_2(%arg0: i32, %arg1: i32) -> (i32, i32) {
    %c0_i32 = arith.constant 0 : i32
    %c0_i32_0 = arith.constant 0 : i32
    return %arg0, %c0_i32 : i32, i32
  }
  func.func @transform_3(%arg0: i32, %arg1: i32) -> (i32, i32) {
    %c0_i32 = arith.constant 0 : i32
    %c0_i32_0 = arith.constant 0 : i32
    return %arg0, %c0_i32 : i32, i32
  }
  func.func @transform_4(%arg0: i32, %arg1: i32) -> (i32, i32) {
    %c0_i32 = arith.constant 0 : i32
    %c0_i32_0 = arith.constant 0 : i32
    return %arg0, %c0_i32 : i32, i32
  }
  func.func @transform_5(%arg0: i32, %arg1: i32) -> (i32, i32, i32) {
    %c0_i32 = arith.constant 0 : i32
    %c0_i32_0 = arith.constant 0 : i32
    %c0_i32_1 = arith.constant 0 : i32
    return %arg1, %c0_i32, %c0_i32_0 : i32, i32, i32
  }
  func.func @transform_6(%arg0: i32, %arg1: i32) -> (i32, i32) {
    %c0_i32 = arith.constant 0 : i32
    %c0_i32_0 = arith.constant 0 : i32
    return %arg1, %c0_i32 : i32, i32
  }
  func.func @transform_7(%arg0: i32, %arg1: i32) -> (i32, i32) {
    %c0_i32 = arith.constant 0 : i32
    %c0_i32_0 = arith.constant 0 : i32
    return %arg0, %c0_i32 : i32, i32
  }
}

module attributes {stable_mosaic.version = 14 : i64} {
  func.func @_epi_body(%arg0: i32, %arg1: memref<2x1024x128xf32, #tpu.memory_space<vmem>>, %arg2: memref<1024x1xf32, #tpu.memory_space<vmem>>, %arg3: memref<1024x1xf32, #tpu.memory_space<vmem>>, %arg4: memref<1x64xf32, #tpu.memory_space<vmem>>, %arg5: memref<1024x64xf32, #tpu.memory_space<vmem>>) attributes {dimension_semantics = [#tpu.dimension_semantics<arbitrary>], iteration_bounds = array<i64: 10>, scalar_prefetch = 0 : i64, scratch_operands = 0 : i64, tpu.core_type = #tpu.core_type<tc>, window_params = [{transform_indices = @transform_0, window_bounds = array<i64: 2, 1024, 128>}, {transform_indices = @transform_1, window_bounds = array<i64: 1024, 1>}, {transform_indices = @transform_2, window_bounds = array<i64: 1024, 1>}, {pipeline_mode = #tpu.pipeline_mode<synchronous>, transform_indices = @transform_3, window_bounds = array<i64: 1, 64>}, {transform_indices = @transform_4, window_bounds = array<i64: 1024, 64>}]} {
    %get3A = arith.constant 0 : index
    %get3A_0 = arith.constant 0 : index
    %get3A_1 = vector.load %arg2[%get3A, %get3A_0] : memref<1024x1xf32, #tpu.memory_space<vmem>>, vector<1024x1xf32>
    %get3A_2 = arith.constant 0 : index
    %get3A_3 = arith.constant 0 : index
    %get3A_4 = vector.load %arg3[%get3A_2, %get3A_3] : memref<1024x1xf32, #tpu.memory_space<vmem>>, vector<1024x1xf32>
    %add3A = arith.addf %get3A_1, %get3A_4 : vector<1024x1xf32>
    %max3A = arith.constant 1.000000e+00 : f32
    %max3A_5 = vector.broadcast %max3A : f32 to vector<1024x1xf32>
    %max3A_6 = arith.maximumf %add3A, %max3A_5 : vector<1024x1xf32>
    %rsqrt3A = math.rsqrt %max3A_6 : vector<1024x1xf32>
    %get3A_7 = arith.constant 0 : index
    %get3A_8 = arith.constant 0 : index
    %get3A_9 = arith.constant 0 : index
    %get3A_10 = vector.load %arg1[%get3A_7, %get3A_8, %get3A_9] : memref<2x1024x128xf32, #tpu.memory_space<vmem>>, vector<1x1024x64xf32>
    %get3A_11 = vector.shape_cast %get3A_10 : vector<1x1024x64xf32> to vector<1024x64xf32>
    %get3A_12 = arith.constant 1 : index
    %get3A_13 = arith.constant 0 : index
    %get3A_14 = arith.constant 0 : index
    %get3A_15 = vector.load %arg1[%get3A_12, %get3A_13, %get3A_14] : memref<2x1024x128xf32, #tpu.memory_space<vmem>>, vector<1x1024x64xf32>
    %get3A_16 = vector.shape_cast %get3A_15 : vector<1x1024x64xf32> to vector<1024x64xf32>
    %add3A_17 = arith.addf %get3A_11, %get3A_16 : vector<1024x64xf32>
    %mul3A = vector.broadcast %rsqrt3A : vector<1024x1xf32> to vector<1024x64xf32>
    %mul3A_18 = arith.mulf %add3A_17, %mul3A : vector<1024x64xf32>
    %get3A_19 = arith.constant 0 : index
    %get3A_20 = arith.constant 0 : index
    %get3A_21 = vector.load %arg4[%get3A_19, %get3A_20] : memref<1x64xf32, #tpu.memory_space<vmem>>, vector<1x64xf32>
    %add3A_22 = vector.broadcast %get3A_21 : vector<1x64xf32> to vector<1024x64xf32>
    %add3A_23 = arith.addf %mul3A_18, %add3A_22 : vector<1024x64xf32>
    %swap3A = arith.constant 0 : index
    %swap3A_24 = arith.constant 0 : index
    %swap3A_25 = vector.load %arg5[%swap3A, %swap3A_24] : memref<1024x64xf32, #tpu.memory_space<vmem>>, vector<1024x64xf32>
    tpu.vector_store %arg5[%swap3A, %swap3A_24], %add3A_23 {strides = array<i32>} : memref<1024x64xf32, #tpu.memory_space<vmem>>, vector<1024x64xf32>,
    return
  }
  func.func @transform_0(%arg0: i32) -> (i32, i32, i32) {
    %c0_i32 = arith.constant 0 : i32
    %c0_i32_0 = arith.constant 0 : i32
    %c0_i32_1 = arith.constant 0 : i32
    return %c0_i32, %arg0, %c0_i32_0 : i32, i32, i32
  }
  func.func @transform_1(%arg0: i32) -> (i32, i32) {
    %c0_i32 = arith.constant 0 : i32
    %c0_i32_0 = arith.constant 0 : i32
    return %arg0, %c0_i32 : i32, i32
  }
  func.func @transform_2(%arg0: i32) -> (i32, i32) {
    %c0_i32 = arith.constant 0 : i32
    %c0_i32_0 = arith.constant 0 : i32
    return %arg0, %c0_i32 : i32, i32
  }
  func.func @transform_3(%arg0: i32) -> (i32, i32) {
    %c0_i32 = arith.constant 0 : i32
    %c0_i32_0 = arith.constant 0 : i32
    %c0_i32_1 = arith.constant 0 : i32
    return %c0_i32, %c0_i32_0 : i32, i32
  }
  func.func @transform_4(%arg0: i32) -> (i32, i32) {
    %c0_i32 = arith.constant 0 : i32
    %c0_i32_0 = arith.constant 0 : i32
    return %arg0, %c0_i32 : i32, i32
  }
}

</mosaic_0001>

<sc_bundles>
// kernel: kernel.10.cloned.1.call-start
scs
__scs_entry_jumppad:
0x0: {  	(pc) =	sbr.rel $0x88, $3  }
0x1: {  	(tag) =	ssettag $0x0;
	lr =	simm.s32 $0x1  }
0x2: {  	[smem:$0x3F99] =	sst lr;
	_ =	strace $0xD0000000  }
0x3: {  	_ = 	snop  }
0x4: {  	_ = 	snop  }
0x5: {  	_ = 	snop  }
0x6: {  	_ = 	snop  }
0x7: {  	_ = 	snop  }
__scs_overlays_trampoline_lowered:
0x8: {  	[smem:$0x3FA8] =	sst s0  }
0x9: {  	[smem:$0x3FA9] =	sst s1  }
0xa: {  	[smem:$0x3FAA] =	sst s2  }
0xb: {  	[smem:$0x3FAB] =	sst s3  }
0xc: {  	[smem:$0x3FAC] =	sst s4  }
0xd: {  	[smem:$0x3FAD] =	sst s5  }
0xe: {  	[smem:$0x3FAE] =	sst s6  }
0xf: {  	[smem:$0x3FAF] =	sst s7  }
0x10: {  	[smem:$0x3FB0] =	sst s8  }
0x11: {  	[smem:$0x3FB1] =	sst s9;
	s0 =	simm.s32 @!p0 $0x0  }
0x12: {  	s1 =	sld [smem:$0x3F97];
	s0 =	simm.s32 @p0 $0x1  }
0x13: {  	[smem:$0x3FB2] =	sst s0;
	s0 =	simm.s32 @!p1 $0x0  }
0x14: {  	s2 =	sld [smem:$0x3F96];
	s0 =	simm.s32 @p1 $0x1  }
0x15: {  	[smem:$0x3FB3] =	sst s0;
	s0 =	simm.s32 @!p2 $0x0  }
0x16: {  	s3 =	sld [smem:$0x3FDB];
	s0 =	simm.s32 @p2 $0x1  }
0x17: {  	s4 =	simm.s32 $0x1BF5;
	[smem:$0x3FB5] =	sst s0  }
0x18: {  	s0 =	sld [smem:$0x3F98];
	_ =	swait.ge [sflag:s4], $0x0  }
0x19: {  	s7 =	sld [smem:$0x3F99]  }
0x1a: {  	s8 =	sadd.s32 $0xFFFFE003, lr  }
0x1b: {  	s9 =	sadd.s32 $0xFFFFFEF7, lr;
	s5 =	simm.s32 $0xFFFFFFFF;
	p2 =	slt.u32 s8, $0xFFFFF086  }
0x1c: {  	p1 =	slt.u32 s9, $0xF7A;
	s5 =	simm.s32 @!p2 $0x0  }
0x1d: {  	s5 =	simm.s32 @p1 $0x1;
	p0 =	seq.s32 s7, s2  }
0x1e: {  	s7 =	smul.u32 @!p0 $0xF7A, s2;
	p2 =	seq.s32 @!p0 s5, $0x0  }
0x1f: {  	s9 =	smul.u32 $0xF7A, s1;
	s8 =	simm.s32 @!p0 $0x1BF5;
	p2 =	por !p2, p0  }
0x20: {  	[sflag:s8] =	ssyncset.s32 @!p0 $0xFFFFF086;
	s6 =	sadd.s32 @!p0 s3, s7;
	s7 =	simm.s32 @!p0 $0x108  }
0x21: {  	s3 =	sadd.s32 s3, s9;
	s6 =	sadd.s32 @!p0 $0x88, s6;
	s7 =	simm.s32 @p2 $0x1082  }
0x22: {  	[simem:s7], [sflag:s8] =	dma.local @!p0 [hbm:s6], $0xF7A  }
0x23: {  	s9 =	sor.u32 $0xD0000000, s2;
	s6 =	simm.s32 $0x108;
	_ =	swait.ge @!p0 [sflag:s8], $0x0  }
0x24: {  	s3 =	sadd.s32 $0x88, s3;
	s6 =	simm.s32 @!p1 $0x1082;
	[sflag:s4] =	ssyncset.s32 $0xFFFFF086  }
0x25: {  	[simem:s6], [sflag:s4] =	dma.local [hbm:s3], $0xF7A  }
0x26: {  	[smem:$0x3F99] =	sst s1;
	(tag) =	ssettag s2;
	_ =	strace s9  }
0x27: {  	s1 =	sld [smem:$0x3FA9]  }
0x28: {  	s2 =	sld [smem:$0x3FAA]  }
0x29: {  	s4 =	sld [smem:$0x3FAC]  }
0x2a: {  	p0 =	seq.s32 s5, $0x0;
	s5 =	sld [smem:$0x3FAD]  }
0x2b: {  	s6 =	sld [smem:$0x3FAE]  }
0x2c: {  	s7 =	sld [smem:$0x3FAF]  }
0x2d: {  	s3 =	simm.s32 $0x108;
	s8 =	sld [smem:$0x3FB0]  }
0x2e: {  	s3 =	simm.s32 @!p0 $0x1082;
	s9 =	sld [smem:$0x3FB1]  }
0x2f: {  	lr =	sadd.s32 s0, s3;
	s0 =	sld [smem:$0x3FA8]  }
0x30: {  	s3 =	sld [smem:$0x3FAB]  }
0x31: {  	[smem:$0x3FB4] =	sst s10  }
0x32: {  	s10 =	sld [smem:$0x3FB2];
	_ =	sdelay $0x3  }
0x33: {  	p0 =	seq.s32 s10, $0x1;
	s10 =	sld [smem:$0x3FB4];
	_ =	sdelay $0x3  }
0x34: {  	[smem:$0x3FB4] =	sst s10  }
0x35: {  	s10 =	sld [smem:$0x3FB3];
	_ =	sdelay $0x3  }
0x36: {  	p1 =	seq.s32 s10, $0x1;
	s10 =	sld [smem:$0x3FB4];
	_ =	sdelay $0x3  }
0x37: {  	[smem:$0x3FB4] =	sst s10  }
0x38: {  	s10 =	sld [smem:$0x3FB5]  }
0x39: {  	_ = 	snop;
	(pc) =	sbr.ind lr, $3  }
0x3a: {  	_ = 	snop  }
0x3b: {  	_ = 	snop  }
0x3c: {  	p2 =	seq.s32 s10, $0x1;
	s10 =	sld [smem:$0x3FB4]  }
0x3d: {  	_ =	shalt  }
0x3e: {  	_ =	shalt  }
0x3f: {  	_ =	shalt  }
0x40: {  	_ =	shalt  }
0x41: {  	_ =	shalt  }
0x42: {  	_ =	shalt  }
0x43: {  	_ =	shalt  }
0x44: {  	_ =	shalt  }
0x45: {  	_ =	shalt  }
0x46: {  	_ =	shalt  }
0x47: {  	_ =	shalt  }
0x48: {  	_ =	shalt  }
0x49: {  	_ =	shalt  }
0x4a: {  	_ =	shalt  }
0x4b: {  	_ =	shalt  }
0x4c: {  	_ =	shalt  }
0x4d: {  	_ =	shalt  }
0x4e: {  	_ =	shalt  }
0x4f: {  	_ =	shalt  }
0x50: {  	_ =	shalt  }
0x51: {  	_ =	shalt  }
0x52: {  	_ =	shalt  }
0x53: {  	_ =	shalt  }
0x54: {  	_ =	shalt  }
0x55: {  	_ =	shalt  }
0x56: {  	_ =	shalt  }
0x57: {  	_ =	shalt  }
0x58: {  	_ =	shalt  }
0x59: {  	_ =	shalt  }
0x5a: {  	_ =	shalt  }
0x5b: {  	_ =	shalt  }
0x5c: {  	_ =	shalt  }
0x5d: {  	_ =	shalt  }
0x5e: {  	_ =	shalt  }
0x5f: {  	_ =	shalt  }
0x60: {  	_ =	shalt  }
0x61: {  	_ =	shalt  }
0x62: {  	_ =	shalt  }
0x63: {  	_ =	shalt  }
0x64: {  	_ =	shalt  }
0x65: {  	_ =	shalt  }
0x66: {  	_ =	shalt  }
0x67: {  	_ =	shalt  }
0x68: {  	_ =	shalt  }
0x69: {  	_ =	shalt  }
0x6a: {  	_ =	shalt  }
0x6b: {  	_ =	shalt  }
0x6c: {  	_ =	shalt  }
0x6d: {  	_ =	shalt  }
0x6e: {  	_ =	shalt  }
0x6f: {  	_ =	shalt  }
0x70: {  	_ =	shalt  }
0x71: {  	_ =	shalt  }
0x72: {  	_ =	shalt  }
0x73: {  	_ =	shalt  }
0x74: {  	_ =	shalt  }
0x75: {  	_ =	shalt  }
0x76: {  	_ =	shalt  }
0x77: {  	_ =	shalt  }
0x78: {  	_ =	shalt  }
0x79: {  	_ =	shalt  }
0x7a: {  	_ =	shalt  }
0x7b: {  	_ =	shalt  }
0x7c: {  	_ =	shalt  }
0x7d: {  	_ =	shalt  }
0x7e: {  	_ =	shalt  }
0x7f: {  	_ =	shalt  }
0x80: {  	_ =	shalt  }
0x81: {  	_ =	shalt  }
0x82: {  	_ =	shalt  }
0x83: {  	_ =	shalt  }
0x84: {  	_ =	shalt  }
0x85: {  	_ =	shalt  }
0x86: {  	_ =	shalt  }
0x87: {  	_ =	shalt  }
.Lfunc_end0:
.L_simem_size_0:
called_computation_lowered:
.L_overlay_start_0:
0x88: {  	s2 =	sld [smem:$0x3FD9]  }
0x89: {  	s3 =	sld [smem:$0x3FFE];
	_ =	sdelay $0x1  }
0x8a: {  	s1 =	srdreg.scid  }
0x8b: {  	s0 =	sand.u32 $0x1, s1  }
0x8c: {  	s16 =	sshll.u32 s0, $0xA;
	s2 =	sadd.s32 s3, s2  }
0x8d: {  	s2 =	sadd.s32 s2, s16  }
0x8e: {  	[smem:$0x3FC0] =	sst s2  }
0x8f: {  	_ = 	snop  }
0x90: {  	(tm) =	ssettm $0x1  }
0x91: {  	s17 =	sld [smem:$0x3FFB];
	_ =	sdelay $0x3  }
0x92: {  	_ =	strace s17  }
0x93: {  	s2 =	sld [smem:$0x3FFC];
	_ =	sdelay $0x3  }
0x94: {  	_ =	strace s2  }
0x95: {  	s2 =	sld [smem:$0x3FFD];
	_ =	sdelay $0x3  }
0x96: {  	_ =	strace s2  }
0x97: {  	_ =	strace $0x8FFFFFFF  }
0x98: {  	s18 =	sld [smem:$0x3FDB];
	_ =	sdelay $0x1  }
0x99: {  	s19 =	simm.s32 $_scs_section_size  }
0x9a: {  	s4 =	simm.s32 $_size__tile_overlayer_lowered;
	s5 =	simm.s32 $_tile_overlayer_lowered  }
0x9b: {  	s22 =	simm.s32 $0x1BFF;
	s21 =	sshll.u32 s5, $0x1;
	s2 =	sadd.s32 s19, s18  }
0x9c: {  	s6 =	simm.s32 $0x0;
	s20 =	sshll.u32 s4, $0x1;
	s4 =	sadd.s32 s21, s2  }
0x9d: {  	[timem:s6], [sflag:s22] =	dma.local [hbm:s4], s20  }
0x9e: {  	_ =	swait.ge [sflag:s22], s20  }
0x9f: {  	s3 =	ssub.s32 $0x0, s20;
	[sflag:s22] =	ssyncset.done $0x0  }
0xa0: {  	[sflag:s22] =	ssyncadd.s32 s3;
	_ =	sdelay $0x1  }
0xa1: {  	s23 =	simm.s32 $0x1B8B  }
0xa2: {  	_ =	swait.ge [sflag:s23], $0x1  }
0xa3: {  	[sflag:s23] =	ssyncset.done $0x0  }
0xa4: {  	s25 =	simm.s32 $0x1B8E;
	s24 =	sld [smem:$0x3FFE];
	[sflag:s23] =	ssyncadd.s32 $0xFFFFFFFF  }
0xa5: {  	s26 =	simm.s32 $execute0_lowered;
	[smem:$0x3FD2] =	sst s25  }
0xa6: {  	s4 =	sshll.u32 s26, $0x1;
	_ =	strace $0x80000046;
	[dreg:$0x1] =	wrdreg $0xFFFFFFFF  }
0xa7: {  	s28 =	simm.s32 $_size_execute0_lowered;
	s2 =	sadd.s32 s2, s4;
	[dreg:$0x0] =	wrdreg $0x0  }
0xa8: {  	s4 =	sshll.u32 s28, $0x1;
	[dreg:$0x2] =	wrdreg s2  }
0xa9: {  	[dreg:$0x3] =	wrdreg s4  }
0xaa: {  	[dreg:$0x4] =	wrdreg $0xC0  }
0xab: {  	_ =	task [dreg:s6], $0x5FFFF  }
0xac: {  	[dreg:$0x1] =	wrdreg $0xFFFFFFFF  }
0xad: {  	[dreg:$0x0] =	wrdreg $0x60  }
0xae: {  	[dreg:$0x2] =	wrdreg s24  }
0xaf: {  	[dreg:$0x3] =	wrdreg $0x78000  }
0xb0: {  	[dreg:$0x4] =	wrdreg $0x9  }
0xb1: {  	_ =	task.clear_ibuf [dreg:s6], $0x5FFFF;
	_ =	strace $0x90000046  }
0xb2: {  	s29 =	simm.s32 $0x9;
	_ =	strace $0x80000048  }
0xb3: {  	_ =	swait.ge [sflag:s29], $0x1  }
0xb4: {  	[sflag:s29] =	ssyncadd.s32 $0xFFFFFFFF  }
0xb5: {  	_ =	strace $0x90000048  }
0xb6: {  	_ =	sfence  }
0xb7: {  	s30 =	sld [smem:$0x0];
	_ =	sdelay $0x2  }
0xb8: {  	s31 =	sshll.u32 s1, $0xD;
	s1 =	sshrl.u32 s1, $0x2  }
0xb9: {  	s3 =	sand.u32 $0x4000, s31;
	s1 =	sadd.s32 s1, s30  }
0xba: {  	s0 =	sor.u32 s3, s0;
	s1 =	sshll.u32 s1, $0x11  }
0xbb: {  	s0 =	sor.u32 s1, s0  }
0xbc: {  	s0 =	sadd.s32 $0x8F2B, s0  }
0xbd: {  	[sflag:s0] =	ssyncadd.remote.s32 $0x1  }
0xbe: {  	_ =	sfence.sel $0xFFFF  }
0xbf: {  	[dreg:$0x0] =	wrdreg $0xFFFFFFFF;
	(pc) =	sbr.abs _section_cstart, $3  }
0xc0: {  	[dreg:$0x1] =	wrdreg $0xFFFFFFFF  }
0xc1: {  	_ =	task.clear_ibuf [dreg:s6], $0x2FFFF;
	_ =	strace $0x9FFFFFFF  }
0xc2: {  	(tm) =	ssettm $0x7FFFFFFF  }
0xc3: {  	_ =	shalt  }
tec
execute0_lowered:
.L_overlay_start_1:
0x0: {  	(tag) =	ssettag $0x1  }
0x1: {  	s0 =	srdreg.scid;
	s3 =	rddreg [dreg:$0x0]  }
0x2: {  	s7 =	rddreg [dreg:$0x1];
	s1 =	stileid.u32;
	s2 =	simm.s32 $0x0  }
0x3: {  	s13 =	simm.s32 $0x1400;
	s14 =	simm.s32 $0x2800;
	s15 =	simm.s32 $0x5000  }
0x4: {  	s16 =	simm.s32 $0x80;
	s17 =	simm.s32 $0x400;
	s18 =	simm.s32 $0x14000  }
0x5: {  	s19 =	simm.s32 $0xC800;
	s6 =	sand.u32 $0x1, s0;
	s0 =	rddreg [dreg:$0x2]  }
0x6: {  	s20 =	simm.s32 $0x100;
	s21 =	simm.s32 $0xF000;
	[smem:$0x7FF] =	sst s2  }
0x7: {  	s8 =	sshrl.u32 s1, $0x3;
	s10 =	sadd.s32 $0xDC00, s3;
	s29 =	smul.u32 $0x5000, s1  }
0x8: {  	s28 =	sshll.u32 s1, $0x7;
	s12 =	smul.u32 $0x500, s1;
	s4 =	sshll.u32 s6, $0x4  }
0x9: {  	_ =	strace $0x80000047;
	s5 =	ssub.s32 $0x2, s6;
	s8 =	smul.u32 $0x50000, s8  }
0xa: {  	s30 =	sshll.u32 s6, $0x7;
	s4 =	sor.u32 s1, s4;
	s9 =	sshrl.u32 s5, $0x1  }
0xb: {  	s4 =	smul.u32 $0x271, s4;
	s11 =	ssub.s32 s5, s9;
	s8 =	sshrl.u32 s8, $0x2  }
0xc: {  	s5 =	sand.u32 $0x380, s28;
	s9 =	sshrl.u32 s29, $0x2;
	s8 =	sadd.s32 s8, s7  }
0xd: {  	s7 =	sadd.s32 s9, s7;
	s11 =	smax.u32 s11, $0x1;
	s4 =	sadd.s32 s4, s3  }
0xe: {  	s5 =	sadd.s32 s5, s8;
	s8 =	sor.u32 s30, s12;
	s9 =	sadd.s32 $0x28000, s7  }
0xf: {  	s3 =	sadd.s32 $0x8C00, s4;
	s4 =	sadd.s32 $0x3C00, s4;
	s12 =	sadd.s32 $0x5000, s8  }
0x10: {  	s6 =	sadd.s32 $0x28000, s5;
	s31 =	sshrl.u32 s8, $0x3;
	s12 =	sshrl.u32 s12, $0x3  }
0x11: {  	v0 =	vimm.f32 $0.0e+00;
	v1 =	vimm.f32 $1.000000000e+00;
	vm0 =	vcmask $0x3F20;
	s8 =	sadd.s32 s10, s31;
	s10 =	sadd.s32 s10, s12;
	s12 =	simm.s32 $0x1  }
.LBB2_1:
0x12: {  	s22 =	simm.s32 $0x40;
	s23 =	simm.s32 $0x0  }
.LBB2_2:
0x13: {  	p0 =	sne.s32 s22, $0x9FC0;
	[tilespmem:s23+$0x2800] =	vst v0;
	s24 =	smov.u32 s22;
	s22 =	sadd.s32 $0x40, s22  }
.Ltmp0:
0x14: {  	[tilespmem:s23+$0x5000] =	vst v0;
	(pc) =	sbr.rel @p0 .LBB2_2-.Ltmp0, $2  }
0x15: {  	_ =	sdelay $0x2  }
0x16: {  	s23 =	sshra.s32 s24, $0x2  }
0x17: {  	[tilespmem:s23+$0x2800] =	vst v0  }
0x18: {  	[tilespmem:s23+$0x5000] =	vst v0;
	s22 =	simm.s32 $0x0  }
0x19: {  	[tilespmem:s22], [sflag:$0x1] =	stream.linear.gather [hbm4b:s3+s22], $0x1388, $0x38;
	[tilespmem:$0xF280] =	vst v63  }
0x1a: {  	_ =	swait.ge [sflag:s12], $0x1388  }
0x1b: {  	[sflag:s12] =	ssyncset.done $0x0  }
0x1c: {  	[sflag:s12] =	ssyncadd.s32 $0xFFFFEC78  }
0x1d: {  	[tilespmem:s13], [sflag:$0x1] =	stream.linear.gather [hbm4b:s4+s22], $0x1388, $0x38;
	[tilespmem:$0xF280] =	vst v63  }
0x1e: {  	_ =	swait.ge [sflag:s12], $0x1388  }
0x1f: {  	[sflag:s12] =	ssyncset.done $0x0  }
0x20: {  	s23 =	simm.s32 $0x0;
	[sflag:s12] =	ssyncadd.s32 $0xFFFFEC78  }
0x21: {  	s22 =	simm.s32 $0x40;
	v2 =	vld [tilespmem:s23+$0x0]  }
.LBB2_4:
0x22: {  	p0 =	sne.s32 s22, $0x4DC0;
	v3 =	vld [tilespmem:s23+$0x1400];
	_ =	sdelay $0x4  }
.Ltmp1:
0x23: {  	(pc) =	sbr.rel @p0 .LBB2_4-.Ltmp1, $4  }
0x24: {  	_ = 	snop  }
0x25: {  	[tilespmem:v2+s14+$0x0] =	vst.idx.add.f32.msk $0xffff, v1  }
0x26: {  	s23 =	sshra.s32 s22, $0x2;
	[tilespmem:v3+s15+$0x0] =	vst.idx.add.f32.msk $0xffff, v1  }
0x27: {  	s22 =	sadd.s32 $0x40, s22;
	v2 =	vld [tilespmem:s23+$0x0]  }
0x28: {  	_ = 	snop  }
0x29: {  	v3 =	vld [tilespmem:s23+$0x1400];
	_ =	sdelay $0x6  }
0x2a: {  	[tilespmem:v2+s14+$0x0] =	vst.idx.add.f32.msk $0xffff, v1  }
0x2b: {  	[tilespmem:v3+s15+$0x0] =	vst.idx.add.f32.msk $0xffff, v1  }
0x2c: {  	v2 =	vld [tilespmem:$0x1378]  }
0x2d: {  	v3 =	vld [tilespmem:$0x2778];
	_ =	sdelay $0x6  }
0x2e: {  	[tilespmem:v2+s14+$0x0] =	vst.idx.add.f32.msk vm0, v1  }
0x2f: {  	[tilespmem:v3+s15+$0x0] =	vst.idx.add.f32.msk vm0, v1  }
0x30: {  	[spmem:s5] =	stream.strided.scatter [tilespmem:s14], [sflag:$0x1], $0x2800, s17, s16, $0x38;
	[tilespmem:$0xF280] =	vst v63  }
0x31: {  	_ =	swait.ge [sflag:s12], $0x2800  }
0x32: {  	[sflag:s12] =	ssyncset.done $0x0  }
0x33: {  	[sflag:s12] =	ssyncadd.s32 $0xFFFFD800  }
0x34: {  	[spmem:s6] =	stream.strided.scatter [tilespmem:s15], [sflag:$0x1], $0x2800, s17, s16, $0x38;
	[tilespmem:$0xF280] =	vst v63  }
0x35: {  	_ =	swait.ge [sflag:s12], $0x2800  }
0x36: {  	[sflag:s12] =	ssyncset.done $0x0  }
0x37: {  	[sflag:s12] =	ssyncadd.s32 $0xFFFFD800  }
0x38: {  	[bflag:$0x0] =	sbarrier.arrive $0xFFFF  }
0x39: {  	[tilespmem:s19], [sflag:$0x1] =	stream.strided.gather [spmem:s7], $0x2800, s18, s13, $0x38;
	[tilespmem:$0xF280] =	vst v63  }
0x3a: {  	s22 =	simm.s32 $0x0;
	_ =	swait.ge [sflag:s12], $0x2800  }
0x3b: {  	s30 =	sand.u32 $0x70, s22;
	s22 =	sand.u32 $0x1C00, s22;
	[sflag:s12] =	ssyncset.done $0x0  }
0x3c: {  	s22 =	sor.u32 s30, s22;
	[sflag:s12] =	ssyncadd.s32 $0xFFFFD800  }
0x3d: {  	v2 =	vld [tilespmem:s22+$0xC880]  }
0x3e: {  	v3 =	vld [tilespmem:s22+$0xC800];
	_ =	sdelay $0x1  }
0x3f: {  	v4 =	vld [tilespmem:s22+$0xC900];
	_ =	sdelay $0x1  }
0x40: {  	v5 =	vld [tilespmem:s22+$0xC980]  }
0x41: {  	v2 =	vadd.f32 v2, v3  }
0x42: {  	v3 =	vld [tilespmem:s22+$0xCA00]  }
0x43: {  	v2 =	vadd.f32 v4, v2  }
0x44: {  	v56 =	vld [tilespmem:s22+$0xCA80]  }
0x45: {  	v2 =	vadd.f32 v5, v2  }
0x46: {  	v57 =	vld [tilespmem:s22+$0xCB00]  }
0x47: {  	v2 =	vadd.f32 v3, v2  }
0x48: {  	v3 =	vld [tilespmem:s22+$0xCB80]  }
0x49: {  	v2 =	vadd.f32 v56, v2  }
0x4a: {  	v58 =	vld [tilespmem:s22+$0xDC00]  }
0x4b: {  	v2 =	vadd.f32 v57, v2  }
0x4c: {  	v59 =	vld [tilespmem:s22+$0xDC80]  }
0x4d: {  	v2 =	vadd.f32 v3, v2  }
0x4e: {  	v3 =	vld [tilespmem:s22+$0xDD00]  }
0x4f: {  	v2 =	vadd.f32 v58, v2  }
0x50: {  	v60 =	vld [tilespmem:s22+$0xDD80]  }
0x51: {  	v2 =	vadd.f32 v59, v2  }
0x52: {  	v61 =	vld [tilespmem:s22+$0xDE00]  }
0x53: {  	v2 =	vadd.f32 v3, v2  }
0x54: {  	v3 =	vld [tilespmem:s22+$0xDE80]  }
0x55: {  	v2 =	vadd.f32 v60, v2  }
0x56: {  	v62 =	vld [tilespmem:s22+$0xDF00]  }
0x57: {  	v2 =	vadd.f32 v61, v2  }
0x58: {  	v63 =	vld [tilespmem:s22+$0xDF80]  }
0x59: {  	v2 =	vadd.f32 v3, v2;
	_ =	sdelay $0x1  }
0x5a: {  	v2 =	vadd.f32 v62, v2;
	_ =	sdelay $0x1  }
0x5b: {  	s31 =	simm.s32 $0x10;
	s24 =	simm.s32 $0x80;
	v2 =	vadd.f32 v63, v2  }
0x5c: {  	s23 =	sand.u32 $0x70, s31;
	s25 =	sand.u32 $0x1C00, s24;
	s22 =	simm.s32 $0xF000  }
0x5d: {  	s23 =	sor.u32 s23, s25;
	s25 =	simm.s32 $0x20;
	[tilespmem:s22+$0x0] =	vst v2  }
.LBB2_6:
0x5e: {  	p0 =	sne.s32 s25, $0x270;
	v2 =	vld [tilespmem:s23+$0xC880]  }
0x5f: {  	v3 =	vld [tilespmem:s23+$0xC800];
	_ =	sdelay $0x1  }
0x60: {  	v4 =	vld [tilespmem:s23+$0xC900];
	_ =	sdelay $0x1  }
0x61: {  	v5 =	vld [tilespmem:s23+$0xC980]  }
0x62: {  	v2 =	vadd.f32 v2, v3  }
0x63: {  	v3 =	vld [tilespmem:s23+$0xCA00]  }
0x64: {  	v2 =	vadd.f32 v4, v2  }
0x65: {  	v4 =	vld [tilespmem:s23+$0xCA80]  }
0x66: {  	v2 =	vadd.f32 v5, v2  }
0x67: {  	v5 =	vld [tilespmem:s23+$0xCB00]  }
0x68: {  	v2 =	vadd.f32 v3, v2  }
0x69: {  	v3 =	vld [tilespmem:s23+$0xCB80]  }
0x6a: {  	v2 =	vadd.f32 v4, v2  }
0x6b: {  	v4 =	vld [tilespmem:s23+$0xDC00]  }
0x6c: {  	v2 =	vadd.f32 v5, v2  }
0x6d: {  	v5 =	vld [tilespmem:s23+$0xDC80]  }
0x6e: {  	v2 =	vadd.f32 v3, v2  }
0x6f: {  	v3 =	vld [tilespmem:s23+$0xDD00]  }
0x70: {  	v2 =	vadd.f32 v4, v2  }
0x71: {  	v4 =	vld [tilespmem:s23+$0xDD80]  }
0x72: {  	v2 =	vadd.f32 v5, v2  }
0x73: {  	v5 =	vld [tilespmem:s23+$0xDE00]  }
0x74: {  	v2 =	vadd.f32 v3, v2  }
0x75: {  	v3 =	vld [tilespmem:s23+$0xDE80]  }
0x76: {  	v2 =	vadd.f32 v4, v2  }
0x77: {  	v4 =	vld [tilespmem:s23+$0xDF00]  }
0x78: {  	v2 =	vadd.f32 v5, v2  }
0x79: {  	v5 =	vld [tilespmem:s23+$0xDF80]  }
0x7a: {  	v2 =	vadd.f32 v3, v2;
	_ =	sdelay $0x1  }
.Ltmp2:
0x7b: {  	v2 =	vadd.f32 v4, v2;
	(pc) =	sbr.rel @p0 .LBB2_6-.Ltmp2, $4  }
0x7c: {  	_ = 	snop  }
0x7d: {  	s24 =	sadd.s32 $0x80, s24;
	v2 =	vadd.f32 v5, v2  }
0x7e: {  	s22 =	sadd.s32 $0x10, s22;
	s26 =	sand.u32 $0x1C00, s24;
	s23 =	sand.u32 $0x70, s25  }
0x7f: {  	s25 =	sadd.s32 $0x10, s25;
	s23 =	sor.u32 s23, s26;
	[tilespmem:s22+$0x0] =	vst v2  }
0x80: {  	v2 =	vld [tilespmem:s23+$0xC880]  }
0x81: {  	v3 =	vld [tilespmem:s23+$0xC800];
	_ =	sdelay $0x1  }
0x82: {  	v4 =	vld [tilespmem:s23+$0xC900];
	_ =	sdelay $0x1  }
0x83: {  	v5 =	vld [tilespmem:s23+$0xC980]  }
0x84: {  	v2 =	vadd.f32 v2, v3  }
0x85: {  	v3 =	vld [tilespmem:s23+$0xCA00]  }
0x86: {  	v2 =	vadd.f32 v4, v2  }
0x87: {  	v46 =	vld [tilespmem:s23+$0xCA80]  }
0x88: {  	v2 =	vadd.f32 v5, v2  }
0x89: {  	v47 =	vld [tilespmem:s23+$0xCB00]  }
0x8a: {  	v2 =	vadd.f32 v3, v2  }
0x8b: {  	v3 =	vld [tilespmem:s23+$0xCB80]  }
0x8c: {  	v2 =	vadd.f32 v46, v2  }
0x8d: {  	v48 =	vld [tilespmem:s23+$0xDC00]  }
0x8e: {  	v2 =	vadd.f32 v47, v2  }
0x8f: {  	v49 =	vld [tilespmem:s23+$0xDC80]  }
0x90: {  	v2 =	vadd.f32 v3, v2  }
0x91: {  	v3 =	vld [tilespmem:s23+$0xDD00]  }
0x92: {  	v2 =	vadd.f32 v48, v2  }
0x93: {  	v50 =	vld [tilespmem:s23+$0xDD80]  }
0x94: {  	v2 =	vadd.f32 v49, v2  }
0x95: {  	v51 =	vld [tilespmem:s23+$0xDE00]  }
0x96: {  	v2 =	vadd.f32 v3, v2  }
0x97: {  	v3 =	vld [tilespmem:s23+$0xDE80]  }
0x98: {  	v2 =	vadd.f32 v50, v2  }
0x99: {  	v52 =	vld [tilespmem:s23+$0xDF00]  }
0x9a: {  	v2 =	vadd.f32 v51, v2  }
0x9b: {  	v53 =	vld [tilespmem:s23+$0xDF80]  }
0x9c: {  	v2 =	vadd.f32 v3, v2;
	_ =	sdelay $0x1  }
0x9d: {  	v2 =	vadd.f32 v52, v2;
	_ =	sdelay $0x1  }
0x9e: {  	v2 =	vadd.f32 v53, v2  }
0x9f: {  	s22 =	sadd.s32 $0x10, s22  }
0xa0: {  	[tilespmem:s22+$0x0] =	vst v2;
	s22 =	simm.s32 $0xF000  }
0xa1: {  	[hbm4b:s8+s16] =	stream.strided.scatter [tilespmem:s22], [sflag:$0x1], $0x280, s20, s16, $0x38;
	[tilespmem:$0xF280] =	vst v63  }
0xa2: {  	_ =	swait.ge [sflag:s12], $0x280  }
0xa3: {  	[sflag:s12] =	ssyncset.done $0x0  }
0xa4: {  	[sflag:s12] =	ssyncadd.s32 $0xFFFFFD80  }
0xa5: {  	[tilespmem:s19], [sflag:$0x1] =	stream.strided.gather [spmem:s9], $0x2800, s18, s13, $0x38;
	[tilespmem:$0xF280] =	vst v63  }
0xa6: {  	s30 =	simm.s32 $0x0;
	_ =	swait.ge [sflag:s12], $0x2800  }
0xa7: {  	s24 =	sand.u32 $0x70, s30;
	s23 =	sand.u32 $0x1C00, s30;
	[sflag:s12] =	ssyncset.done $0x0  }
0xa8: {  	s23 =	sor.u32 s24, s23;
	[sflag:s12] =	ssyncadd.s32 $0xFFFFD800  }
0xa9: {  	v2 =	vld [tilespmem:s23+$0xC880]  }
0xaa: {  	v3 =	vld [tilespmem:s23+$0xC800];
	_ =	sdelay $0x1  }
0xab: {  	v54 =	vld [tilespmem:s23+$0xC900];
	_ =	sdelay $0x1  }
0xac: {  	v55 =	vld [tilespmem:s23+$0xC980]  }
0xad: {  	v2 =	vadd.f32 v2, v3  }
0xae: {  	v3 =	vld [tilespmem:s23+$0xCA00]  }
0xaf: {  	v2 =	vadd.f32 v54, v2  }
0xb0: {  	v56 =	vld [tilespmem:s23+$0xCA80]  }
0xb1: {  	v2 =	vadd.f32 v55, v2  }
0xb2: {  	v57 =	vld [tilespmem:s23+$0xCB00]  }
0xb3: {  	v2 =	vadd.f32 v3, v2  }
0xb4: {  	v3 =	vld [tilespmem:s23+$0xCB80]  }
0xb5: {  	v2 =	vadd.f32 v56, v2  }
0xb6: {  	v58 =	vld [tilespmem:s23+$0xDC00]  }
0xb7: {  	v2 =	vadd.f32 v57, v2  }
0xb8: {  	v59 =	vld [tilespmem:s23+$0xDC80]  }
0xb9: {  	v2 =	vadd.f32 v3, v2  }
0xba: {  	v3 =	vld [tilespmem:s23+$0xDD00]  }
0xbb: {  	v2 =	vadd.f32 v58, v2  }
0xbc: {  	v60 =	vld [tilespmem:s23+$0xDD80]  }
0xbd: {  	v2 =	vadd.f32 v59, v2  }
0xbe: {  	v61 =	vld [tilespmem:s23+$0xDE00]  }
0xbf: {  	v2 =	vadd.f32 v3, v2  }
0xc0: {  	v3 =	vld [tilespmem:s23+$0xDE80]  }
0xc1: {  	v2 =	vadd.f32 v60, v2  }
0xc2: {  	v62 =	vld [tilespmem:s23+$0xDF00]  }
0xc3: {  	v2 =	vadd.f32 v61, v2  }
0xc4: {  	v63 =	vld [tilespmem:s23+$0xDF80]  }
0xc5: {  	v2 =	vadd.f32 v3, v2;
	_ =	sdelay $0x1  }
0xc6: {  	v2 =	vadd.f32 v62, v2;
	_ =	sdelay $0x1  }
0xc7: {  	s31 =	simm.s32 $0x10;
	s24 =	simm.s32 $0x80;
	v2 =	vadd.f32 v63, v2  }
0xc8: {  	s25 =	sand.u32 $0x1C00, s24;
	s23 =	sand.u32 $0x70, s31  }
0xc9: {  	s23 =	sor.u32 s23, s25;
	s25 =	simm.s32 $0x20;
	[tilespmem:s22+$0x0] =	vst v2  }
.LBB2_8:
0xca: {  	p0 =	sne.s32 s25, $0x270;
	v2 =	vld [tilespmem:s23+$0xC880]  }
0xcb: {  	v3 =	vld [tilespmem:s23+$0xC800];
	_ =	sdelay $0x1  }
0xcc: {  	v4 =	vld [tilespmem:s23+$0xC900];
	_ =	sdelay $0x1  }
0xcd: {  	v5 =	vld [tilespmem:s23+$0xC980]  }
0xce: {  	v2 =	vadd.f32 v2, v3  }
0xcf: {  	v3 =	vld [tilespmem:s23+$0xCA00]  }
0xd0: {  	v2 =	vadd.f32 v4, v2  }
0xd1: {  	v4 =	vld [tilespmem:s23+$0xCA80]  }
0xd2: {  	v2 =	vadd.f32 v5, v2  }
0xd3: {  	v5 =	vld [tilespmem:s23+$0xCB00]  }
0xd4: {  	v2 =	vadd.f32 v3, v2  }
0xd5: {  	v3 =	vld [tilespmem:s23+$0xCB80]  }
0xd6: {  	v2 =	vadd.f32 v4, v2  }
0xd7: {  	v4 =	vld [tilespmem:s23+$0xDC00]  }
0xd8: {  	v2 =	vadd.f32 v5, v2  }
0xd9: {  	v5 =	vld [tilespmem:s23+$0xDC80]  }
0xda: {  	v2 =	vadd.f32 v3, v2  }
0xdb: {  	v3 =	vld [tilespmem:s23+$0xDD00]  }
0xdc: {  	v2 =	vadd.f32 v4, v2  }
0xdd: {  	v4 =	vld [tilespmem:s23+$0xDD80]  }
0xde: {  	v2 =	vadd.f32 v5, v2  }
0xdf: {  	v5 =	vld [tilespmem:s23+$0xDE00]  }
0xe0: {  	v2 =	vadd.f32 v3, v2  }
0xe1: {  	v3 =	vld [tilespmem:s23+$0xDE80]  }
0xe2: {  	v2 =	vadd.f32 v4, v2  }
0xe3: {  	v4 =	vld [tilespmem:s23+$0xDF00]  }
0xe4: {  	v2 =	vadd.f32 v5, v2  }
0xe5: {  	v5 =	vld [tilespmem:s23+$0xDF80]  }
0xe6: {  	v2 =	vadd.f32 v3, v2;
	_ =	sdelay $0x1  }
.Ltmp3:
0xe7: {  	v2 =	vadd.f32 v4, v2;
	(pc) =	sbr.rel @p0 .LBB2_8-.Ltmp3, $4  }
0xe8: {  	_ = 	snop  }
0xe9: {  	s24 =	sadd.s32 $0x80, s24;
	v2 =	vadd.f32 v5, v2  }
0xea: {  	s22 =	sadd.s32 $0x10, s22;
	s26 =	sand.u32 $0x1C00, s24;
	s23 =	sand.u32 $0x70, s25  }
0xeb: {  	s25 =	sadd.s32 $0x10, s25;
	s23 =	sor.u32 s23, s26;
	[tilespmem:s22+$0x0] =	vst v2  }
0xec: {  	v2 =	vld [tilespmem:s23+$0xC880]  }
0xed: {  	v3 =	vld [tilespmem:s23+$0xC800];
	_ =	sdelay $0x1  }
0xee: {  	v4 =	vld [tilespmem:s23+$0xC900];
	_ =	sdelay $0x1  }
0xef: {  	v5 =	vld [tilespmem:s23+$0xC980]  }
0xf0: {  	v2 =	vadd.f32 v2, v3  }
0xf1: {  	v3 =	vld [tilespmem:s23+$0xCA00]  }
0xf2: {  	v2 =	vadd.f32 v4, v2  }
0xf3: {  	v56 =	vld [tilespmem:s23+$0xCA80]  }
0xf4: {  	v2 =	vadd.f32 v5, v2  }
0xf5: {  	v57 =	vld [tilespmem:s23+$0xCB00]  }
0xf6: {  	v2 =	vadd.f32 v3, v2  }
0xf7: {  	v3 =	vld [tilespmem:s23+$0xCB80]  }
0xf8: {  	v2 =	vadd.f32 v56, v2  }
0xf9: {  	v58 =	vld [tilespmem:s23+$0xDC00]  }
0xfa: {  	v2 =	vadd.f32 v57, v2  }
0xfb: {  	v59 =	vld [tilespmem:s23+$0xDC80]  }
0xfc: {  	v2 =	vadd.f32 v3, v2  }
0xfd: {  	v3 =	vld [tilespmem:s23+$0xDD00]  }
0xfe: {  	v2 =	vadd.f32 v58, v2  }
0xff: {  	v60 =	vld [tilespmem:s23+$0xDD80]  }
0x100: {  	v2 =	vadd.f32 v59, v2  }
0x101: {  	v61 =	vld [tilespmem:s23+$0xDE00]  }
0x102: {  	v2 =	vadd.f32 v3, v2  }
0x103: {  	v3 =	vld [tilespmem:s23+$0xDE80]  }
0x104: {  	v2 =	vadd.f32 v60, v2  }
0x105: {  	v62 =	vld [tilespmem:s23+$0xDF00]  }
0x106: {  	v2 =	vadd.f32 v61, v2  }
0x107: {  	v63 =	vld [tilespmem:s23+$0xDF80]  }
0x108: {  	v2 =	vadd.f32 v3, v2;
	_ =	sdelay $0x1  }
0x109: {  	v2 =	vadd.f32 v62, v2;
	_ =	sdelay $0x1  }
0x10a: {  	s2 =	sadd.s32 $0x1, s2;
	v2 =	vadd.f32 v63, v2  }
0x10b: {  	s22 =	sadd.s32 $0x10, s22;
	p0 =	sne.s32 s2, s11  }
.Ltmp4:
0x10c: {  	[tilespmem:s22+$0x0] =	vst v2;
	(pc) =	sbr.rel @p0 .LBB2_1-.Ltmp4, $4  }
0x10d: {  	[hbm4b:s10+s16] =	stream.strided.scatter [tilespmem:s21], [sflag:$0x1], $0x280, s20, s16, $0x38;
	[tilespmem:$0xF280] =	vst v63  }
0x10e: {  	_ =	swait.ge [sflag:s12], $0x280  }
0x10f: {  	[sflag:s12] =	ssyncset.done $0x0  }
0x110: {  	[sflag:s12] =	ssyncadd.s32 $0xFFFFFD80  }
0x111: {  	_ =	sfence.sel $0x180000  }
0x112: {  	[bflag:$0x0] =	sbarrier.arrive $0xFFFF  }
0x113: {  	p0 =	sne.s32 s1, $0x0;
	_ =	strace $0x90000047  }
0x114: {  	s0 =	sadd.s32 @!p0 $0x100000, s0;
	[bflag:$0x2] =	sbarrier.arrive $0xFFFF  }
0x115: {  	[sflag:s0] =	ssyncadd.tile.s32 @!p0 $0x1;
	_ =	shalt  }
.Lfunc_end2:
_tile_overlayer_lowered:
.L_overlay_start_2:
0x116: {  	(tag) =	ssettag $0x2  }
0x117: {  	s0 =	rddreg [dreg:$0x0];
	s2 =	stileid.u32  }
0x118: {  	s1 =	rddreg [dreg:$0x1];
	p0 =	sne.s32 s2, $0x0  }
0x119: {  	s3 =	rddreg [dreg:$0x2];
	[bflag:$0x3] =	sbarrier.arrive $0xFFFF;
	s2 =	simm.s32 @!p0 $0x1C01  }
0x11a: {  	[timem:s3], [sflag:s2] =	dma.local @!p0 [hbm:s0], s1  }
0x11b: {  	s0 =	simm.s32 @!p0 $0x1  }
0x11c: {  	_ =	swait.ge @!p0 [sflag:s0], s1  }
0x11d: {  	s1 =	ssub.s32 @!p0 $0x0, s1;
	[sflag:s0] =	ssyncset.done @!p0 $0x0  }
0x11e: {  	[sflag:s0] =	ssyncadd.s32 @!p0 s1  }
0x11f: {  	[bflag:$0x3] =	sbarrier.arrive $0xFFFF  }
0x120: {  	_ =	shalt  }

// kernel: kernel.13.cloned.1.call-start
scs
__scs_entry_jumppad:
0x0: {  	(pc) =	sbr.rel $0x88, $3  }
0x1: {  	(tag) =	ssettag $0x0;
	lr =	simm.s32 $0x1  }
0x2: {  	[smem:$0x3F99] =	sst lr;
	_ =	strace $0xD0000000  }
0x3: {  	_ = 	snop  }
0x4: {  	_ = 	snop  }
0x5: {  	_ = 	snop  }
0x6: {  	_ = 	snop  }
0x7: {  	_ = 	snop  }
__scs_overlays_trampoline_lowered:
0x8: {  	[smem:$0x3FA8] =	sst s0  }
0x9: {  	[smem:$0x3FA9] =	sst s1  }
0xa: {  	[smem:$0x3FAA] =	sst s2  }
0xb: {  	[smem:$0x3FAB] =	sst s3  }
0xc: {  	[smem:$0x3FAC] =	sst s4  }
0xd: {  	[smem:$0x3FAD] =	sst s5  }
0xe: {  	[smem:$0x3FAE] =	sst s6  }
0xf: {  	[smem:$0x3FAF] =	sst s7  }
0x10: {  	[smem:$0x3FB0] =	sst s8  }
0x11: {  	[smem:$0x3FB1] =	sst s9;
	s0 =	simm.s32 @!p0 $0x0  }
0x12: {  	s1 =	sld [smem:$0x3F97];
	s0 =	simm.s32 @p0 $0x1  }
0x13: {  	[smem:$0x3FB2] =	sst s0;
	s0 =	simm.s32 @!p1 $0x0  }
0x14: {  	s2 =	sld [smem:$0x3F96];
	s0 =	simm.s32 @p1 $0x1  }
0x15: {  	[smem:$0x3FB3] =	sst s0;
	s0 =	simm.s32 @!p2 $0x0  }
0x16: {  	s3 =	sld [smem:$0x3FDB];
	s0 =	simm.s32 @p2 $0x1  }
0x17: {  	s4 =	simm.s32 $0x1BF5;
	[smem:$0x3FB5] =	sst s0  }
0x18: {  	s0 =	sld [smem:$0x3F98];
	_ =	swait.ge [sflag:s4], $0x0  }
0x19: {  	s7 =	sld [smem:$0x3F99]  }
0x1a: {  	s8 =	sadd.s32 $0xFFFFE003, lr  }
0x1b: {  	s9 =	sadd.s32 $0xFFFFFEF7, lr;
	s5 =	simm.s32 $0xFFFFFFFF;
	p2 =	slt.u32 s8, $0xFFFFF086  }
0x1c: {  	p1 =	slt.u32 s9, $0xF7A;
	s5 =	simm.s32 @!p2 $0x0  }
0x1d: {  	s5 =	simm.s32 @p1 $0x1;
	p0 =	seq.s32 s7, s2  }
0x1e: {  	s7 =	smul.u32 @!p0 $0xF7A, s2;
	p2 =	seq.s32 @!p0 s5, $0x0  }
0x1f: {  	s9 =	smul.u32 $0xF7A, s1;
	s8 =	simm.s32 @!p0 $0x1BF5;
	p2 =	por !p2, p0  }
0x20: {  	[sflag:s8] =	ssyncset.s32 @!p0 $0xFFFFF086;
	s6 =	sadd.s32 @!p0 s3, s7;
	s7 =	simm.s32 @!p0 $0x108  }
0x21: {  	s3 =	sadd.s32 s3, s9;
	s6 =	sadd.s32 @!p0 $0x88, s6;
	s7 =	simm.s32 @p2 $0x1082  }
0x22: {  	[simem:s7], [sflag:s8] =	dma.local @!p0 [hbm:s6], $0xF7A  }
0x23: {  	s9 =	sor.u32 $0xD0000000, s2;
	s6 =	simm.s32 $0x108;
	_ =	swait.ge @!p0 [sflag:s8], $0x0  }
0x24: {  	s3 =	sadd.s32 $0x88, s3;
	s6 =	simm.s32 @!p1 $0x1082;
	[sflag:s4] =	ssyncset.s32 $0xFFFFF086  }
0x25: {  	[simem:s6], [sflag:s4] =	dma.local [hbm:s3], $0xF7A  }
0x26: {  	[smem:$0x3F99] =	sst s1;
	(tag) =	ssettag s2;
	_ =	strace s9  }
0x27: {  	s1 =	sld [smem:$0x3FA9]  }
0x28: {  	s2 =	sld [smem:$0x3FAA]  }
0x29: {  	s4 =	sld [smem:$0x3FAC]  }
0x2a: {  	p0 =	seq.s32 s5, $0x0;
	s5 =	sld [smem:$0x3FAD]  }
0x2b: {  	s6 =	sld [smem:$0x3FAE]  }
0x2c: {  	s7 =	sld [smem:$0x3FAF]  }
0x2d: {  	s3 =	simm.s32 $0x108;
	s8 =	sld [smem:$0x3FB0]  }
0x2e: {  	s3 =	simm.s32 @!p0 $0x1082;
	s9 =	sld [smem:$0x3FB1]  }
0x2f: {  	lr =	sadd.s32 s0, s3;
	s0 =	sld [smem:$0x3FA8]  }
0x30: {  	s3 =	sld [smem:$0x3FAB]  }
0x31: {  	[smem:$0x3FB4] =	sst s10  }
0x32: {  	s10 =	sld [smem:$0x3FB2];
	_ =	sdelay $0x3  }
0x33: {  	p0 =	seq.s32 s10, $0x1;
	s10 =	sld [smem:$0x3FB4];
	_ =	sdelay $0x3  }
0x34: {  	[smem:$0x3FB4] =	sst s10  }
0x35: {  	s10 =	sld [smem:$0x3FB3];
	_ =	sdelay $0x3  }
0x36: {  	p1 =	seq.s32 s10, $0x1;
	s10 =	sld [smem:$0x3FB4];
	_ =	sdelay $0x3  }
0x37: {  	[smem:$0x3FB4] =	sst s10  }
0x38: {  	s10 =	sld [smem:$0x3FB5]  }
0x39: {  	_ = 	snop;
	(pc) =	sbr.ind lr, $3  }
0x3a: {  	_ = 	snop  }
0x3b: {  	_ = 	snop  }
0x3c: {  	p2 =	seq.s32 s10, $0x1;
	s10 =	sld [smem:$0x3FB4]  }
0x3d: {  	_ =	shalt  }
0x3e: {  	_ =	shalt  }
0x3f: {  	_ =	shalt  }
0x40: {  	_ =	shalt  }
0x41: {  	_ =	shalt  }
0x42: {  	_ =	shalt  }
0x43: {  	_ =	shalt  }
0x44: {  	_ =	shalt  }
0x45: {  	_ =	shalt  }
0x46: {  	_ =	shalt  }
0x47: {  	_ =	shalt  }
0x48: {  	_ =	shalt  }
0x49: {  	_ =	shalt  }
0x4a: {  	_ =	shalt  }
0x4b: {  	_ =	shalt  }
0x4c: {  	_ =	shalt  }
0x4d: {  	_ =	shalt  }
0x4e: {  	_ =	shalt  }
0x4f: {  	_ =	shalt  }
0x50: {  	_ =	shalt  }
0x51: {  	_ =	shalt  }
0x52: {  	_ =	shalt  }
0x53: {  	_ =	shalt  }
0x54: {  	_ =	shalt  }
0x55: {  	_ =	shalt  }
0x56: {  	_ =	shalt  }
0x57: {  	_ =	shalt  }
0x58: {  	_ =	shalt  }
0x59: {  	_ =	shalt  }
0x5a: {  	_ =	shalt  }
0x5b: {  	_ =	shalt  }
0x5c: {  	_ =	shalt  }
0x5d: {  	_ =	shalt  }
0x5e: {  	_ =	shalt  }
0x5f: {  	_ =	shalt  }
0x60: {  	_ =	shalt  }
0x61: {  	_ =	shalt  }
0x62: {  	_ =	shalt  }
0x63: {  	_ =	shalt  }
0x64: {  	_ =	shalt  }
0x65: {  	_ =	shalt  }
0x66: {  	_ =	shalt  }
0x67: {  	_ =	shalt  }
0x68: {  	_ =	shalt  }
0x69: {  	_ =	shalt  }
0x6a: {  	_ =	shalt  }
0x6b: {  	_ =	shalt  }
0x6c: {  	_ =	shalt  }
0x6d: {  	_ =	shalt  }
0x6e: {  	_ =	shalt  }
0x6f: {  	_ =	shalt  }
0x70: {  	_ =	shalt  }
0x71: {  	_ =	shalt  }
0x72: {  	_ =	shalt  }
0x73: {  	_ =	shalt  }
0x74: {  	_ =	shalt  }
0x75: {  	_ =	shalt  }
0x76: {  	_ =	shalt  }
0x77: {  	_ =	shalt  }
0x78: {  	_ =	shalt  }
0x79: {  	_ =	shalt  }
0x7a: {  	_ =	shalt  }
0x7b: {  	_ =	shalt  }
0x7c: {  	_ =	shalt  }
0x7d: {  	_ =	shalt  }
0x7e: {  	_ =	shalt  }
0x7f: {  	_ =	shalt  }
0x80: {  	_ =	shalt  }
0x81: {  	_ =	shalt  }
0x82: {  	_ =	shalt  }
0x83: {  	_ =	shalt  }
0x84: {  	_ =	shalt  }
0x85: {  	_ =	shalt  }
0x86: {  	_ =	shalt  }
0x87: {  	_ =	shalt  }
.Lfunc_end0:
.L_simem_size_0:
called_computation.1_lowered:
.L_overlay_start_0:
0x88: {  	s2 =	sld [smem:$0x3FD9]  }
0x89: {  	s3 =	sld [smem:$0x3FFE];
	_ =	sdelay $0x1  }
0x8a: {  	s1 =	srdreg.scid  }
0x8b: {  	s0 =	sand.u32 $0x1, s1  }
0x8c: {  	s17 =	sshll.u32 s0, $0xA;
	s2 =	sadd.s32 s3, s2  }
0x8d: {  	s2 =	sadd.s32 s2, s17  }
0x8e: {  	[smem:$0x3FC0] =	sst s2  }
0x8f: {  	_ = 	snop  }
0x90: {  	s2 =	sld [smem:$0x3FD0];
	(tm) =	ssettm $0x1  }
0x91: {  	s18 =	sld [smem:$0x3FFB];
	_ =	sdelay $0x3  }
0x92: {  	_ =	strace s18  }
0x93: {  	s3 =	sld [smem:$0x3FFC];
	_ =	sdelay $0x3  }
0x94: {  	_ =	strace s3  }
0x95: {  	s3 =	sld [smem:$0x3FFD];
	_ =	sdelay $0x3  }
0x96: {  	_ =	strace s3  }
0x97: {  	_ =	strace $0x8FFFFFFF  }
0x98: {  	s19 =	sld [smem:$0x3FDB];
	_ =	sdelay $0x1  }
0x99: {  	s4 =	simm.s32 $_scs_section_size  }
0x9a: {  	s5 =	simm.s32 $_size__tile_overlayer_lowered;
	s6 =	simm.s32 $_tile_overlayer_lowered  }
0x9b: {  	s22 =	simm.s32 $0x1BFF;
	s21 =	sshll.u32 s6, $0x1;
	s3 =	sadd.s32 s4, s19  }
0x9c: {  	s7 =	simm.s32 $0x0;
	s20 =	sshll.u32 s5, $0x1;
	s5 =	sadd.s32 s21, s3  }
0x9d: {  	[timem:s7], [sflag:s22] =	dma.local [hbm:s5], s20  }
0x9e: {  	_ =	swait.ge [sflag:s22], s20  }
0x9f: {  	s4 =	ssub.s32 $0x0, s20;
	[sflag:s22] =	ssyncset.done $0x0  }
0xa0: {  	[sflag:s22] =	ssyncadd.s32 s4;
	_ =	sdelay $0x1  }
0xa1: {  	s23 =	simm.s32 $0x1B8B  }
0xa2: {  	_ =	swait.ge [sflag:s23], $0x1  }
0xa3: {  	[sflag:s23] =	ssyncset.done $0x0  }
0xa4: {  	s25 =	simm.s32 $0x1B8E;
	s24 =	sld [smem:$0x3FFE];
	[sflag:s23] =	ssyncadd.s32 $0xFFFFFFFF  }
0xa5: {  	s26 =	simm.s32 $execute0_lowered;
	[smem:$0x3FD2] =	sst s25  }
0xa6: {  	s5 =	sshll.u32 s26, $0x1;
	_ =	strace $0x80000049;
	[dreg:$0x1] =	wrdreg $0xFFFFFFFF  }
0xa7: {  	s28 =	simm.s32 $_size_execute0_lowered;
	s3 =	sadd.s32 s3, s5;
	[dreg:$0x0] =	wrdreg $0x0  }
0xa8: {  	s5 =	sshll.u32 s28, $0x1;
	[dreg:$0x2] =	wrdreg s3  }
0xa9: {  	[dreg:$0x3] =	wrdreg s5  }
0xaa: {  	[dreg:$0x4] =	wrdreg $0xC0  }
0xab: {  	_ =	task [dreg:s7], $0x5FFFF  }
0xac: {  	[dreg:$0x1] =	wrdreg $0xFFFFFFFF  }
0xad: {  	[dreg:$0x0] =	wrdreg $0x60  }
0xae: {  	[dreg:$0x2] =	wrdreg s24  }
0xaf: {  	[dreg:$0x3] =	wrdreg s2  }
0xb0: {  	[dreg:$0x4] =	wrdreg $0xA9000  }
0xb1: {  	[dreg:$0x5] =	wrdreg $0x9  }
0xb2: {  	_ =	task.clear_ibuf [dreg:s7], $0x6FFFF;
	_ =	strace $0x90000049  }
0xb3: {  	s29 =	simm.s32 $0x9;
	_ =	strace $0x8000004B  }
0xb4: {  	_ =	swait.ge [sflag:s29], $0x1  }
0xb5: {  	[sflag:s29] =	ssyncadd.s32 $0xFFFFFFFF  }
0xb6: {  	_ =	strace $0x9000004B  }
0xb7: {  	_ =	sfence  }
0xb8: {  	s30 =	sld [smem:$0x0];
	_ =	sdelay $0x2  }
0xb9: {  	s31 =	sshll.u32 s1, $0xD;
	s1 =	sshrl.u32 s1, $0x2  }
0xba: {  	s3 =	sand.u32 $0x4000, s31;
	s1 =	sadd.s32 s1, s30  }
0xbb: {  	s0 =	sor.u32 s3, s0;
	s1 =	sshll.u32 s1, $0x11  }
0xbc: {  	s0 =	sor.u32 s1, s0  }
0xbd: {  	s0 =	sadd.s32 $0x8F2B, s0  }
0xbe: {  	[sflag:s0] =	ssyncadd.remote.s32 $0x1  }
0xbf: {  	_ =	sfence.sel $0xFFFF  }
0xc0: {  	[dreg:$0x0] =	wrdreg $0xFFFFFFFF;
	(pc) =	sbr.abs _section_cstart, $3  }
0xc1: {  	[dreg:$0x1] =	wrdreg $0xFFFFFFFF  }
0xc2: {  	_ =	task.clear_ibuf [dreg:s7], $0x2FFFF;
	_ =	strace $0x9FFFFFFF  }
0xc3: {  	(tm) =	ssettm $0x7FFFFFFF  }
tec
execute0_lowered:
.L_overlay_start_1:
0x0: {  	(tag) =	ssettag $0x1  }
0x1: {  	s0 =	rddreg [dreg:$0x0]  }
0x2: {  	s1 =	rddreg [dreg:$0x1]  }
0x3: {  	s2 =	rddreg [dreg:$0x2];
	s3 =	simm.s32 $0x0  }
0x4: {  	s9 =	stileid.u32;
	s4 =	srdreg.scid;
	s15 =	simm.s32 $0x7  }
0x5: {  	s16 =	simm.s32 $0x2900;
	s17 =	simm.s32 $0x2800;
	s19 =	simm.s32 $0x2880  }
0x6: {  	s20 =	simm.s32 $0x5;
	s21 =	simm.s32 $0x7D;
	s22 =	simm.s32 $0x6  }
0x7: {  	s23 =	simm.s32 $0x6900;
	s24 =	simm.s32 $0x1;
	s25 =	simm.s32 $0x3  }
0x8: {  	s28 =	simm.s32 $0x4;
	s31 =	simm.s32 $0x0;
	s5 =	smul.u32 $0x2800, s9  }
0x9: {  	[smem:$0x7FF] =	sst s3;
	s6 =	sand.u32 $0x1, s4;
	s9 =	smul.u32 $0x50000, s9  }
0xa: {  	s4 =	sadd.s32 $0x14000, s0;
	s7 =	smul.u32 $0x28000, s6;
	s6 =	ssub.s32 $0x2, s6  }
0xb: {  	_ =	strace $0x8000004A;
	s8 =	sshrl.u32 s5, $0x3;
	s26 =	sshrl.u32 s6, $0x1  }
0xc: {  	s29 =	sshrl.u32 s9, $0x2;
	s8 =	sadd.s32 s8, s0;
	s7 =	sadd.s32 s5, s7  }
0xd: {  	s10 =	ssub.s32 s6, s26;
	s6 =	sadd.s32 s29, s2;
	s26 =	simm.s32 $0x2  }
0xe: {  	s0 =	sadd.s32 s7, s0;
	s5 =	sadd.s32 $0xF000, s8;
	s30 =	sshrl.u32 s7, $0x3  }
0xf: {  	s7 =	sadd.s32 $0x13880, s6;
	s10 =	smax.u32 s10, $0x1;
	s11 =	sadd.s32 $0x3E80, s6  }
0x10: {  	s12 =	sadd.s32 $0x7D00, s6;
	s13 =	sadd.s32 $0xBB80, s6;
	s8 =	sadd.s32 s1, s30  }
0x11: {  	v0 =	vimm.f32 $0.0e+00;
	s14 =	sadd.s32 $0xFA00, s6;
	s9 =	sadd.s32 $0xB4000, s0;
	s18 =	sadd.s32 $0x10, s8  }
.LBB2_1:
0x12: {  	[tilespmem:s3], [sflag:$0x7] =	stream.linear.gather [hbm4b:s5+s3], $0x2800, $0x38;
	[tilespmem:$0x1E900] =	vst v63  }
0x13: {  	_ =	swait.ge [sflag:s15], $0x2800  }
0x14: {  	[sflag:s15] =	ssyncset.done $0x0  }
0x15: {  	s0 =	simm.s32 $0x70;
	s1 =	simm.s32 $0x3C0;
	[sflag:s15] =	ssyncadd.s32 $0xFFFFD800  }
.LBB2_2:
0x16: {  	p0 =	sne.s32 s1, $0xF9C0;
	[tilespmem:s0+$0x2900] =	vst v0  }
0x17: {  	[tilespmem:s0+$0x2890] =	vst v0  }
0x18: {  	[tilespmem:s0+$0x28A0] =	vst v0  }
.Ltmp0:
0x19: {  	[tilespmem:s0+$0x28B0] =	vst v0;
	(pc) =	sbr.rel @p0 .LBB2_2-.Ltmp0, $4  }
0x1a: {  	[tilespmem:s0+$0x28C0] =	vst v0  }
0x1b: {  	[tilespmem:s0+$0x28D0] =	vst v0  }
0x1c: {  	[tilespmem:s0+$0x28E0] =	vst v0  }
0x1d: {  	[tilespmem:s0+$0x28F0] =	vst v0;
	s0 =	sshra.s32 s1, $0x2;
	s1 =	sadd.s32 $0x200, s1  }
0x1e: {  	[tilespmem:s0+$0x2900] =	vst v0  }
0x1f: {  	[tilespmem:s0+$0x2890] =	vst v0  }
0x20: {  	[tilespmem:s0+$0x28A0] =	vst v0  }
0x21: {  	[tilespmem:s0+$0x28B0] =	vst v0  }
0x22: {  	[tilespmem:s0+$0x28C0] =	vst v0  }
0x23: {  	[tilespmem:s0+$0x28D0] =	vst v0  }
0x24: {  	[tilespmem:s0+$0x28E0] =	vst v0  }
0x25: {  	[tilespmem:s0+$0x28F0] =	vst v0  }
0x26: {  	[spmem:s6] =	stream.linear.scatter [tilespmem:s16], [sflag:$0x7], $0x3E80, $0x38;
	[tilespmem:$0x1E900] =	vst v63  }
0x27: {  	_ =	swait.ge [sflag:s15], $0x3E80  }
0x28: {  	[sflag:s15] =	ssyncset.done $0x0  }
0x29: {  	[sflag:s15] =	ssyncadd.s32 $0xFFFFC180  }
0x2a: {  	[spmem:s11] =	stream.linear.scatter [tilespmem:s16], [sflag:$0x7], $0x3E80, $0x38;
	[tilespmem:$0x1E900] =	vst v63  }
0x2b: {  	_ =	swait.ge [sflag:s15], $0x3E80  }
0x2c: {  	[sflag:s15] =	ssyncset.done $0x0  }
0x2d: {  	[sflag:s15] =	ssyncadd.s32 $0xFFFFC180  }
0x2e: {  	[spmem:s12] =	stream.linear.scatter [tilespmem:s16], [sflag:$0x7], $0x3E80, $0x38;
	[tilespmem:$0x1E900] =	vst v63  }
0x2f: {  	_ =	swait.ge [sflag:s15], $0x3E80  }
0x30: {  	[sflag:s15] =	ssyncset.done $0x0  }
0x31: {  	[sflag:s15] =	ssyncadd.s32 $0xFFFFC180  }
0x32: {  	[spmem:s13] =	stream.linear.scatter [tilespmem:s16], [sflag:$0x7], $0x3E80, $0x38;
	[tilespmem:$0x1E900] =	vst v63  }
0x33: {  	_ =	swait.ge [sflag:s15], $0x3E80  }
0x34: {  	[sflag:s15] =	ssyncset.done $0x0  }
0x35: {  	[sflag:s15] =	ssyncadd.s32 $0xFFFFC180  }
0x36: {  	[spmem:s14] =	stream.linear.scatter [tilespmem:s16], [sflag:$0x7], $0x3E80, $0x38;
	[tilespmem:$0x1E900] =	vst v63  }
0x37: {  	_ =	swait.ge [sflag:s15], $0x3E80  }
0x38: {  	[sflag:s15] =	ssyncset.done $0x0  }
0x39: {  	[sflag:s15] =	ssyncadd.s32 $0xFFFFC180  }
0x3a: {  	[spmem:s7] =	stream.linear.scatter [tilespmem:s16], [sflag:$0x7], $0x780, $0x38;
	[tilespmem:$0x1E900] =	vst v63  }
0x3b: {  	_ =	swait.ge [sflag:s15], $0x780  }
0x3c: {  	[sflag:s15] =	ssyncset.done $0x0  }
0x3d: {  	[sflag:s15] =	ssyncadd.s32 $0xFFFFF880  }
0x3e: {  	s29 =	simm.s32 $0x0;
	[bflag:$0x0] =	sbarrier.arrive $0xFFFF  }
0x3f: {  	[tilespmem:s17], [sflag:$0x5] =	stream.linear.gather [hbm4b:s8+s29], $0x80, $0x38;
	[tilespmem:$0x1E900] =	vst v63  }
0x40: {  	_ = 	snop  }
0x41: {  	[tilespmem:s19], [sflag:$0x6] =	stream.linear.gather [hbm4b:s18+s29], $0x80, $0x38;
	[tilespmem:$0x1E900] =	vst v63  }
0x42: {  	_ =	swait.ge [sflag:s20], $0x80  }
0x43: {  	[sflag:s20] =	ssyncset.done $0x0  }
0x44: {  	[sflag:s20] =	ssyncadd.s32 $0xFFFFFF80  }
0x45: {  	[tilespmem:s16], [sflag:$0x1] =	stream.indirect.gather [hbm4b:s4+s21], $0x80, s17, s21, $0xb8;
	[tilespmem:$0x1E900] =	vst v63  }
0x46: {  	_ =	swait.ge [sflag:s22], $0x80  }
0x47: {  	[sflag:s22] =	ssyncset.done $0x0  }
0x48: {  	[sflag:s22] =	ssyncadd.s32 $0xFFFFFF80  }
0x49: {  	[tilespmem:s23], [sflag:$0x2] =	stream.indirect.gather [hbm4b:s4+s21], $0x80, s19, s21, $0xb8;
	[tilespmem:$0x1E900] =	vst v63  }
0x4a: {  	_ =	swait.ge [sflag:s24], $0x3E80  }
0x4b: {  	[sflag:s24] =	ssyncset.done $0x0  }
0x4c: {  	s1 =	sadd.s32 $0x20, s8;
	[sflag:s24] =	ssyncadd.s32 $0xFFFFC180  }
0x4d: {  	[tilespmem:s17], [sflag:$0x5] =	stream.linear.gather [hbm4b:s1+s3], $0x80, $0x38;
	[tilespmem:$0x1E900] =	vst v63  }
0x4e: {  	s30 =	simm.s32 $0x0  }
0x4f: {  	[spmem:s2] =	stream.indirect.scatter.add.f32 [tilespmem:s16], [sflag:$0x3], $0x80, s30, s21, $0xb8;
	[tilespmem:$0x1E900] =	vst v63  }
0x50: {  	_ =	swait.ge [sflag:s25], $0x3E80  }
0x51: {  	[sflag:s25] =	ssyncset.done $0x0  }
0x52: {  	[sflag:s25] =	ssyncadd.s32 $0xFFFFC180  }
0x53: {  	_ =	swait.ge [sflag:s20], $0x80  }
0x54: {  	[sflag:s20] =	ssyncset.done $0x0  }
0x55: {  	[sflag:s20] =	ssyncadd.s32 $0xFFFFFF80  }
0x56: {  	[tilespmem:s16], [sflag:$0x1] =	stream.indirect.gather [hbm4b:s4+s21], $0x80, s17, s21, $0xb8;
	[tilespmem:$0x1E900] =	vst v63  }
0x57: {  	_ =	swait.ge [sflag:s26], $0x3E80  }
0x58: {  	[sflag:s26] =	ssyncset.done $0x0  }
0x59: {  	s29 =	sadd.s32 $0x10, s1;
	[sflag:s26] =	ssyncadd.s32 $0xFFFFC180  }
0x5a: {  	[tilespmem:s19], [sflag:$0x6] =	stream.linear.gather [hbm4b:s29+s3], $0x80, $0x38;
	[tilespmem:$0x1E900] =	vst v63  }
0x5b: {  	s30 =	simm.s32 $0x80  }
0x5c: {  	[spmem:s2] =	stream.indirect.scatter.add.f32 [tilespmem:s23], [sflag:$0x4], $0x80, s30, s21, $0xb8;
	[tilespmem:$0x1E900] =	vst v63  }
0x5d: {  	_ =	swait.ge [sflag:s28], $0x3E80  }
0x5e: {  	[sflag:s28] =	ssyncset.done $0x0  }
0x5f: {  	[sflag:s28] =	ssyncadd.s32 $0xFFFFC180  }
0x60: {  	_ =	swait.ge [sflag:s22], $0x80  }
0x61: {  	[sflag:s22] =	ssyncset.done $0x0  }
0x62: {  	s0 =	simm.s32 $0x400;
	s1 =	sadd.s32 $0x20, s1;
	[sflag:s22] =	ssyncadd.s32 $0xFFFFFF80  }
.LBB2_4:
0x63: {  	[tilespmem:s23], [sflag:$0x2] =	stream.indirect.gather [hbm4b:s4+s21], $0x80, s19, s21, $0xb8;
	[tilespmem:$0x1E900] =	vst v63  }
0x64: {  	s29 =	smov.u32 s0  }
0x65: {  	p0 =	sne.s32 s0, $0x9800;
	s0 =	sadd.s32 $0x400, s0;
	_ =	swait.ge [sflag:s24], $0x3E80  }
0x66: {  	[sflag:s24] =	ssyncset.done $0x0  }
0x67: {  	[sflag:s24] =	ssyncadd.s32 $0xFFFFC180  }
0x68: {  	[tilespmem:s17], [sflag:$0x5] =	stream.linear.gather [hbm4b:s1+s3], $0x80, $0x38;
	[tilespmem:$0x1E900] =	vst v63  }
0x69: {  	s29 =	sshra.s32 s29, $0x2  }
0x6a: {  	[spmem:s2] =	stream.indirect.scatter.add.f32 [tilespmem:s16], [sflag:$0x3], $0x80, s29, s21, $0xb8;
	[tilespmem:$0x1E900] =	vst v63  }
0x6b: {  	_ =	swait.ge [sflag:s25], $0x3E80  }
0x6c: {  	[sflag:s25] =	ssyncset.done $0x0  }
0x6d: {  	[sflag:s25] =	ssyncadd.s32 $0xFFFFC180  }
0x6e: {  	_ =	swait.ge [sflag:s20], $0x80  }
0x6f: {  	[sflag:s20] =	ssyncset.done $0x0  }
0x70: {  	[sflag:s20] =	ssyncadd.s32 $0xFFFFFF80  }
0x71: {  	[tilespmem:s16], [sflag:$0x1] =	stream.indirect.gather [hbm4b:s4+s21], $0x80, s17, s21, $0xb8;
	[tilespmem:$0x1E900] =	vst v63  }
0x72: {  	_ =	swait.ge [sflag:s26], $0x3E80  }
0x73: {  	[sflag:s26] =	ssyncset.done $0x0  }
0x74: {  	s30 =	sadd.s32 $0x10, s1;
	[sflag:s26] =	ssyncadd.s32 $0xFFFFC180  }
0x75: {  	[tilespmem:s19], [sflag:$0x6] =	stream.linear.gather [hbm4b:s30+s3], $0x80, $0x38;
	[tilespmem:$0x1E900] =	vst v63  }
0x76: {  	s29 =	sadd.s32 $0x80, s29  }
0x77: {  	[spmem:s2] =	stream.indirect.scatter.add.f32 [tilespmem:s23], [sflag:$0x4], $0x80, s29, s21, $0xb8;
	[tilespmem:$0x1E900] =	vst v63  }
0x78: {  	_ =	swait.ge [sflag:s28], $0x3E80  }
.Ltmp1:
0x79: {  	[sflag:s28] =	ssyncset.done $0x0;
	(pc) =	sbr.rel @p0 .LBB2_4-.Ltmp1, $4  }
0x7a: {  	[sflag:s28] =	ssyncadd.s32 $0xFFFFC180  }
0x7b: {  	_ =	swait.ge [sflag:s22], $0x80  }
0x7c: {  	[sflag:s22] =	ssyncset.done $0x0  }
0x7d: {  	s1 =	sadd.s32 $0x20, s1;
	[sflag:s22] =	ssyncadd.s32 $0xFFFFFF80  }
0x7e: {  	[tilespmem:s23], [sflag:$0x2] =	stream.indirect.gather [hbm4b:s4+s21], $0x80, s19, s21, $0xb8;
	[tilespmem:$0x1E900] =	vst v63  }
0x7f: {  	_ =	swait.ge [sflag:s24], $0x3E80  }
0x80: {  	[sflag:s24] =	ssyncset.done $0x0  }
0x81: {  	s0 =	simm.s32 $0x2700;
	[sflag:s24] =	ssyncadd.s32 $0xFFFFC180  }
0x82: {  	[spmem:s2] =	stream.indirect.scatter.add.f32 [tilespmem:s16], [sflag:$0x3], $0x80, s0, s21, $0xb8;
	[tilespmem:$0x1E900] =	vst v63  }
0x83: {  	_ =	swait.ge [sflag:s25], $0x3E80  }
0x84: {  	[sflag:s25] =	ssyncset.done $0x0  }
0x85: {  	[sflag:s25] =	ssyncadd.s32 $0xFFFFC180  }
0x86: {  	_ =	swait.ge [sflag:s26], $0x3E80  }
0x87: {  	[sflag:s26] =	ssyncset.done $0x0  }
0x88: {  	s29 =	simm.s32 $0x2780;
	[sflag:s26] =	ssyncadd.s32 $0xFFFFC180  }
0x89: {  	[spmem:s2] =	stream.indirect.scatter.add.f32 [tilespmem:s23], [sflag:$0x4], $0x80, s29, s21, $0xb8;
	[tilespmem:$0x1E900] =	vst v63  }
0x8a: {  	s30 =	stileid.u32;
	_ =	swait.ge [sflag:s28], $0x3E80  }
0x8b: {  	s1 =	sshrl.u32 s6, $0x3;
	s31 =	sadd.s32 $0x1, s31;
	[sflag:s28] =	ssyncset.done $0x0  }
0x8c: {  	p0 =	sne.s32 s31, s10;
	s0 =	sshll.u32 s30, $0x6;
	[sflag:s28] =	ssyncadd.s32 $0xFFFFC180  }
.Ltmp2:
0x8d: {  	s0 =	sor.u32 $0x1C07, s0;
	[bflag:$0x0] =	sbarrier.arrive $0xFFFF;
	(pc) =	sbr.rel @p0 .LBB2_1-.Ltmp2, $4  }
0x8e: {  	[hbm:s9], [sflag:s0] =	dma.local [spmem:s1], $0x2800  }
0x8f: {  	_ =	swait.ge [sflag:s15], $0x2800  }
0x90: {  	[sflag:s15] =	ssyncset.done $0x0  }
0x91: {  	[sflag:s15] =	ssyncadd.s32 $0xFFFFD800  }
0x92: {  	_ =	sfence.sel $0x180000  }
0x93: {  	[bflag:$0x0] =	sbarrier.arrive $0xFFFF  }
0x94: {  	_ =	strace $0x9000004A  }
0x95: {  	s0 =	stileid.u32;
	[bflag:$0x2] =	sbarrier.arrive $0xFFFF  }
0x96: {  	p0 =	sne.s32 s0, $0x0;
	s0 =	rddreg [dreg:$0x3]  }
0x97: {  	s0 =	sadd.s32 @!p0 $0x100000, s0  }
0x98: {  	[sflag:s0] =	ssyncadd.tile.s32 @!p0 $0x1;
	_ =	shalt  }
.Lfunc_end2:
_tile_overlayer_lowered:
.L_overlay_start_2:
0x99: {  	(tag) =	ssettag $0x2  }
0x9a: {  	s0 =	rddreg [dreg:$0x0];
	s2 =	stileid.u32  }
0x9b: {  	s1 =	rddreg [dreg:$0x1];
	p0 =	sne.s32 s2, $0x0  }
0x9c: {  	s3 =	rddreg [dreg:$0x2];
	[bflag:$0x3] =	sbarrier.arrive $0xFFFF;
	s2 =	simm.s32 @!p0 $0x1C07  }
0x9d: {  	[timem:s3], [sflag:s2] =	dma.local @!p0 [hbm:s0], s1  }
0x9e: {  	s0 =	simm.s32 @!p0 $0x7  }
0x9f: {  	_ =	swait.ge @!p0 [sflag:s0], s1  }
0xa0: {  	s1 =	ssub.s32 @!p0 $0x0, s1;
	[sflag:s0] =	ssyncset.done @!p0 $0x0  }
0xa1: {  	[sflag:s0] =	ssyncadd.s32 @!p0 s1  }
0xa2: {  	[bflag:$0x3] =	sbarrier.arrive $0xFFFF  }
0xa3: {  	_ =	shalt  }

// kernel: kernel.16.cloned.1.call-start
scs
__scs_entry_jumppad:
0x0: {  	(pc) =	sbr.rel $0x88, $3  }
0x1: {  	(tag) =	ssettag $0x0;
	lr =	simm.s32 $0x1  }
0x2: {  	[smem:$0x3F99] =	sst lr;
	_ =	strace $0xD0000000  }
0x3: {  	_ = 	snop  }
0x4: {  	_ = 	snop  }
0x5: {  	_ = 	snop  }
0x6: {  	_ = 	snop  }
0x7: {  	_ = 	snop  }
__scs_overlays_trampoline_lowered:
0x8: {  	[smem:$0x3FA8] =	sst s0  }
0x9: {  	[smem:$0x3FA9] =	sst s1  }
0xa: {  	[smem:$0x3FAA] =	sst s2  }
0xb: {  	[smem:$0x3FAB] =	sst s3  }
0xc: {  	[smem:$0x3FAC] =	sst s4  }
0xd: {  	[smem:$0x3FAD] =	sst s5  }
0xe: {  	[smem:$0x3FAE] =	sst s6  }
0xf: {  	[smem:$0x3FAF] =	sst s7  }
0x10: {  	[smem:$0x3FB0] =	sst s8  }
0x11: {  	[smem:$0x3FB1] =	sst s9;
	s0 =	simm.s32 @!p0 $0x0  }
0x12: {  	s1 =	sld [smem:$0x3F97];
	s0 =	simm.s32 @p0 $0x1  }
0x13: {  	[smem:$0x3FB2] =	sst s0;
	s0 =	simm.s32 @!p1 $0x0  }
0x14: {  	s2 =	sld [smem:$0x3F96];
	s0 =	simm.s32 @p1 $0x1  }
0x15: {  	[smem:$0x3FB3] =	sst s0;
	s0 =	simm.s32 @!p2 $0x0  }
0x16: {  	s3 =	sld [smem:$0x3FDB];
	s0 =	simm.s32 @p2 $0x1  }
0x17: {  	s4 =	simm.s32 $0x1BF5;
	[smem:$0x3FB5] =	sst s0  }
0x18: {  	s0 =	sld [smem:$0x3F98];
	_ =	swait.ge [sflag:s4], $0x0  }
0x19: {  	s7 =	sld [smem:$0x3F99]  }
0x1a: {  	s8 =	sadd.s32 $0xFFFFE003, lr  }
0x1b: {  	s9 =	sadd.s32 $0xFFFFFEF7, lr;
	s5 =	simm.s32 $0xFFFFFFFF;
	p2 =	slt.u32 s8, $0xFFFFF086  }
0x1c: {  	p1 =	slt.u32 s9, $0xF7A;
	s5 =	simm.s32 @!p2 $0x0  }
0x1d: {  	s5 =	simm.s32 @p1 $0x1;
	p0 =	seq.s32 s7, s2  }
0x1e: {  	s7 =	smul.u32 @!p0 $0xF7A, s2;
	p2 =	seq.s32 @!p0 s5, $0x0  }
0x1f: {  	s9 =	smul.u32 $0xF7A, s1;
	s8 =	simm.s32 @!p0 $0x1BF5;
	p2 =	por !p2, p0  }
0x20: {  	[sflag:s8] =	ssyncset.s32 @!p0 $0xFFFFF086;
	s6 =	sadd.s32 @!p0 s3, s7;
	s7 =	simm.s32 @!p0 $0x108  }
0x21: {  	s3 =	sadd.s32 s3, s9;
	s6 =	sadd.s32 @!p0 $0x88, s6;
	s7 =	simm.s32 @p2 $0x1082  }
0x22: {  	[simem:s7], [sflag:s8] =	dma.local @!p0 [hbm:s6], $0xF7A  }
0x23: {  	s9 =	sor.u32 $0xD0000000, s2;
	s6 =	simm.s32 $0x108;
	_ =	swait.ge @!p0 [sflag:s8], $0x0  }
0x24: {  	s3 =	sadd.s32 $0x88, s3;
	s6 =	simm.s32 @!p1 $0x1082;
	[sflag:s4] =	ssyncset.s32 $0xFFFFF086  }
0x25: {  	[simem:s6], [sflag:s4] =	dma.local [hbm:s3], $0xF7A  }
0x26: {  	[smem:$0x3F99] =	sst s1;
	(tag) =	ssettag s2;
	_ =	strace s9  }
0x27: {  	s1 =	sld [smem:$0x3FA9]  }
0x28: {  	s2 =	sld [smem:$0x3FAA]  }
0x29: {  	s4 =	sld [smem:$0x3FAC]  }
0x2a: {  	p0 =	seq.s32 s5, $0x0;
	s5 =	sld [smem:$0x3FAD]  }
0x2b: {  	s6 =	sld [smem:$0x3FAE]  }
0x2c: {  	s7 =	sld [smem:$0x3FAF]  }
0x2d: {  	s3 =	simm.s32 $0x108;
	s8 =	sld [smem:$0x3FB0]  }
0x2e: {  	s3 =	simm.s32 @!p0 $0x1082;
	s9 =	sld [smem:$0x3FB1]  }
0x2f: {  	lr =	sadd.s32 s0, s3;
	s0 =	sld [smem:$0x3FA8]  }
0x30: {  	s3 =	sld [smem:$0x3FAB]  }
0x31: {  	[smem:$0x3FB4] =	sst s10  }
0x32: {  	s10 =	sld [smem:$0x3FB2];
	_ =	sdelay $0x3  }
0x33: {  	p0 =	seq.s32 s10, $0x1;
	s10 =	sld [smem:$0x3FB4];
	_ =	sdelay $0x3  }
0x34: {  	[smem:$0x3FB4] =	sst s10  }
0x35: {  	s10 =	sld [smem:$0x3FB3];
	_ =	sdelay $0x3  }
0x36: {  	p1 =	seq.s32 s10, $0x1;
	s10 =	sld [smem:$0x3FB4];
	_ =	sdelay $0x3  }
0x37: {  	[smem:$0x3FB4] =	sst s10  }
0x38: {  	s10 =	sld [smem:$0x3FB5]  }
0x39: {  	_ = 	snop;
	(pc) =	sbr.ind lr, $3  }
0x3a: {  	_ = 	snop  }
0x3b: {  	_ = 	snop  }
0x3c: {  	p2 =	seq.s32 s10, $0x1;
	s10 =	sld [smem:$0x3FB4]  }
0x3d: {  	_ =	shalt  }
0x3e: {  	_ =	shalt  }
0x3f: {  	_ =	shalt  }
0x40: {  	_ =	shalt  }
0x41: {  	_ =	shalt  }
0x42: {  	_ =	shalt  }
0x43: {  	_ =	shalt  }
0x44: {  	_ =	shalt  }
0x45: {  	_ =	shalt  }
0x46: {  	_ =	shalt  }
0x47: {  	_ =	shalt  }
0x48: {  	_ =	shalt  }
0x49: {  	_ =	shalt  }
0x4a: {  	_ =	shalt  }
0x4b: {  	_ =	shalt  }
0x4c: {  	_ =	shalt  }
0x4d: {  	_ =	shalt  }
0x4e: {  	_ =	shalt  }
0x4f: {  	_ =	shalt  }
0x50: {  	_ =	shalt  }
0x51: {  	_ =	shalt  }
0x52: {  	_ =	shalt  }
0x53: {  	_ =	shalt  }
0x54: {  	_ =	shalt  }
0x55: {  	_ =	shalt  }
0x56: {  	_ =	shalt  }
0x57: {  	_ =	shalt  }
0x58: {  	_ =	shalt  }
0x59: {  	_ =	shalt  }
0x5a: {  	_ =	shalt  }
0x5b: {  	_ =	shalt  }
0x5c: {  	_ =	shalt  }
0x5d: {  	_ =	shalt  }
0x5e: {  	_ =	shalt  }
0x5f: {  	_ =	shalt  }
0x60: {  	_ =	shalt  }
0x61: {  	_ =	shalt  }
0x62: {  	_ =	shalt  }
0x63: {  	_ =	shalt  }
0x64: {  	_ =	shalt  }
0x65: {  	_ =	shalt  }
0x66: {  	_ =	shalt  }
0x67: {  	_ =	shalt  }
0x68: {  	_ =	shalt  }
0x69: {  	_ =	shalt  }
0x6a: {  	_ =	shalt  }
0x6b: {  	_ =	shalt  }
0x6c: {  	_ =	shalt  }
0x6d: {  	_ =	shalt  }
0x6e: {  	_ =	shalt  }
0x6f: {  	_ =	shalt  }
0x70: {  	_ =	shalt  }
0x71: {  	_ =	shalt  }
0x72: {  	_ =	shalt  }
0x73: {  	_ =	shalt  }
0x74: {  	_ =	shalt  }
0x75: {  	_ =	shalt  }
0x76: {  	_ =	shalt  }
0x77: {  	_ =	shalt  }
0x78: {  	_ =	shalt  }
0x79: {  	_ =	shalt  }
0x7a: {  	_ =	shalt  }
0x7b: {  	_ =	shalt  }
0x7c: {  	_ =	shalt  }
0x7d: {  	_ =	shalt  }
0x7e: {  	_ =	shalt  }
0x7f: {  	_ =	shalt  }
0x80: {  	_ =	shalt  }
0x81: {  	_ =	shalt  }
0x82: {  	_ =	shalt  }
0x83: {  	_ =	shalt  }
0x84: {  	_ =	shalt  }
0x85: {  	_ =	shalt  }
0x86: {  	_ =	shalt  }
0x87: {  	_ =	shalt  }
.Lfunc_end0:
.L_simem_size_0:
called_computation.2_lowered:
.L_overlay_start_0:
0x88: {  	s2 =	sld [smem:$0x3FD9]  }
0x89: {  	s3 =	sld [smem:$0x3FFE];
	_ =	sdelay $0x1  }
0x8a: {  	s1 =	srdreg.scid  }
0x8b: {  	s0 =	sand.u32 $0x1, s1  }
0x8c: {  	s17 =	sshll.u32 s0, $0xA;
	s2 =	sadd.s32 s3, s2  }
0x8d: {  	s2 =	sadd.s32 s2, s17  }
0x8e: {  	[smem:$0x3FC0] =	sst s2  }
0x8f: {  	_ = 	snop  }
0x90: {  	s2 =	sld [smem:$0x3FD0];
	(tm) =	ssettm $0x1  }
0x91: {  	s18 =	sld [smem:$0x3FFB];
	_ =	sdelay $0x3  }
0x92: {  	_ =	strace s18  }
0x93: {  	s3 =	sld [smem:$0x3FFC];
	_ =	sdelay $0x3  }
0x94: {  	_ =	strace s3  }
0x95: {  	s3 =	sld [smem:$0x3FFD];
	_ =	sdelay $0x3  }
0x96: {  	_ =	strace s3  }
0x97: {  	_ =	strace $0x8FFFFFFF  }
0x98: {  	s19 =	sld [smem:$0x3FDB];
	_ =	sdelay $0x1  }
0x99: {  	s4 =	simm.s32 $_scs_section_size  }
0x9a: {  	s5 =	simm.s32 $_size__tile_overlayer_lowered;
	s6 =	simm.s32 $_tile_overlayer_lowered  }
0x9b: {  	s22 =	simm.s32 $0x1BFF;
	s21 =	sshll.u32 s6, $0x1;
	s3 =	sadd.s32 s4, s19  }
0x9c: {  	s7 =	simm.s32 $0x0;
	s20 =	sshll.u32 s5, $0x1;
	s5 =	sadd.s32 s21, s3  }
0x9d: {  	[timem:s7], [sflag:s22] =	dma.local [hbm:s5], s20  }
0x9e: {  	_ =	swait.ge [sflag:s22], s20  }
0x9f: {  	s4 =	ssub.s32 $0x0, s20;
	[sflag:s22] =	ssyncset.done $0x0  }
0xa0: {  	[sflag:s22] =	ssyncadd.s32 s4;
	_ =	sdelay $0x1  }
0xa1: {  	s23 =	simm.s32 $0x1B8B  }
0xa2: {  	_ =	swait.ge [sflag:s23], $0x1  }
0xa3: {  	[sflag:s23] =	ssyncset.done $0x0  }
0xa4: {  	s25 =	simm.s32 $0x1B8E;
	s24 =	sld [smem:$0x3FFE];
	[sflag:s23] =	ssyncadd.s32 $0xFFFFFFFF  }
0xa5: {  	s26 =	simm.s32 $execute0_lowered;
	[smem:$0x3FD2] =	sst s25  }
0xa6: {  	s5 =	sshll.u32 s26, $0x1;
	_ =	strace $0x8000004C;
	[dreg:$0x1] =	wrdreg $0xFFFFFFFF  }
0xa7: {  	s28 =	simm.s32 $_size_execute0_lowered;
	s3 =	sadd.s32 s3, s5;
	[dreg:$0x0] =	wrdreg $0x0  }
0xa8: {  	s5 =	sshll.u32 s28, $0x1;
	[dreg:$0x2] =	wrdreg s3  }
0xa9: {  	[dreg:$0x3] =	wrdreg s5  }
0xaa: {  	[dreg:$0x4] =	wrdreg $0xC0  }
0xab: {  	_ =	task [dreg:s7], $0x5FFFF  }
0xac: {  	[dreg:$0x1] =	wrdreg $0xFFFFFFFF  }
0xad: {  	[dreg:$0x0] =	wrdreg $0x60  }
0xae: {  	[dreg:$0x2] =	wrdreg s24  }
0xaf: {  	[dreg:$0x3] =	wrdreg s2  }
0xb0: {  	[dreg:$0x4] =	wrdreg $0xA9000  }
0xb1: {  	[dreg:$0x5] =	wrdreg $0x9  }
0xb2: {  	_ =	task.clear_ibuf [dreg:s7], $0x6FFFF;
	_ =	strace $0x9000004C  }
0xb3: {  	s29 =	simm.s32 $0x9;
	_ =	strace $0x8000004E  }
0xb4: {  	_ =	swait.ge [sflag:s29], $0x1  }
0xb5: {  	[sflag:s29] =	ssyncadd.s32 $0xFFFFFFFF  }
0xb6: {  	_ =	strace $0x9000004E  }
0xb7: {  	_ =	sfence  }
0xb8: {  	s30 =	sld [smem:$0x0];
	_ =	sdelay $0x2  }
0xb9: {  	s31 =	sshll.u32 s1, $0xD;
	s1 =	sshrl.u32 s1, $0x2  }
0xba: {  	s3 =	sand.u32 $0x4000, s31;
	s1 =	sadd.s32 s1, s30  }
0xbb: {  	s0 =	sor.u32 s3, s0;
	s1 =	sshll.u32 s1, $0x11  }
0xbc: {  	s0 =	sor.u32 s1, s0  }
0xbd: {  	s0 =	sadd.s32 $0x8F2B, s0  }
0xbe: {  	[sflag:s0] =	ssyncadd.remote.s32 $0x1  }
0xbf: {  	_ =	sfence.sel $0xFFFF  }
0xc0: {  	[dreg:$0x0] =	wrdreg $0xFFFFFFFF;
	(pc) =	sbr.abs _section_cstart, $3  }
0xc1: {  	[dreg:$0x1] =	wrdreg $0xFFFFFFFF  }
0xc2: {  	_ =	task.clear_ibuf [dreg:s7], $0x2FFFF;
	_ =	strace $0x9FFFFFFF  }
0xc3: {  	(tm) =	ssettm $0x7FFFFFFF  }
tec
execute0_lowered:
.L_overlay_start_1:
0x0: {  	(tag) =	ssettag $0x1  }
0x1: {  	s0 =	rddreg [dreg:$0x0]  }
0x2: {  	s1 =	rddreg [dreg:$0x1]  }
0x3: {  	s2 =	rddreg [dreg:$0x2];
	s3 =	simm.s32 $0x0  }
0x4: {  	s9 =	stileid.u32;
	s4 =	srdreg.scid;
	s15 =	simm.s32 $0x7  }
0x5: {  	s16 =	simm.s32 $0x2900;
	s17 =	simm.s32 $0x2800;
	s19 =	simm.s32 $0x2880  }
0x6: {  	s20 =	simm.s32 $0x5;
	s21 =	simm.s32 $0x7D;
	s22 =	simm.s32 $0x6  }
0x7: {  	s23 =	simm.s32 $0x6900;
	s24 =	simm.s32 $0x1;
	s25 =	simm.s32 $0x3  }
0x8: {  	s28 =	simm.s32 $0x4;
	s31 =	simm.s32 $0x0;
	s5 =	smul.u32 $0x2800, s9  }
0x9: {  	[smem:$0x7FF] =	sst s3;
	s6 =	sand.u32 $0x1, s4;
	s9 =	smul.u32 $0x50000, s9  }
0xa: {  	s4 =	sadd.s32 $0x14000, s0;
	s7 =	smul.u32 $0x28000, s6;
	s6 =	ssub.s32 $0x2, s6  }
0xb: {  	_ =	strace $0x8000004D;
	s8 =	sshrl.u32 s5, $0x3;
	s26 =	sshrl.u32 s6, $0x1  }
0xc: {  	s29 =	sshrl.u32 s9, $0x2;
	s8 =	sadd.s32 s8, s0;
	s7 =	sadd.s32 s5, s7  }
0xd: {  	s10 =	ssub.s32 s6, s26;
	s6 =	sadd.s32 s29, s2;
	s26 =	simm.s32 $0x2  }
0xe: {  	s0 =	sadd.s32 s7, s0;
	s5 =	sadd.s32 $0xF000, s8;
	s30 =	sshrl.u32 s7, $0x3  }
0xf: {  	s7 =	sadd.s32 $0x13880, s6;
	s10 =	smax.u32 s10, $0x1;
	s11 =	sadd.s32 $0x3E80, s6  }
0x10: {  	s12 =	sadd.s32 $0x7D00, s6;
	s13 =	sadd.s32 $0xBB80, s6;
	s8 =	sadd.s32 s1, s30  }
0x11: {  	v0 =	vimm.f32 $0.0e+00;
	s14 =	sadd.s32 $0xFA00, s6;
	s9 =	sadd.s32 $0xB4000, s0;
	s18 =	sadd.s32 $0x10, s8  }
.LBB2_1:
0x12: {  	[tilespmem:s3], [sflag:$0x7] =	stream.linear.gather [hbm4b:s5+s3], $0x2800, $0x38;
	[tilespmem:$0x1E900] =	vst v63  }
0x13: {  	_ =	swait.ge [sflag:s15], $0x2800  }
0x14: {  	[sflag:s15] =	ssyncset.done $0x0  }
0x15: {  	s0 =	simm.s32 $0x70;
	s1 =	simm.s32 $0x3C0;
	[sflag:s15] =	ssyncadd.s32 $0xFFFFD800  }
.LBB2_2:
0x16: {  	p0 =	sne.s32 s1, $0xF9C0;
	[tilespmem:s0+$0x2900] =	vst v0  }
0x17: {  	[tilespmem:s0+$0x2890] =	vst v0  }
0x18: {  	[tilespmem:s0+$0x28A0] =	vst v0  }
.Ltmp0:
0x19: {  	[tilespmem:s0+$0x28B0] =	vst v0;
	(pc) =	sbr.rel @p0 .LBB2_2-.Ltmp0, $4  }
0x1a: {  	[tilespmem:s0+$0x28C0] =	vst v0  }
0x1b: {  	[tilespmem:s0+$0x28D0] =	vst v0  }
0x1c: {  	[tilespmem:s0+$0x28E0] =	vst v0  }
0x1d: {  	[tilespmem:s0+$0x28F0] =	vst v0;
	s0 =	sshra.s32 s1, $0x2;
	s1 =	sadd.s32 $0x200, s1  }
0x1e: {  	[tilespmem:s0+$0x2900] =	vst v0  }
0x1f: {  	[tilespmem:s0+$0x2890] =	vst v0  }
0x20: {  	[tilespmem:s0+$0x28A0] =	vst v0  }
0x21: {  	[tilespmem:s0+$0x28B0] =	vst v0  }
0x22: {  	[tilespmem:s0+$0x28C0] =	vst v0  }
0x23: {  	[tilespmem:s0+$0x28D0] =	vst v0  }
0x24: {  	[tilespmem:s0+$0x28E0] =	vst v0  }
0x25: {  	[tilespmem:s0+$0x28F0] =	vst v0  }
0x26: {  	[spmem:s6] =	stream.linear.scatter [tilespmem:s16], [sflag:$0x7], $0x3E80, $0x38;
	[tilespmem:$0x1E900] =	vst v63  }
0x27: {  	_ =	swait.ge [sflag:s15], $0x3E80  }
0x28: {  	[sflag:s15] =	ssyncset.done $0x0  }
0x29: {  	[sflag:s15] =	ssyncadd.s32 $0xFFFFC180  }
0x2a: {  	[spmem:s11] =	stream.linear.scatter [tilespmem:s16], [sflag:$0x7], $0x3E80, $0x38;
	[tilespmem:$0x1E900] =	vst v63  }
0x2b: {  	_ =	swait.ge [sflag:s15], $0x3E80  }
0x2c: {  	[sflag:s15] =	ssyncset.done $0x0  }
0x2d: {  	[sflag:s15] =	ssyncadd.s32 $0xFFFFC180  }
0x2e: {  	[spmem:s12] =	stream.linear.scatter [tilespmem:s16], [sflag:$0x7], $0x3E80, $0x38;
	[tilespmem:$0x1E900] =	vst v63  }
0x2f: {  	_ =	swait.ge [sflag:s15], $0x3E80  }
0x30: {  	[sflag:s15] =	ssyncset.done $0x0  }
0x31: {  	[sflag:s15] =	ssyncadd.s32 $0xFFFFC180  }
0x32: {  	[spmem:s13] =	stream.linear.scatter [tilespmem:s16], [sflag:$0x7], $0x3E80, $0x38;
	[tilespmem:$0x1E900] =	vst v63  }
0x33: {  	_ =	swait.ge [sflag:s15], $0x3E80  }
0x34: {  	[sflag:s15] =	ssyncset.done $0x0  }
0x35: {  	[sflag:s15] =	ssyncadd.s32 $0xFFFFC180  }
0x36: {  	[spmem:s14] =	stream.linear.scatter [tilespmem:s16], [sflag:$0x7], $0x3E80, $0x38;
	[tilespmem:$0x1E900] =	vst v63  }
0x37: {  	_ =	swait.ge [sflag:s15], $0x3E80  }
0x38: {  	[sflag:s15] =	ssyncset.done $0x0  }
0x39: {  	[sflag:s15] =	ssyncadd.s32 $0xFFFFC180  }
0x3a: {  	[spmem:s7] =	stream.linear.scatter [tilespmem:s16], [sflag:$0x7], $0x780, $0x38;
	[tilespmem:$0x1E900] =	vst v63  }
0x3b: {  	_ =	swait.ge [sflag:s15], $0x780  }
0x3c: {  	[sflag:s15] =	ssyncset.done $0x0  }
0x3d: {  	[sflag:s15] =	ssyncadd.s32 $0xFFFFF880  }
0x3e: {  	s29 =	simm.s32 $0x0;
	[bflag:$0x0] =	sbarrier.arrive $0xFFFF  }
0x3f: {  	[tilespmem:s17], [sflag:$0x5] =	stream.linear.gather [hbm4b:s8+s29], $0x80, $0x38;
	[tilespmem:$0x1E900] =	vst v63  }
0x40: {  	_ = 	snop  }
0x41: {  	[tilespmem:s19], [sflag:$0x6] =	stream.linear.gather [hbm4b:s18+s29], $0x80, $0x38;
	[tilespmem:$0x1E900] =	vst v63  }
0x42: {  	_ =	swait.ge [sflag:s20], $0x80  }
0x43: {  	[sflag:s20] =	ssyncset.done $0x0  }
0x44: {  	[sflag:s20] =	ssyncadd.s32 $0xFFFFFF80  }
0x45: {  	[tilespmem:s16], [sflag:$0x1] =	stream.indirect.gather [hbm4b:s4+s21], $0x80, s17, s21, $0xb8;
	[tilespmem:$0x1E900] =	vst v63  }
0x46: {  	_ =	swait.ge [sflag:s22], $0x80  }
0x47: {  	[sflag:s22] =	ssyncset.done $0x0  }
0x48: {  	[sflag:s22] =	ssyncadd.s32 $0xFFFFFF80  }
0x49: {  	[tilespmem:s23], [sflag:$0x2] =	stream.indirect.gather [hbm4b:s4+s21], $0x80, s19, s21, $0xb8;
	[tilespmem:$0x1E900] =	vst v63  }
0x4a: {  	_ =	swait.ge [sflag:s24], $0x3E80  }
0x4b: {  	[sflag:s24] =	ssyncset.done $0x0  }
0x4c: {  	s1 =	sadd.s32 $0x20, s8;
	[sflag:s24] =	ssyncadd.s32 $0xFFFFC180  }
0x4d: {  	[tilespmem:s17], [sflag:$0x5] =	stream.linear.gather [hbm4b:s1+s3], $0x80, $0x38;
	[tilespmem:$0x1E900] =	vst v63  }
0x4e: {  	s30 =	simm.s32 $0x0  }
0x4f: {  	[spmem:s2] =	stream.indirect.scatter.add.f32 [tilespmem:s16], [sflag:$0x3], $0x80, s30, s21, $0xb8;
	[tilespmem:$0x1E900] =	vst v63  }
0x50: {  	_ =	swait.ge [sflag:s25], $0x3E80  }
0x51: {  	[sflag:s25] =	ssyncset.done $0x0  }
0x52: {  	[sflag:s25] =	ssyncadd.s32 $0xFFFFC180  }
0x53: {  	_ =	swait.ge [sflag:s20], $0x80  }
0x54: {  	[sflag:s20] =	ssyncset.done $0x0  }
0x55: {  	[sflag:s20] =	ssyncadd.s32 $0xFFFFFF80  }
0x56: {  	[tilespmem:s16], [sflag:$0x1] =	stream.indirect.gather [hbm4b:s4+s21], $0x80, s17, s21, $0xb8;
	[tilespmem:$0x1E900] =	vst v63  }
0x57: {  	_ =	swait.ge [sflag:s26], $0x3E80  }
0x58: {  	[sflag:s26] =	ssyncset.done $0x0  }
0x59: {  	s29 =	sadd.s32 $0x10, s1;
	[sflag:s26] =	ssyncadd.s32 $0xFFFFC180  }
0x5a: {  	[tilespmem:s19], [sflag:$0x6] =	stream.linear.gather [hbm4b:s29+s3], $0x80, $0x38;
	[tilespmem:$0x1E900] =	vst v63  }
0x5b: {  	s30 =	simm.s32 $0x80  }
0x5c: {  	[spmem:s2] =	stream.indirect.scatter.add.f32 [tilespmem:s23], [sflag:$0x4], $0x80, s30, s21, $0xb8;
	[tilespmem:$0x1E900] =	vst v63  }
0x5d: {  	_ =	swait.ge [sflag:s28], $0x3E80  }
0x5e: {  	[sflag:s28] =	ssyncset.done $0x0  }
0x5f: {  	[sflag:s28] =	ssyncadd.s32 $0xFFFFC180  }
0x60: {  	_ =	swait.ge [sflag:s22], $0x80  }
0x61: {  	[sflag:s22] =	ssyncset.done $0x0  }
0x62: {  	s0 =	simm.s32 $0x400;
	s1 =	sadd.s32 $0x20, s1;
	[sflag:s22] =	ssyncadd.s32 $0xFFFFFF80  }
.LBB2_4:
0x63: {  	[tilespmem:s23], [sflag:$0x2] =	stream.indirect.gather [hbm4b:s4+s21], $0x80, s19, s21, $0xb8;
	[tilespmem:$0x1E900] =	vst v63  }
0x64: {  	s29 =	smov.u32 s0  }
0x65: {  	p0 =	sne.s32 s0, $0x9800;
	s0 =	sadd.s32 $0x400, s0;
	_ =	swait.ge [sflag:s24], $0x3E80  }
0x66: {  	[sflag:s24] =	ssyncset.done $0x0  }
0x67: {  	[sflag:s24] =	ssyncadd.s32 $0xFFFFC180  }
0x68: {  	[tilespmem:s17], [sflag:$0x5] =	stream.linear.gather [hbm4b:s1+s3], $0x80, $0x38;
	[tilespmem:$0x1E900] =	vst v63  }
0x69: {  	s29 =	sshra.s32 s29, $0x2  }
0x6a: {  	[spmem:s2] =	stream.indirect.scatter.add.f32 [tilespmem:s16], [sflag:$0x3], $0x80, s29, s21, $0xb8;
	[tilespmem:$0x1E900] =	vst v63  }
0x6b: {  	_ =	swait.ge [sflag:s25], $0x3E80  }
0x6c: {  	[sflag:s25] =	ssyncset.done $0x0  }
0x6d: {  	[sflag:s25] =	ssyncadd.s32 $0xFFFFC180  }
0x6e: {  	_ =	swait.ge [sflag:s20], $0x80  }
0x6f: {  	[sflag:s20] =	ssyncset.done $0x0  }
0x70: {  	[sflag:s20] =	ssyncadd.s32 $0xFFFFFF80  }
0x71: {  	[tilespmem:s16], [sflag:$0x1] =	stream.indirect.gather [hbm4b:s4+s21], $0x80, s17, s21, $0xb8;
	[tilespmem:$0x1E900] =	vst v63  }
0x72: {  	_ =	swait.ge [sflag:s26], $0x3E80  }
0x73: {  	[sflag:s26] =	ssyncset.done $0x0  }
0x74: {  	s30 =	sadd.s32 $0x10, s1;
	[sflag:s26] =	ssyncadd.s32 $0xFFFFC180  }
0x75: {  	[tilespmem:s19], [sflag:$0x6] =	stream.linear.gather [hbm4b:s30+s3], $0x80, $0x38;
	[tilespmem:$0x1E900] =	vst v63  }
0x76: {  	s29 =	sadd.s32 $0x80, s29  }
0x77: {  	[spmem:s2] =	stream.indirect.scatter.add.f32 [tilespmem:s23], [sflag:$0x4], $0x80, s29, s21, $0xb8;
	[tilespmem:$0x1E900] =	vst v63  }
0x78: {  	_ =	swait.ge [sflag:s28], $0x3E80  }
.Ltmp1:
0x79: {  	[sflag:s28] =	ssyncset.done $0x0;
	(pc) =	sbr.rel @p0 .LBB2_4-.Ltmp1, $4  }
0x7a: {  	[sflag:s28] =	ssyncadd.s32 $0xFFFFC180  }
0x7b: {  	_ =	swait.ge [sflag:s22], $0x80  }
0x7c: {  	[sflag:s22] =	ssyncset.done $0x0  }
0x7d: {  	s1 =	sadd.s32 $0x20, s1;
	[sflag:s22] =	ssyncadd.s32 $0xFFFFFF80  }
0x7e: {  	[tilespmem:s23], [sflag:$0x2] =	stream.indirect.gather [hbm4b:s4+s21], $0x80, s19, s21, $0xb8;
	[tilespmem:$0x1E900] =	vst v63  }
0x7f: {  	_ =	swait.ge [sflag:s24], $0x3E80  }
0x80: {  	[sflag:s24] =	ssyncset.done $0x0  }
0x81: {  	s0 =	simm.s32 $0x2700;
	[sflag:s24] =	ssyncadd.s32 $0xFFFFC180  }
0x82: {  	[spmem:s2] =	stream.indirect.scatter.add.f32 [tilespmem:s16], [sflag:$0x3], $0x80, s0, s21, $0xb8;
	[tilespmem:$0x1E900] =	vst v63  }
0x83: {  	_ =	swait.ge [sflag:s25], $0x3E80  }
0x84: {  	[sflag:s25] =	ssyncset.done $0x0  }
0x85: {  	[sflag:s25] =	ssyncadd.s32 $0xFFFFC180  }
0x86: {  	_ =	swait.ge [sflag:s26], $0x3E80  }
0x87: {  	[sflag:s26] =	ssyncset.done $0x0  }
0x88: {  	s29 =	simm.s32 $0x2780;
	[sflag:s26] =	ssyncadd.s32 $0xFFFFC180  }
0x89: {  	[spmem:s2] =	stream.indirect.scatter.add.f32 [tilespmem:s23], [sflag:$0x4], $0x80, s29, s21, $0xb8;
	[tilespmem:$0x1E900] =	vst v63  }
0x8a: {  	s30 =	stileid.u32;
	_ =	swait.ge [sflag:s28], $0x3E80  }
0x8b: {  	s1 =	sshrl.u32 s6, $0x3;
	s31 =	sadd.s32 $0x1, s31;
	[sflag:s28] =	ssyncset.done $0x0  }
0x8c: {  	p0 =	sne.s32 s31, s10;
	s0 =	sshll.u32 s30, $0x6;
	[sflag:s28] =	ssyncadd.s32 $0xFFFFC180  }
.Ltmp2:
0x8d: {  	s0 =	sor.u32 $0x1C07, s0;
	[bflag:$0x0] =	sbarrier.arrive $0xFFFF;
	(pc) =	sbr.rel @p0 .LBB2_1-.Ltmp2, $4  }
0x8e: {  	[hbm:s9], [sflag:s0] =	dma.local [spmem:s1], $0x2800  }
0x8f: {  	_ =	swait.ge [sflag:s15], $0x2800  }
0x90: {  	[sflag:s15] =	ssyncset.done $0x0  }
0x91: {  	[sflag:s15] =	ssyncadd.s32 $0xFFFFD800  }
0x92: {  	_ =	sfence.sel $0x180000  }
0x93: {  	[bflag:$0x0] =	sbarrier.arrive $0xFFFF  }
0x94: {  	_ =	strace $0x9000004D  }
0x95: {  	s0 =	stileid.u32;
	[bflag:$0x2] =	sbarrier.arrive $0xFFFF  }
0x96: {  	p0 =	sne.s32 s0, $0x0;
	s0 =	rddreg [dreg:$0x3]  }
0x97: {  	s0 =	sadd.s32 @!p0 $0x100000, s0  }
0x98: {  	[sflag:s0] =	ssyncadd.tile.s32 @!p0 $0x1;
	_ =	shalt  }
.Lfunc_end2:
_tile_overlayer_lowered:
.L_overlay_start_2:
0x99: {  	(tag) =	ssettag $0x2  }
0x9a: {  	s0 =	rddreg [dreg:$0x0];
	s2 =	stileid.u32  }
0x9b: {  	s1 =	rddreg [dreg:$0x1];
	p0 =	sne.s32 s2, $0x0  }
0x9c: {  	s3 =	rddreg [dreg:$0x2];
	[bflag:$0x3] =	sbarrier.arrive $0xFFFF;
	s2 =	simm.s32 @!p0 $0x1C07  }
0x9d: {  	[timem:s3], [sflag:s2] =	dma.local @!p0 [hbm:s0], s1  }
0x9e: {  	s0 =	simm.s32 @!p0 $0x7  }
0x9f: {  	_ =	swait.ge @!p0 [sflag:s0], s1  }
0xa0: {  	s1 =	ssub.s32 @!p0 $0x0, s1;
	[sflag:s0] =	ssyncset.done @!p0 $0x0  }
0xa1: {  	[sflag:s0] =	ssyncadd.s32 @!p0 s1  }
0xa2: {  	[bflag:$0x3] =	sbarrier.arrive $0xFFFF  }
0xa3: {  	_ =	shalt  }

// kernel: kernel.19.cloned.1.call-start
scs
__scs_entry_jumppad:
0x0: {  	(pc) =	sbr.rel $0x88, $3  }
0x1: {  	(tag) =	ssettag $0x0;
	lr =	simm.s32 $0x1  }
0x2: {  	[smem:$0x3F99] =	sst lr;
	_ =	strace $0xD0000000  }
0x3: {  	_ = 	snop  }
0x4: {  	_ = 	snop  }
0x5: {  	_ = 	snop  }
0x6: {  	_ = 	snop  }
0x7: {  	_ = 	snop  }
__scs_overlays_trampoline_lowered:
0x8: {  	[smem:$0x3FA8] =	sst s0  }
0x9: {  	[smem:$0x3FA9] =	sst s1  }
0xa: {  	[smem:$0x3FAA] =	sst s2  }
0xb: {  	[smem:$0x3FAB] =	sst s3  }
0xc: {  	[smem:$0x3FAC] =	sst s4  }
0xd: {  	[smem:$0x3FAD] =	sst s5  }
0xe: {  	[smem:$0x3FAE] =	sst s6  }
0xf: {  	[smem:$0x3FAF] =	sst s7  }
0x10: {  	[smem:$0x3FB0] =	sst s8  }
0x11: {  	[smem:$0x3FB1] =	sst s9;
	s0 =	simm.s32 @!p0 $0x0  }
0x12: {  	s1 =	sld [smem:$0x3F97];
	s0 =	simm.s32 @p0 $0x1  }
0x13: {  	[smem:$0x3FB2] =	sst s0;
	s0 =	simm.s32 @!p1 $0x0  }
0x14: {  	s2 =	sld [smem:$0x3F96];
	s0 =	simm.s32 @p1 $0x1  }
0x15: {  	[smem:$0x3FB3] =	sst s0;
	s0 =	simm.s32 @!p2 $0x0  }
0x16: {  	s3 =	sld [smem:$0x3FDB];
	s0 =	simm.s32 @p2 $0x1  }
0x17: {  	s4 =	simm.s32 $0x1BF5;
	[smem:$0x3FB5] =	sst s0  }
0x18: {  	s0 =	sld [smem:$0x3F98];
	_ =	swait.ge [sflag:s4], $0x0  }
0x19: {  	s7 =	sld [smem:$0x3F99]  }
0x1a: {  	s8 =	sadd.s32 $0xFFFFE003, lr  }
0x1b: {  	s9 =	sadd.s32 $0xFFFFFEF7, lr;
	s5 =	simm.s32 $0xFFFFFFFF;
	p2 =	slt.u32 s8, $0xFFFFF086  }
0x1c: {  	p1 =	slt.u32 s9, $0xF7A;
	s5 =	simm.s32 @!p2 $0x0  }
0x1d: {  	s5 =	simm.s32 @p1 $0x1;
	p0 =	seq.s32 s7, s2  }
0x1e: {  	s7 =	smul.u32 @!p0 $0xF7A, s2;
	p2 =	seq.s32 @!p0 s5, $0x0  }
0x1f: {  	s9 =	smul.u32 $0xF7A, s1;
	s8 =	simm.s32 @!p0 $0x1BF5;
	p2 =	por !p2, p0  }
0x20: {  	[sflag:s8] =	ssyncset.s32 @!p0 $0xFFFFF086;
	s6 =	sadd.s32 @!p0 s3, s7;
	s7 =	simm.s32 @!p0 $0x108  }
0x21: {  	s3 =	sadd.s32 s3, s9;
	s6 =	sadd.s32 @!p0 $0x88, s6;
	s7 =	simm.s32 @p2 $0x1082  }
0x22: {  	[simem:s7], [sflag:s8] =	dma.local @!p0 [hbm:s6], $0xF7A  }
0x23: {  	s9 =	sor.u32 $0xD0000000, s2;
	s6 =	simm.s32 $0x108;
	_ =	swait.ge @!p0 [sflag:s8], $0x0  }
0x24: {  	s3 =	sadd.s32 $0x88, s3;
	s6 =	simm.s32 @!p1 $0x1082;
	[sflag:s4] =	ssyncset.s32 $0xFFFFF086  }
0x25: {  	[simem:s6], [sflag:s4] =	dma.local [hbm:s3], $0xF7A  }
0x26: {  	[smem:$0x3F99] =	sst s1;
	(tag) =	ssettag s2;
	_ =	strace s9  }
0x27: {  	s1 =	sld [smem:$0x3FA9]  }
0x28: {  	s2 =	sld [smem:$0x3FAA]  }
0x29: {  	s4 =	sld [smem:$0x3FAC]  }
0x2a: {  	p0 =	seq.s32 s5, $0x0;
	s5 =	sld [smem:$0x3FAD]  }
0x2b: {  	s6 =	sld [smem:$0x3FAE]  }
0x2c: {  	s7 =	sld [smem:$0x3FAF]  }
0x2d: {  	s3 =	simm.s32 $0x108;
	s8 =	sld [smem:$0x3FB0]  }
0x2e: {  	s3 =	simm.s32 @!p0 $0x1082;
	s9 =	sld [smem:$0x3FB1]  }
0x2f: {  	lr =	sadd.s32 s0, s3;
	s0 =	sld [smem:$0x3FA8]  }
0x30: {  	s3 =	sld [smem:$0x3FAB]  }
0x31: {  	[smem:$0x3FB4] =	sst s10  }
0x32: {  	s10 =	sld [smem:$0x3FB2];
	_ =	sdelay $0x3  }
0x33: {  	p0 =	seq.s32 s10, $0x1;
	s10 =	sld [smem:$0x3FB4];
	_ =	sdelay $0x3  }
0x34: {  	[smem:$0x3FB4] =	sst s10  }
0x35: {  	s10 =	sld [smem:$0x3FB3];
	_ =	sdelay $0x3  }
0x36: {  	p1 =	seq.s32 s10, $0x1;
	s10 =	sld [smem:$0x3FB4];
	_ =	sdelay $0x3  }
0x37: {  	[smem:$0x3FB4] =	sst s10  }
0x38: {  	s10 =	sld [smem:$0x3FB5]  }
0x39: {  	_ = 	snop;
	(pc) =	sbr.ind lr, $3  }
0x3a: {  	_ = 	snop  }
0x3b: {  	_ = 	snop  }
0x3c: {  	p2 =	seq.s32 s10, $0x1;
	s10 =	sld [smem:$0x3FB4]  }
0x3d: {  	_ =	shalt  }
0x3e: {  	_ =	shalt  }
0x3f: {  	_ =	shalt  }
0x40: {  	_ =	shalt  }
0x41: {  	_ =	shalt  }
0x42: {  	_ =	shalt  }
0x43: {  	_ =	shalt  }
0x44: {  	_ =	shalt  }
0x45: {  	_ =	shalt  }
0x46: {  	_ =	shalt  }
0x47: {  	_ =	shalt  }
0x48: {  	_ =	shalt  }
0x49: {  	_ =	shalt  }
0x4a: {  	_ =	shalt  }
0x4b: {  	_ =	shalt  }
0x4c: {  	_ =	shalt  }
0x4d: {  	_ =	shalt  }
0x4e: {  	_ =	shalt  }
0x4f: {  	_ =	shalt  }
0x50: {  	_ =	shalt  }
0x51: {  	_ =	shalt  }
0x52: {  	_ =	shalt  }
0x53: {  	_ =	shalt  }
0x54: {  	_ =	shalt  }
0x55: {  	_ =	shalt  }
0x56: {  	_ =	shalt  }
0x57: {  	_ =	shalt  }
0x58: {  	_ =	shalt  }
0x59: {  	_ =	shalt  }
0x5a: {  	_ =	shalt  }
0x5b: {  	_ =	shalt  }
0x5c: {  	_ =	shalt  }
0x5d: {  	_ =	shalt  }
0x5e: {  	_ =	shalt  }
0x5f: {  	_ =	shalt  }
0x60: {  	_ =	shalt  }
0x61: {  	_ =	shalt  }
0x62: {  	_ =	shalt  }
0x63: {  	_ =	shalt  }
0x64: {  	_ =	shalt  }
0x65: {  	_ =	shalt  }
0x66: {  	_ =	shalt  }
0x67: {  	_ =	shalt  }
0x68: {  	_ =	shalt  }
0x69: {  	_ =	shalt  }
0x6a: {  	_ =	shalt  }
0x6b: {  	_ =	shalt  }
0x6c: {  	_ =	shalt  }
0x6d: {  	_ =	shalt  }
0x6e: {  	_ =	shalt  }
0x6f: {  	_ =	shalt  }
0x70: {  	_ =	shalt  }
0x71: {  	_ =	shalt  }
0x72: {  	_ =	shalt  }
0x73: {  	_ =	shalt  }
0x74: {  	_ =	shalt  }
0x75: {  	_ =	shalt  }
0x76: {  	_ =	shalt  }
0x77: {  	_ =	shalt  }
0x78: {  	_ =	shalt  }
0x79: {  	_ =	shalt  }
0x7a: {  	_ =	shalt  }
0x7b: {  	_ =	shalt  }
0x7c: {  	_ =	shalt  }
0x7d: {  	_ =	shalt  }
0x7e: {  	_ =	shalt  }
0x7f: {  	_ =	shalt  }
0x80: {  	_ =	shalt  }
0x81: {  	_ =	shalt  }
0x82: {  	_ =	shalt  }
0x83: {  	_ =	shalt  }
0x84: {  	_ =	shalt  }
0x85: {  	_ =	shalt  }
0x86: {  	_ =	shalt  }
0x87: {  	_ =	shalt  }
.Lfunc_end0:
.L_simem_size_0:
called_computation.3_lowered:
.L_overlay_start_0:
0x88: {  	s2 =	sld [smem:$0x3FD9]  }
0x89: {  	s3 =	sld [smem:$0x3FFE];
	_ =	sdelay $0x1  }
0x8a: {  	s1 =	srdreg.scid  }
0x8b: {  	s0 =	sand.u32 $0x1, s1  }
0x8c: {  	s16 =	sshll.u32 s0, $0xA;
	s2 =	sadd.s32 s3, s2  }
0x8d: {  	s2 =	sadd.s32 s2, s16  }
0x8e: {  	[smem:$0x3FC0] =	sst s2  }
0x8f: {  	_ = 	snop  }
0x90: {  	(tm) =	ssettm $0x1  }
0x91: {  	s17 =	sld [smem:$0x3FFB];
	_ =	sdelay $0x3  }
0x92: {  	_ =	strace s17  }
0x93: {  	s2 =	sld [smem:$0x3FFC];
	_ =	sdelay $0x3  }
0x94: {  	_ =	strace s2  }
0x95: {  	s2 =	sld [smem:$0x3FFD];
	_ =	sdelay $0x3  }
0x96: {  	_ =	strace s2  }
0x97: {  	_ =	strace $0x8FFFFFFF  }
0x98: {  	s18 =	sld [smem:$0x3FDB];
	_ =	sdelay $0x1  }
0x99: {  	s19 =	simm.s32 $_scs_section_size  }
0x9a: {  	s4 =	simm.s32 $_size__tile_overlayer_lowered;
	s5 =	simm.s32 $_tile_overlayer_lowered  }
0x9b: {  	s22 =	simm.s32 $0x1BFF;
	s21 =	sshll.u32 s5, $0x1;
	s2 =	sadd.s32 s19, s18  }
0x9c: {  	s6 =	simm.s32 $0x0;
	s20 =	sshll.u32 s4, $0x1;
	s4 =	sadd.s32 s21, s2  }
0x9d: {  	[timem:s6], [sflag:s22] =	dma.local [hbm:s4], s20  }
0x9e: {  	_ =	swait.ge [sflag:s22], s20  }
0x9f: {  	s3 =	ssub.s32 $0x0, s20;
	[sflag:s22] =	ssyncset.done $0x0  }
0xa0: {  	[sflag:s22] =	ssyncadd.s32 s3;
	_ =	sdelay $0x1  }
0xa1: {  	s23 =	simm.s32 $0x1B8B  }
0xa2: {  	_ =	swait.ge [sflag:s23], $0x1  }
0xa3: {  	[sflag:s23] =	ssyncset.done $0x0  }
0xa4: {  	s25 =	simm.s32 $0x1B8E;
	s24 =	sld [smem:$0x3FFE];
	[sflag:s23] =	ssyncadd.s32 $0xFFFFFFFF  }
0xa5: {  	s26 =	simm.s32 $execute0_lowered;
	[smem:$0x3FD2] =	sst s25  }
0xa6: {  	s4 =	sshll.u32 s26, $0x1;
	_ =	strace $0x8000004F;
	[dreg:$0x1] =	wrdreg $0xFFFFFFFF  }
0xa7: {  	s28 =	simm.s32 $_size_execute0_lowered;
	s2 =	sadd.s32 s2, s4;
	[dreg:$0x0] =	wrdreg $0x0  }
0xa8: {  	s4 =	sshll.u32 s28, $0x1;
	[dreg:$0x2] =	wrdreg s2  }
0xa9: {  	[dreg:$0x3] =	wrdreg s4  }
0xaa: {  	[dreg:$0x4] =	wrdreg $0xC0  }
0xab: {  	_ =	task [dreg:s6], $0x5FFFF  }
0xac: {  	[dreg:$0x1] =	wrdreg $0xFFFFFFFF  }
0xad: {  	[dreg:$0x0] =	wrdreg $0x60  }
0xae: {  	[dreg:$0x2] =	wrdreg s24  }
0xaf: {  	[dreg:$0x3] =	wrdreg $0x95000  }
0xb0: {  	[dreg:$0x4] =	wrdreg $0x9  }
0xb1: {  	_ =	task.clear_ibuf [dreg:s6], $0x5FFFF;
	_ =	strace $0x9000004F  }
0xb2: {  	s29 =	simm.s32 $0x9;
	_ =	strace $0x80000051  }
0xb3: {  	_ =	swait.ge [sflag:s29], $0x1  }
0xb4: {  	[sflag:s29] =	ssyncadd.s32 $0xFFFFFFFF  }
0xb5: {  	_ =	strace $0x90000051  }
0xb6: {  	_ =	sfence  }
0xb7: {  	s30 =	sld [smem:$0x0];
	_ =	sdelay $0x2  }
0xb8: {  	s31 =	sshll.u32 s1, $0xD;
	s1 =	sshrl.u32 s1, $0x2  }
0xb9: {  	s3 =	sand.u32 $0x4000, s31;
	s1 =	sadd.s32 s1, s30  }
0xba: {  	s0 =	sor.u32 s3, s0;
	s1 =	sshll.u32 s1, $0x11  }
0xbb: {  	s0 =	sor.u32 s1, s0  }
0xbc: {  	s0 =	sadd.s32 $0x8F2B, s0  }
0xbd: {  	[sflag:s0] =	ssyncadd.remote.s32 $0x1  }
0xbe: {  	_ =	sfence.sel $0xFFFF  }
0xbf: {  	[dreg:$0x0] =	wrdreg $0xFFFFFFFF;
	(pc) =	sbr.abs _section_cstart, $3  }
0xc0: {  	[dreg:$0x1] =	wrdreg $0xFFFFFFFF  }
0xc1: {  	_ =	task.clear_ibuf [dreg:s6], $0x2FFFF;
	_ =	strace $0x9FFFFFFF  }
0xc2: {  	(tm) =	ssettm $0x7FFFFFFF  }
0xc3: {  	_ =	shalt  }
tec
execute0_lowered:
.L_overlay_start_1:
0x0: {  	(tag) =	ssettag $0x1  }
0x1: {  	s0 =	srdreg.scid  }
0x2: {  	s1 =	rddreg [dreg:$0x0];
	s9 =	stileid.u32  }
0x3: {  	s2 =	rddreg [dreg:$0x1];
	s3 =	simm.s32 $0x0;
	s15 =	simm.s32 $0x7  }
0x4: {  	s16 =	simm.s32 $0x1500;
	s17 =	simm.s32 $0x1400;
	s19 =	simm.s32 $0x1480  }
0x5: {  	s20 =	simm.s32 $0x5;
	s21 =	simm.s32 $0x7D;
	s6 =	smul.u32 $0x1400, s9  }
0x6: {  	s22 =	simm.s32 $0x6;
	s28 =	simm.s32 $0x4;
	s8 =	smul.u32 $0x14000, s9  }
0x7: {  	s31 =	simm.s32 $0x0;
	s0 =	sand.u32 $0x1, s0;
	s24 =	smul.u32 $0x50000, s9  }
0x8: {  	[smem:$0x7FF] =	sst s3;
	s4 =	sadd.s32 $0xDC00, s1;
	s5 =	smul.u32 $0x14000, s0  }
0x9: {  	s7 =	smul.u32 $0x140000, s0;
	_ =	strace $0x80000050;
	s0 =	ssub.s32 $0x2, s0  }
0xa: {  	s29 =	sshrl.u32 s0, $0x1;
	s30 =	sshrl.u32 s24, $0x2;
	s24 =	simm.s32 $0x1  }
0xb: {  	s5 =	sadd.s32 s6, s5;
	s23 =	sadd.s32 s8, s7;
	s0 =	ssub.s32 s0, s29  }
0xc: {  	s6 =	sadd.s32 s30, s2;
	s5 =	sshrl.u32 s5, $0x3;
	s26 =	sshrl.u32 s23, $0x3  }
0xd: {  	s7 =	sadd.s32 $0x13880, s6;
	s10 =	smax.u32 s0, $0x1;
	s11 =	sadd.s32 $0x3E80, s6  }
0xe: {  	s12 =	sadd.s32 $0x7D00, s6;
	s13 =	sadd.s32 $0xBB80, s6;
	s14 =	sadd.s32 $0xFA00, s6  }
0xf: {  	s23 =	simm.s32 $0x5500;
	s25 =	sadd.s32 s5, s1;
	s1 =	sadd.s32 s26, s1  }
0x10: {  	s26 =	simm.s32 $0x2;
	s5 =	sadd.s32 $0x8C00, s25;
	s8 =	sadd.s32 $0x3C00, s25  }
0x11: {  	v0 =	vimm.f32 $0.0e+00;
	s9 =	sadd.s32 $0x35C00, s1;
	s25 =	simm.s32 $0x3;
	s18 =	sadd.s32 $0x10, s8  }
.LBB2_1:
0x12: {  	[tilespmem:s3], [sflag:$0x7] =	stream.linear.gather [hbm4b:s5+s3], $0x1400, $0x38;
	[tilespmem:$0x1D500] =	vst v63  }
0x13: {  	_ =	swait.ge [sflag:s15], $0x1400  }
0x14: {  	[sflag:s15] =	ssyncset.done $0x0  }
0x15: {  	s0 =	simm.s32 $0x70;
	s1 =	simm.s32 $0x3C0;
	[sflag:s15] =	ssyncadd.s32 $0xFFFFEC00  }
.LBB2_2:
0x16: {  	p0 =	sne.s32 s1, $0xF9C0;
	[tilespmem:s0+$0x1500] =	vst v0  }
0x17: {  	[tilespmem:s0+$0x1490] =	vst v0  }
0x18: {  	[tilespmem:s0+$0x14A0] =	vst v0  }
.Ltmp0:
0x19: {  	[tilespmem:s0+$0x14B0] =	vst v0;
	(pc) =	sbr.rel @p0 .LBB2_2-.Ltmp0, $4  }
0x1a: {  	[tilespmem:s0+$0x14C0] =	vst v0  }
0x1b: {  	[tilespmem:s0+$0x14D0] =	vst v0  }
0x1c: {  	[tilespmem:s0+$0x14E0] =	vst v0  }
0x1d: {  	[tilespmem:s0+$0x14F0] =	vst v0;
	s0 =	sshra.s32 s1, $0x2;
	s1 =	sadd.s32 $0x200, s1  }
0x1e: {  	[tilespmem:s0+$0x1500] =	vst v0  }
0x1f: {  	[tilespmem:s0+$0x1490] =	vst v0  }
0x20: {  	[tilespmem:s0+$0x14A0] =	vst v0  }
0x21: {  	[tilespmem:s0+$0x14B0] =	vst v0  }
0x22: {  	[tilespmem:s0+$0x14C0] =	vst v0  }
0x23: {  	[tilespmem:s0+$0x14D0] =	vst v0  }
0x24: {  	[tilespmem:s0+$0x14E0] =	vst v0  }
0x25: {  	[tilespmem:s0+$0x14F0] =	vst v0  }
0x26: {  	[spmem:s6] =	stream.linear.scatter [tilespmem:s16], [sflag:$0x7], $0x3E80, $0x38;
	[tilespmem:$0x1D500] =	vst v63  }
0x27: {  	_ =	swait.ge [sflag:s15], $0x3E80  }
0x28: {  	[sflag:s15] =	ssyncset.done $0x0  }
0x29: {  	[sflag:s15] =	ssyncadd.s32 $0xFFFFC180  }
0x2a: {  	[spmem:s11] =	stream.linear.scatter [tilespmem:s16], [sflag:$0x7], $0x3E80, $0x38;
	[tilespmem:$0x1D500] =	vst v63  }
0x2b: {  	_ =	swait.ge [sflag:s15], $0x3E80  }
0x2c: {  	[sflag:s15] =	ssyncset.done $0x0  }
0x2d: {  	[sflag:s15] =	ssyncadd.s32 $0xFFFFC180  }
0x2e: {  	[spmem:s12] =	stream.linear.scatter [tilespmem:s16], [sflag:$0x7], $0x3E80, $0x38;
	[tilespmem:$0x1D500] =	vst v63  }
0x2f: {  	_ =	swait.ge [sflag:s15], $0x3E80  }
0x30: {  	[sflag:s15] =	ssyncset.done $0x0  }
0x31: {  	[sflag:s15] =	ssyncadd.s32 $0xFFFFC180  }
0x32: {  	[spmem:s13] =	stream.linear.scatter [tilespmem:s16], [sflag:$0x7], $0x3E80, $0x38;
	[tilespmem:$0x1D500] =	vst v63  }
0x33: {  	_ =	swait.ge [sflag:s15], $0x3E80  }
0x34: {  	[sflag:s15] =	ssyncset.done $0x0  }
0x35: {  	[sflag:s15] =	ssyncadd.s32 $0xFFFFC180  }
0x36: {  	[spmem:s14] =	stream.linear.scatter [tilespmem:s16], [sflag:$0x7], $0x3E80, $0x38;
	[tilespmem:$0x1D500] =	vst v63  }
0x37: {  	_ =	swait.ge [sflag:s15], $0x3E80  }
0x38: {  	[sflag:s15] =	ssyncset.done $0x0  }
0x39: {  	[sflag:s15] =	ssyncadd.s32 $0xFFFFC180  }
0x3a: {  	[spmem:s7] =	stream.linear.scatter [tilespmem:s16], [sflag:$0x7], $0x780, $0x38;
	[tilespmem:$0x1D500] =	vst v63  }
0x3b: {  	_ =	swait.ge [sflag:s15], $0x780  }
0x3c: {  	[sflag:s15] =	ssyncset.done $0x0  }
0x3d: {  	[sflag:s15] =	ssyncadd.s32 $0xFFFFF880  }
0x3e: {  	s1 =	simm.s32 $0x0;
	[bflag:$0x0] =	sbarrier.arrive $0xFFFF  }
0x3f: {  	[tilespmem:s17], [sflag:$0x5] =	stream.linear.gather [hbm4b:s8+s1], $0x80, $0x38;
	[tilespmem:$0x1D500] =	vst v63  }
0x40: {  	_ = 	snop  }
0x41: {  	[tilespmem:s19], [sflag:$0x6] =	stream.linear.gather [hbm4b:s18+s1], $0x80, $0x38;
	[tilespmem:$0x1D500] =	vst v63  }
0x42: {  	_ =	swait.ge [sflag:s20], $0x80  }
0x43: {  	[sflag:s20] =	ssyncset.done $0x0  }
0x44: {  	[sflag:s20] =	ssyncadd.s32 $0xFFFFFF80  }
0x45: {  	[tilespmem:s16], [sflag:$0x1] =	stream.indirect.gather [hbm4b:s4+s21], $0x80, s17, s21, $0xb8;
	[tilespmem:$0x1D500] =	vst v63  }
0x46: {  	_ =	swait.ge [sflag:s22], $0x80  }
0x47: {  	[sflag:s22] =	ssyncset.done $0x0  }
0x48: {  	[sflag:s22] =	ssyncadd.s32 $0xFFFFFF80  }
0x49: {  	[tilespmem:s23], [sflag:$0x2] =	stream.indirect.gather [hbm4b:s4+s21], $0x80, s19, s21, $0xb8;
	[tilespmem:$0x1D500] =	vst v63  }
0x4a: {  	_ =	swait.ge [sflag:s24], $0x3E80  }
0x4b: {  	[sflag:s24] =	ssyncset.done $0x0  }
0x4c: {  	s0 =	sadd.s32 $0x20, s8;
	[sflag:s24] =	ssyncadd.s32 $0xFFFFC180  }
0x4d: {  	[tilespmem:s17], [sflag:$0x5] =	stream.linear.gather [hbm4b:s0+s3], $0x80, $0x38;
	[tilespmem:$0x1D500] =	vst v63  }
0x4e: {  	s1 =	simm.s32 $0x0  }
0x4f: {  	[spmem:s2] =	stream.indirect.scatter.add.f32 [tilespmem:s16], [sflag:$0x3], $0x80, s1, s21, $0xb8;
	[tilespmem:$0x1D500] =	vst v63  }
0x50: {  	_ =	swait.ge [sflag:s25], $0x3E80  }
0x51: {  	[sflag:s25] =	ssyncset.done $0x0  }
0x52: {  	[sflag:s25] =	ssyncadd.s32 $0xFFFFC180  }
0x53: {  	_ =	swait.ge [sflag:s20], $0x80  }
0x54: {  	[sflag:s20] =	ssyncset.done $0x0  }
0x55: {  	[sflag:s20] =	ssyncadd.s32 $0xFFFFFF80  }
0x56: {  	[tilespmem:s16], [sflag:$0x1] =	stream.indirect.gather [hbm4b:s4+s21], $0x80, s17, s21, $0xb8;
	[tilespmem:$0x1D500] =	vst v63  }
0x57: {  	_ =	swait.ge [sflag:s26], $0x3E80  }
0x58: {  	[sflag:s26] =	ssyncset.done $0x0  }
0x59: {  	s29 =	sadd.s32 $0x10, s0;
	[sflag:s26] =	ssyncadd.s32 $0xFFFFC180  }
0x5a: {  	[tilespmem:s19], [sflag:$0x6] =	stream.linear.gather [hbm4b:s29+s3], $0x80, $0x38;
	[tilespmem:$0x1D500] =	vst v63  }
0x5b: {  	s30 =	simm.s32 $0x80  }
0x5c: {  	[spmem:s2] =	stream.indirect.scatter.add.f32 [tilespmem:s23], [sflag:$0x4], $0x80, s30, s21, $0xb8;
	[tilespmem:$0x1D500] =	vst v63  }
0x5d: {  	_ =	swait.ge [sflag:s28], $0x3E80  }
0x5e: {  	[sflag:s28] =	ssyncset.done $0x0  }
0x5f: {  	[sflag:s28] =	ssyncadd.s32 $0xFFFFC180  }
0x60: {  	_ =	swait.ge [sflag:s22], $0x80  }
0x61: {  	[sflag:s22] =	ssyncset.done $0x0  }
0x62: {  	s0 =	sadd.s32 $0x20, s0;
	s1 =	simm.s32 $0x400;
	[sflag:s22] =	ssyncadd.s32 $0xFFFFFF80  }
.LBB2_4:
0x63: {  	[tilespmem:s23], [sflag:$0x2] =	stream.indirect.gather [hbm4b:s4+s21], $0x80, s19, s21, $0xb8;
	[tilespmem:$0x1D500] =	vst v63  }
0x64: {  	s29 =	smov.u32 s1  }
0x65: {  	p0 =	sne.s32 s1, $0x4800;
	s1 =	sadd.s32 $0x400, s1;
	_ =	swait.ge [sflag:s24], $0x3E80  }
0x66: {  	[sflag:s24] =	ssyncset.done $0x0  }
0x67: {  	[sflag:s24] =	ssyncadd.s32 $0xFFFFC180  }
0x68: {  	[tilespmem:s17], [sflag:$0x5] =	stream.linear.gather [hbm4b:s0+s3], $0x80, $0x38;
	[tilespmem:$0x1D500] =	vst v63  }
0x69: {  	s29 =	sshra.s32 s29, $0x2  }
0x6a: {  	[spmem:s2] =	stream.indirect.scatter.add.f32 [tilespmem:s16], [sflag:$0x3], $0x80, s29, s21, $0xb8;
	[tilespmem:$0x1D500] =	vst v63  }
0x6b: {  	_ =	swait.ge [sflag:s25], $0x3E80  }
0x6c: {  	[sflag:s25] =	ssyncset.done $0x0  }
0x6d: {  	[sflag:s25] =	ssyncadd.s32 $0xFFFFC180  }
0x6e: {  	_ =	swait.ge [sflag:s20], $0x80  }
0x6f: {  	[sflag:s20] =	ssyncset.done $0x0  }
0x70: {  	[sflag:s20] =	ssyncadd.s32 $0xFFFFFF80  }
0x71: {  	[tilespmem:s16], [sflag:$0x1] =	stream.indirect.gather [hbm4b:s4+s21], $0x80, s17, s21, $0xb8;
	[tilespmem:$0x1D500] =	vst v63  }
0x72: {  	_ =	swait.ge [sflag:s26], $0x3E80  }
0x73: {  	[sflag:s26] =	ssyncset.done $0x0  }
0x74: {  	s30 =	sadd.s32 $0x10, s0;
	[sflag:s26] =	ssyncadd.s32 $0xFFFFC180  }
0x75: {  	[tilespmem:s19], [sflag:$0x6] =	stream.linear.gather [hbm4b:s30+s3], $0x80, $0x38;
	[tilespmem:$0x1D500] =	vst v63  }
0x76: {  	s29 =	sadd.s32 $0x80, s29  }
0x77: {  	[spmem:s2] =	stream.indirect.scatter.add.f32 [tilespmem:s23], [sflag:$0x4], $0x80, s29, s21, $0xb8;
	[tilespmem:$0x1D500] =	vst v63  }
0x78: {  	_ =	swait.ge [sflag:s28], $0x3E80  }
.Ltmp1:
0x79: {  	[sflag:s28] =	ssyncset.done $0x0;
	(pc) =	sbr.rel @p0 .LBB2_4-.Ltmp1, $4  }
0x7a: {  	[sflag:s28] =	ssyncadd.s32 $0xFFFFC180  }
0x7b: {  	_ =	swait.ge [sflag:s22], $0x80  }
0x7c: {  	[sflag:s22] =	ssyncset.done $0x0  }
0x7d: {  	s0 =	sadd.s32 $0x20, s0;
	[sflag:s22] =	ssyncadd.s32 $0xFFFFFF80  }
0x7e: {  	[tilespmem:s23], [sflag:$0x2] =	stream.indirect.gather [hbm4b:s4+s21], $0x80, s19, s21, $0xb8;
	[tilespmem:$0x1D500] =	vst v63  }
0x7f: {  	_ =	swait.ge [sflag:s24], $0x3E80  }
0x80: {  	[sflag:s24] =	ssyncset.done $0x0  }
0x81: {  	s0 =	simm.s32 $0x1300;
	[sflag:s24] =	ssyncadd.s32 $0xFFFFC180  }
0x82: {  	[spmem:s2] =	stream.indirect.scatter.add.f32 [tilespmem:s16], [sflag:$0x3], $0x80, s0, s21, $0xb8;
	[tilespmem:$0x1D500] =	vst v63  }
0x83: {  	_ =	swait.ge [sflag:s25], $0x3E80  }
0x84: {  	[sflag:s25] =	ssyncset.done $0x0  }
0x85: {  	[sflag:s25] =	ssyncadd.s32 $0xFFFFC180  }
0x86: {  	_ =	swait.ge [sflag:s26], $0x3E80  }
0x87: {  	[sflag:s26] =	ssyncset.done $0x0  }
0x88: {  	s29 =	simm.s32 $0x1380;
	[sflag:s26] =	ssyncadd.s32 $0xFFFFC180  }
0x89: {  	[spmem:s2] =	stream.indirect.scatter.add.f32 [tilespmem:s23], [sflag:$0x4], $0x80, s29, s21, $0xb8;
	[tilespmem:$0x1D500] =	vst v63  }
0x8a: {  	s30 =	stileid.u32;
	_ =	swait.ge [sflag:s28], $0x3E80  }
0x8b: {  	s1 =	sshrl.u32 s6, $0x3;
	s31 =	sadd.s32 $0x1, s31;
	[sflag:s28] =	ssyncset.done $0x0  }
0x8c: {  	p0 =	sne.s32 s31, s10;
	s0 =	sshll.u32 s30, $0x6;
	[sflag:s28] =	ssyncadd.s32 $0xFFFFC180  }
.Ltmp2:
0x8d: {  	s0 =	sor.u32 $0x1C07, s0;
	[bflag:$0x0] =	sbarrier.arrive $0xFFFF;
	(pc) =	sbr.rel @p0 .LBB2_1-.Ltmp2, $4  }
0x8e: {  	[hbm:s9], [sflag:s0] =	dma.local [spmem:s1], $0x2800  }
0x8f: {  	_ =	swait.ge [sflag:s15], $0x2800  }
0x90: {  	[sflag:s15] =	ssyncset.done $0x0  }
0x91: {  	[sflag:s15] =	ssyncadd.s32 $0xFFFFD800  }
0x92: {  	_ =	sfence.sel $0x180000  }
0x93: {  	[bflag:$0x0] =	sbarrier.arrive $0xFFFF  }
0x94: {  	_ =	strace $0x90000050  }
0x95: {  	s0 =	stileid.u32;
	[bflag:$0x2] =	sbarrier.arrive $0xFFFF  }
0x96: {  	p0 =	sne.s32 s0, $0x0;
	s0 =	rddreg [dreg:$0x2]  }
0x97: {  	s0 =	sadd.s32 @!p0 $0x100000, s0  }
0x98: {  	[sflag:s0] =	ssyncadd.tile.s32 @!p0 $0x1;
	_ =	shalt  }
.Lfunc_end2:
_tile_overlayer_lowered:
.L_overlay_start_2:
0x99: {  	(tag) =	ssettag $0x2  }
0x9a: {  	s0 =	rddreg [dreg:$0x0];
	s2 =	stileid.u32  }
0x9b: {  	s1 =	rddreg [dreg:$0x1];
	p0 =	sne.s32 s2, $0x0  }
0x9c: {  	s3 =	rddreg [dreg:$0x2];
	[bflag:$0x3] =	sbarrier.arrive $0xFFFF;
	s2 =	simm.s32 @!p0 $0x1C07  }
0x9d: {  	[timem:s3], [sflag:s2] =	dma.local @!p0 [hbm:s0], s1  }
0x9e: {  	s0 =	simm.s32 @!p0 $0x7  }
0x9f: {  	_ =	swait.ge @!p0 [sflag:s0], s1  }
0xa0: {  	s1 =	ssub.s32 @!p0 $0x0, s1;
	[sflag:s0] =	ssyncset.done @!p0 $0x0  }
0xa1: {  	[sflag:s0] =	ssyncadd.s32 @!p0 s1  }
0xa2: {  	[bflag:$0x3] =	sbarrier.arrive $0xFFFF  }
0xa3: {  	_ =	shalt  }

</sc_bundles>
